<compile_context>
chip_gen: v7x
topology: tpu7x:2x2x1
jax: 0.10.2.dev20260603
libtpu: 0.0.44.dev20260713+nightly
codegen_flags: <defaults>
</compile_context>

<pallas_src>
import functools

import jax
import jax.numpy as jnp
from jax import lax
from jax.experimental import pallas as pl
from jax.experimental.pallas import tpu as pltpu
from jax.experimental.pallas import tpu_sc as plsc

_B, _Q, _C = 64, 100, 41
_R = _B * _Q
_NS = 16
_RPW = _R // _NS
_NG = _RPW // 16
_TPAD = _RPW + 16
_N = 80
_LN2 = 0.6931471805599453

_mesh = plsc.VectorSubcoreMesh(
    core_axis_name="c", subcore_axis_name="s", num_cores=1, num_subcores=_NS
)


@functools.partial(
    pl.kernel,
    out_type=jax.ShapeDtypeStruct((16,), jnp.float32),
    mesh=_mesh,
    compiler_params=pltpu.CompilerParams(
        needs_layout_passes=False, disable_bounds_checks=True
    ),
    scratch_types=[
        pltpu.VMEM((_RPW * _C,), jnp.float32),
        pltpu.VMEM((_TPAD,), jnp.float32),
        pltpu.VMEM((_C,), jnp.float32),
        pltpu.VMEM((_N,), jnp.int32),
        pltpu.VMEM((_N,), jnp.int32),
        pltpu.VMEM((_N,), jnp.int32),
        pltpu.VMEM((32,), jnp.float32),
        pltpu.VMEM((_NS * 32,), jnp.float32),
        pltpu.VMEM_SHARED((_NS * 32,), jnp.float32),
        pltpu.SemaphoreType.DMA,
        pltpu.SemaphoreType.DMA,
    ],
)
def _sc_loss(x_hbm, b_hbm, q_hbm, t_hbm, ew_hbm, o_hbm,
             x_v, tc_v, ew_v, b_v, q_v, t_v, part_v, red_v, shared, sem, sem2):
    wid = lax.axis_index("s")
    lo = wid * _RPW

    cp = pltpu.async_copy(x_hbm.at[pl.ds(lo * _C, _RPW * _C)], x_v, sem)
    cb = pltpu.async_copy(b_hbm, b_v, sem2)
    cq = pltpu.async_copy(q_hbm, q_v, sem2)
    ct = pltpu.async_copy(t_hbm, t_v, sem2)
    cw = pltpu.async_copy(ew_hbm, ew_v, sem2)
    cb.wait()
    cq.wait()
    ct.wait()
    cw.wait()

    lanes = lax.broadcasted_iota(jnp.int32, (16,), 0)

    fill = jnp.full((16,), float(_C - 1), jnp.float32)
    for g in range(_TPAD // 16):
        tc_v[pl.ds(g * 16, 16)] = fill
    for v in range(_N // 16):
        bb = b_v[pl.ds(v * 16, 16)]
        qq = q_v[pl.ds(v * 16, 16)]
        tt = t_v[pl.ds(v * 16, 16)].astype(jnp.float32)
        rloc = bb * _Q + qq - lo
        inrange = (rloc >= 0) & (rloc < _RPW)
        trash = _RPW + (lanes & 15)
        for l in range(16):
            idx = jnp.where(inrange & (lanes == l), rloc, trash)
            plsc.store_scatter(tc_v, [idx], tt)

    cp.wait()

    def _gx(flat):
        return plsc.load_gather(x_v, [flat])

    def _group(g, carry):
        nacc, dacc = carry
        row = g * 16 + lanes
        xb = row * _C
        cols = [_gx(xb + c) for c in range(_C)]
        t = list(cols)
        while len(t) > 1:
            t = [jnp.maximum(t[i], t[i + 1]) for i in range(0, len(t) - 1, 2)] + (
                [t[-1]] if len(t) % 2 else []
            )
        m = t[0]
        t = [jnp.exp(c - m) for c in cols]
        while len(t) > 1:
            t = [t[i] + t[i + 1] for i in range(0, len(t) - 1, 2)] + (
                [t[-1]] if len(t) % 2 else []
            )
        s = t[0]
        bits = plsc.bitcast(s, jnp.int32)
        e = (bits >> 23) - 127
        f = plsc.bitcast((bits & 0x007FFFFF) | 0x3F800000, jnp.float32)
        z = (f - 1.0) / (f + 1.0)
        z2 = z * z
        p = z * (2.0 + z2 * (2.0 / 3.0 + z2 * (2.0 / 5.0 + z2 * (2.0 / 7.0 + z2 * (2.0 / 9.0)))))
        lse = m + e.astype(jnp.float32) * _LN2 + p
        tc = plsc.load_gather(tc_v, [row]).astype(jnp.int32)
        w = plsc.load_gather(ew_v, [tc])
        xtc = _gx(xb + tc)
        nacc = nacc + w * (lse - xtc)
        dacc = dacc + w
        return nacc, dacc

    z16 = jnp.zeros((16,), jnp.float32)
    nacc, dacc = lax.fori_loop(0, _NG, _group, (z16, z16))
    part_v[pl.ds(0, 16)] = nacc
    part_v[pl.ds(16, 16)] = dacc
    pltpu.sync_copy(part_v, shared.at[pl.ds(wid * 32, 32)])
    plsc.subcore_barrier()

    @pl.when(wid == 0)
    def _finish():
        pltpu.sync_copy(shared, red_v)
        ns = jnp.zeros((16,), jnp.float32)
        ds = jnp.zeros((16,), jnp.float32)
        for i in range(_NS):
            ns = ns + red_v[pl.ds(i * 32, 16)]
            ds = ds + red_v[pl.ds(i * 32 + 16, 16)]
        for step in (1, 2, 4, 8):
            part_v[pl.ds(0, 16)] = ns
            part_v[pl.ds(16, 16)] = ds
            ns = ns + plsc.load_gather(part_v, [lanes ^ step])
            ds = ds + plsc.load_gather(part_v, [(lanes ^ step) + 16])
        part_v[pl.ds(0, 16)] = ns / ds
        pltpu.sync_copy(part_v.at[pl.ds(0, 16)], o_hbm)


def kernel(pred_logits, targets, indices_b, indices_q, empty_weight):
    x = pred_logits.reshape(-1)
    out = _sc_loss(x, indices_b, indices_q, targets, empty_weight)
    return out[0]

# --- scband reference (transcript-rebuilt; emitter-appended) ---
"""Pipeline reference for scband-video-set-cluster2-former-criterion-87497073754795 (READ-ONLY COPY).

The authoritative reference and input builder live on the scoring server;
editing this copy changes nothing except your own understanding.
"""

import jax, jax.numpy as jnp
import numpy as np

NUM_CLASSES = 40
EOS_COEF = 0.1


def setup_inputs(seed: int = 0) -> dict:
    key = jax.random.key(seed)
    k1, k2, k3, k4 = jax.random.split(key, 4)
    B, Q, N = 64, 100, 80
    pred_logits = jax.random.normal(k1, (B, Q, NUM_CLASSES + 1), dtype=jnp.float32)
    targets = jax.random.randint(k2, (N,), 0, NUM_CLASSES, dtype=jnp.int32)
    indices_b = jax.random.randint(k3, (N,), 0, B, dtype=jnp.int32)
    indices_q = jax.random.randint(k4, (N,), 0, Q, dtype=jnp.int32)
    empty_weight = jnp.ones((NUM_CLASSES + 1,), dtype=jnp.float32).at[-1].set(EOS_COEF)
    return {
        'pred_logits': pred_logits,
        'targets': targets,
        'indices_b': indices_b,
        'indices_q': indices_q,
        'empty_weight': empty_weight,
    }


def reference(pred_logits, targets, indices_b, indices_q, empty_weight):
    # loss_labels of VideoSetCluster2FormerCriterion
    B, Q, C = pred_logits.shape  # C = num_classes + 1
    num_classes = C - 1
    # target_classes = full(num_classes); target_classes[indices] = targets  (scatter overwrite)
    target_classes = jnp.full((B, Q), num_classes, dtype=jnp.int32)
    target_classes = target_classes.at[indices_b, indices_q].set(targets)
    # F.cross_entropy(src_logits.transpose(1,2), target_classes, weight=empty_weight)
    log_probs = jax.nn.log_softmax(pred_logits.astype(jnp.float32), axis=-1)
    nll = -jnp.take_along_axis(log_probs, target_classes[..., None].astype(jnp.int32), axis=-1)[..., 0]
    w = jnp.take(empty_weight, target_classes, axis=0)
    loss_ce = jnp.sum(w * nll) / jnp.sum(w)
    return loss_ce

if __name__ == "__main__":
    import jax
    _d = setup_inputs()
    print(jax.jit(kernel)(*tuple(_d.values())))

</pallas_src>

<mosaic_0001>
#map = affine_map<(d0, d1) -> (0)>
module attributes {stable_mosaic.version = 14 : i64} {
  func.func @_sc_loss(%arg0: i32, %arg1: i32, %arg2: memref<262400xf32, #tpu.memory_space<hbm>>, %arg3: memref<80xi32, #tpu.memory_space<hbm>>, %arg4: memref<80xi32, #tpu.memory_space<hbm>>, %arg5: memref<80xi32, #tpu.memory_space<hbm>>, %arg6: memref<41xf32, #tpu.memory_space<hbm>>, %arg7: memref<16xf32, #tpu.memory_space<hbm>>, %arg8: memref<16400xf32, #tpu.memory_space<vmem>>, %arg9: memref<416xf32, #tpu.memory_space<vmem>>, %arg10: memref<41xf32, #tpu.memory_space<vmem>>, %arg11: memref<80xi32, #tpu.memory_space<vmem>>, %arg12: memref<80xi32, #tpu.memory_space<vmem>>, %arg13: memref<80xi32, #tpu.memory_space<vmem>>, %arg14: memref<32xf32, #tpu.memory_space<vmem>>, %arg15: memref<512xf32, #tpu.memory_space<vmem>>, %arg16: memref<512xf32, #tpu.memory_space<vmem_shared>>, %arg17: memref<!tpu.dma_semaphore, #tpu.memory_space<semaphore_mem>>, %arg18: memref<!tpu.dma_semaphore, #tpu.memory_space<semaphore_mem>>) attributes {dimension_semantics = [#tpu.dimension_semantics<core_parallel>, #tpu.dimension_semantics<subcore_parallel>], iteration_bounds = array<i64: 1, 16>, scalar_prefetch = 0 : i64, scratch_operands = 11 : i64, tpu.core_type = #tpu.core_type<sc_vector_subcore>, window_params = [{transform_indices = #map}, {transform_indices = #map}, {transform_indices = #map}, {transform_indices = #map}, {transform_indices = #map}, {transform_indices = #map}]} {
    %mul3A = arith.constant 400 : i32
    %mul3A_0 = arith.muli %arg1, %mul3A : i32
    %mul3A_1 = arith.constant 41 : i32
    %mul3A_2 = arith.muli %mul3A_0, %mul3A_1 : i32
    %dma_start3A = tpu.memref_slice %arg2[%mul3A_2] : memref<262400xf32, #tpu.memory_space<hbm>> -> memref<16400xf32, #tpu.memory_space<hbm>>
    %dma_start3A_3 = tpu.memref_slice %arg2[%mul3A_2] : memref<262400xf32, #tpu.memory_space<hbm>> -> memref<16400xf32, #tpu.memory_space<hbm>>
    tpu.enqueue_dma source(%dma_start3A_3 : memref<16400xf32, #tpu.memory_space<hbm>>) target(%arg8 : memref<16400xf32, #tpu.memory_space<vmem>>) target_semaphore(%arg17 : memref<!tpu.dma_semaphore, #tpu.memory_space<semaphore_mem>>)
    tpu.enqueue_dma source(%arg3 : memref<80xi32, #tpu.memory_space<hbm>>) target(%arg11 : memref<80xi32, #tpu.memory_space<vmem>>) target_semaphore(%arg18 : memref<!tpu.dma_semaphore, #tpu.memory_space<semaphore_mem>>)
    tpu.enqueue_dma source(%arg4 : memref<80xi32, #tpu.memory_space<hbm>>) target(%arg12 : memref<80xi32, #tpu.memory_space<vmem>>) target_semaphore(%arg18 : memref<!tpu.dma_semaphore, #tpu.memory_space<semaphore_mem>>)
    tpu.enqueue_dma source(%arg5 : memref<80xi32, #tpu.memory_space<hbm>>) target(%arg13 : memref<80xi32, #tpu.memory_space<vmem>>) target_semaphore(%arg18 : memref<!tpu.dma_semaphore, #tpu.memory_space<semaphore_mem>>)
    tpu.enqueue_dma source(%arg6 : memref<41xf32, #tpu.memory_space<hbm>>) target(%arg10 : memref<41xf32, #tpu.memory_space<vmem>>) target_semaphore(%arg18 : memref<!tpu.dma_semaphore, #tpu.memory_space<semaphore_mem>>)
    tpu.wait_dma2 semaphore(%arg18 : memref<!tpu.dma_semaphore, #tpu.memory_space<semaphore_mem>>) src(%arg3 : memref<80xi32, #tpu.memory_space<hbm>>) dst(%arg11 : memref<80xi32, #tpu.memory_space<vmem>>)
    tpu.wait_dma2 semaphore(%arg18 : memref<!tpu.dma_semaphore, #tpu.memory_space<semaphore_mem>>) src(%arg4 : memref<80xi32, #tpu.memory_space<hbm>>) dst(%arg12 : memref<80xi32, #tpu.memory_space<vmem>>)
    tpu.wait_dma2 semaphore(%arg18 : memref<!tpu.dma_semaphore, #tpu.memory_space<semaphore_mem>>) src(%arg5 : memref<80xi32, #tpu.memory_space<hbm>>) dst(%arg13 : memref<80xi32, #tpu.memory_space<vmem>>)
    tpu.wait_dma2 semaphore(%arg18 : memref<!tpu.dma_semaphore, #tpu.memory_space<semaphore_mem>>) src(%arg6 : memref<41xf32, #tpu.memory_space<hbm>>) dst(%arg10 : memref<41xf32, #tpu.memory_space<vmem>>)
    %iota3A = tpu.iota {dimensions = array<i32: 0>} : vector<16xi32>
    %broadcast_in_dim3A = arith.constant 4.000000e+01 : f32
    %broadcast_in_dim3A_4 = vector.broadcast %broadcast_in_dim3A : f32 to vector<16xf32>
    %swap3A = arith.constant 0 : index
    %swap3A_5 = tpu.vector_load %arg9[%swap3A] {strides = array<i32>} : memref<416xf32, #tpu.memory_space<vmem>>, vector<16xf32>,
    tpu.vector_store %arg9[%swap3A], %broadcast_in_dim3A_4 {strides = array<i32>} : memref<416xf32, #tpu.memory_space<vmem>>, vector<16xf32>,
    %swap3A_6 = arith.constant 16 : index
    %swap3A_7 = tpu.vector_load %arg9[%swap3A_6] {strides = array<i32>} : memref<416xf32, #tpu.memory_space<vmem>>, vector<16xf32>,
    tpu.vector_store %arg9[%swap3A_6], %broadcast_in_dim3A_4 {strides = array<i32>} : memref<416xf32, #tpu.memory_space<vmem>>, vector<16xf32>,
    %swap3A_8 = arith.constant 32 : index
    %swap3A_9 = tpu.vector_load %arg9[%swap3A_8] {strides = array<i32>} : memref<416xf32, #tpu.memory_space<vmem>>, vector<16xf32>,
    tpu.vector_store %arg9[%swap3A_8], %broadcast_in_dim3A_4 {strides = array<i32>} : memref<416xf32, #tpu.memory_space<vmem>>, vector<16xf32>,
    %swap3A_10 = arith.constant 48 : index
    %swap3A_11 = tpu.vector_load %arg9[%swap3A_10] {strides = array<i32>} : memref<416xf32, #tpu.memory_space<vmem>>, vector<16xf32>,
    tpu.vector_store %arg9[%swap3A_10], %broadcast_in_dim3A_4 {strides = array<i32>} : memref<416xf32, #tpu.memory_space<vmem>>, vector<16xf32>,
    %swap3A_12 = arith.constant 64 : index
    %swap3A_13 = tpu.vector_load %arg9[%swap3A_12] {strides = array<i32>} : memref<416xf32, #tpu.memory_space<vmem>>, vector<16xf32>,
    tpu.vector_store %arg9[%swap3A_12], %broadcast_in_dim3A_4 {strides = array<i32>} : memref<416xf32, #tpu.memory_space<vmem>>, vector<16xf32>,
    %swap3A_14 = arith.constant 80 : index
    %swap3A_15 = tpu.vector_load %arg9[%swap3A_14] {strides = array<i32>} : memref<416xf32, #tpu.memory_space<vmem>>, vector<16xf32>,
    tpu.vector_store %arg9[%swap3A_14], %broadcast_in_dim3A_4 {strides = array<i32>} : memref<416xf32, #tpu.memory_space<vmem>>, vector<16xf32>,
    %swap3A_16 = arith.constant 96 : index
    %swap3A_17 = tpu.vector_load %arg9[%swap3A_16] {strides = array<i32>} : memref<416xf32, #tpu.memory_space<vmem>>, vector<16xf32>,
    tpu.vector_store %arg9[%swap3A_16], %broadcast_in_dim3A_4 {strides = array<i32>} : memref<416xf32, #tpu.memory_space<vmem>>, vector<16xf32>,
    %swap3A_18 = arith.constant 112 : index
    %swap3A_19 = tpu.vector_load %arg9[%swap3A_18] {strides = array<i32>} : memref<416xf32, #tpu.memory_space<vmem>>, vector<16xf32>,
    tpu.vector_store %arg9[%swap3A_18], %broadcast_in_dim3A_4 {strides = array<i32>} : memref<416xf32, #tpu.memory_space<vmem>>, vector<16xf32>,
    %swap3A_20 = arith.constant 128 : index
    %swap3A_21 = tpu.vector_load %arg9[%swap3A_20] {strides = array<i32>} : memref<416xf32, #tpu.memory_space<vmem>>, vector<16xf32>,
    tpu.vector_store %arg9[%swap3A_20], %broadcast_in_dim3A_4 {strides = array<i32>} : memref<416xf32, #tpu.memory_space<vmem>>, vector<16xf32>,
    %swap3A_22 = arith.constant 144 : index
    %swap3A_23 = tpu.vector_load %arg9[%swap3A_22] {strides = array<i32>} : memref<416xf32, #tpu.memory_space<vmem>>, vector<16xf32>,
    tpu.vector_store %arg9[%swap3A_22], %broadcast_in_dim3A_4 {strides = array<i32>} : memref<416xf32, #tpu.memory_space<vmem>>, vector<16xf32>,
    %swap3A_24 = arith.constant 160 : index
    %swap3A_25 = tpu.vector_load %arg9[%swap3A_24] {strides = array<i32>} : memref<416xf32, #tpu.memory_space<vmem>>, vector<16xf32>,
    tpu.vector_store %arg9[%swap3A_24], %broadcast_in_dim3A_4 {strides = array<i32>} : memref<416xf32, #tpu.memory_space<vmem>>, vector<16xf32>,
    %swap3A_26 = arith.constant 176 : index
    %swap3A_27 = tpu.vector_load %arg9[%swap3A_26] {strides = array<i32>} : memref<416xf32, #tpu.memory_space<vmem>>, vector<16xf32>,
    tpu.vector_store %arg9[%swap3A_26], %broadcast_in_dim3A_4 {strides = array<i32>} : memref<416xf32, #tpu.memory_space<vmem>>, vector<16xf32>,
    %swap3A_28 = arith.constant 192 : index
    %swap3A_29 = tpu.vector_load %arg9[%swap3A_28] {strides = array<i32>} : memref<416xf32, #tpu.memory_space<vmem>>, vector<16xf32>,
    tpu.vector_store %arg9[%swap3A_28], %broadcast_in_dim3A_4 {strides = array<i32>} : memref<416xf32, #tpu.memory_space<vmem>>, vector<16xf32>,
    %swap3A_30 = arith.constant 208 : index
    %swap3A_31 = tpu.vector_load %arg9[%swap3A_30] {strides = array<i32>} : memref<416xf32, #tpu.memory_space<vmem>>, vector<16xf32>,
    tpu.vector_store %arg9[%swap3A_30], %broadcast_in_dim3A_4 {strides = array<i32>} : memref<416xf32, #tpu.memory_space<vmem>>, vector<16xf32>,
    %swap3A_32 = arith.constant 224 : index
    %swap3A_33 = tpu.vector_load %arg9[%swap3A_32] {strides = array<i32>} : memref<416xf32, #tpu.memory_space<vmem>>, vector<16xf32>,
    tpu.vector_store %arg9[%swap3A_32], %broadcast_in_dim3A_4 {strides = array<i32>} : memref<416xf32, #tpu.memory_space<vmem>>, vector<16xf32>,
    %swap3A_34 = arith.constant 240 : index
    %swap3A_35 = tpu.vector_load %arg9[%swap3A_34] {strides = array<i32>} : memref<416xf32, #tpu.memory_space<vmem>>, vector<16xf32>,
    tpu.vector_store %arg9[%swap3A_34], %broadcast_in_dim3A_4 {strides = array<i32>} : memref<416xf32, #tpu.memory_space<vmem>>, vector<16xf32>,
    %swap3A_36 = arith.constant 256 : index
    %swap3A_37 = tpu.vector_load %arg9[%swap3A_36] {strides = array<i32>} : memref<416xf32, #tpu.memory_space<vmem>>, vector<16xf32>,
    tpu.vector_store %arg9[%swap3A_36], %broadcast_in_dim3A_4 {strides = array<i32>} : memref<416xf32, #tpu.memory_space<vmem>>, vector<16xf32>,
    %swap3A_38 = arith.constant 272 : index
    %swap3A_39 = tpu.vector_load %arg9[%swap3A_38] {strides = array<i32>} : memref<416xf32, #tpu.memory_space<vmem>>, vector<16xf32>,
    tpu.vector_store %arg9[%swap3A_38], %broadcast_in_dim3A_4 {strides = array<i32>} : memref<416xf32, #tpu.memory_space<vmem>>, vector<16xf32>,
    %swap3A_40 = arith.constant 288 : index
    %swap3A_41 = tpu.vector_load %arg9[%swap3A_40] {strides = array<i32>} : memref<416xf32, #tpu.memory_space<vmem>>, vector<16xf32>,
    tpu.vector_store %arg9[%swap3A_40], %broadcast_in_dim3A_4 {strides = array<i32>} : memref<416xf32, #tpu.memory_space<vmem>>, vector<16xf32>,
    %swap3A_42 = arith.constant 304 : index
    %swap3A_43 = tpu.vector_load %arg9[%swap3A_42] {strides = array<i32>} : memref<416xf32, #tpu.memory_space<vmem>>, vector<16xf32>,
    tpu.vector_store %arg9[%swap3A_42], %broadcast_in_dim3A_4 {strides = array<i32>} : memref<416xf32, #tpu.memory_space<vmem>>, vector<16xf32>,
    %swap3A_44 = arith.constant 320 : index
    %swap3A_45 = tpu.vector_load %arg9[%swap3A_44] {strides = array<i32>} : memref<416xf32, #tpu.memory_space<vmem>>, vector<16xf32>,
    tpu.vector_store %arg9[%swap3A_44], %broadcast_in_dim3A_4 {strides = array<i32>} : memref<416xf32, #tpu.memory_space<vmem>>, vector<16xf32>,
    %swap3A_46 = arith.constant 336 : index
    %swap3A_47 = tpu.vector_load %arg9[%swap3A_46] {strides = array<i32>} : memref<416xf32, #tpu.memory_space<vmem>>, vector<16xf32>,
    tpu.vector_store %arg9[%swap3A_46], %broadcast_in_dim3A_4 {strides = array<i32>} : memref<416xf32, #tpu.memory_space<vmem>>, vector<16xf32>,
    %swap3A_48 = arith.constant 352 : index
    %swap3A_49 = tpu.vector_load %arg9[%swap3A_48] {strides = array<i32>} : memref<416xf32, #tpu.memory_space<vmem>>, vector<16xf32>,
    tpu.vector_store %arg9[%swap3A_48], %broadcast_in_dim3A_4 {strides = array<i32>} : memref<416xf32, #tpu.memory_space<vmem>>, vector<16xf32>,
    %swap3A_50 = arith.constant 368 : index
    %swap3A_51 = tpu.vector_load %arg9[%swap3A_50] {strides = array<i32>} : memref<416xf32, #tpu.memory_space<vmem>>, vector<16xf32>,
    tpu.vector_store %arg9[%swap3A_50], %broadcast_in_dim3A_4 {strides = array<i32>} : memref<416xf32, #tpu.memory_space<vmem>>, vector<16xf32>,
    %swap3A_52 = arith.constant 384 : index
    %swap3A_53 = tpu.vector_load %arg9[%swap3A_52] {strides = array<i32>} : memref<416xf32, #tpu.memory_space<vmem>>, vector<16xf32>,
    tpu.vector_store %arg9[%swap3A_52], %broadcast_in_dim3A_4 {strides = array<i32>} : memref<416xf32, #tpu.memory_space<vmem>>, vector<16xf32>,
    %swap3A_54 = arith.constant 400 : index
    %swap3A_55 = tpu.vector_load %arg9[%swap3A_54] {strides = array<i32>} : memref<416xf32, #tpu.memory_space<vmem>>, vector<16xf32>,
    tpu.vector_store %arg9[%swap3A_54], %broadcast_in_dim3A_4 {strides = array<i32>} : memref<416xf32, #tpu.memory_space<vmem>>, vector<16xf32>,
    %get3A = arith.constant 0 : index
    %get3A_56 = tpu.vector_load %arg11[%get3A] {strides = array<i32>} : memref<80xi32, #tpu.memory_space<vmem>>, vector<16xi32>,
    %get3A_57 = arith.constant 0 : index
    %get3A_58 = tpu.vector_load %arg12[%get3A_57] {strides = array<i32>} : memref<80xi32, #tpu.memory_space<vmem>>, vector<16xi32>,
    %get3A_59 = arith.constant 0 : index
    %get3A_60 = tpu.vector_load %arg13[%get3A_59] {strides = array<i32>} : memref<80xi32, #tpu.memory_space<vmem>>, vector<16xi32>,
    %convert_element_type3A = arith.sitofp %get3A_60 : vector<16xi32> to vector<16xf32>
    %mul3A_61 = arith.constant 100 : i32
    %mul3A_62 = vector.broadcast %mul3A_61 : i32 to vector<16xi32>
    %mul3A_63 = arith.muli %get3A_56, %mul3A_62 : vector<16xi32>
    %add3A = arith.addi %mul3A_63, %get3A_58 : vector<16xi32>
    %sub3A = vector.broadcast %mul3A_0 : i32 to vector<16xi32>
    %sub3A_64 = arith.subi %add3A, %sub3A : vector<16xi32>
    %ge3A = arith.constant 0 : i32
    %ge3A_65 = vector.broadcast %ge3A : i32 to vector<16xi32>
    %ge3A_66 = arith.cmpi sge, %sub3A_64, %ge3A_65 : vector<16xi32>
    %lt3A = arith.constant 400 : i32
    %lt3A_67 = vector.broadcast %lt3A : i32 to vector<16xi32>
    %lt3A_68 = arith.cmpi slt, %sub3A_64, %lt3A_67 : vector<16xi32>
    %and3A = arith.andi %ge3A_66, %lt3A_68 : vector<16xi1>
    %and3A_69 = arith.constant 15 : i32
    %and3A_70 = vector.broadcast %and3A_69 : i32 to vector<16xi32>
    %and3A_71 = arith.andi %iota3A, %and3A_70 : vector<16xi32>
    %add3A_72 = arith.constant 400 : i32
    %add3A_73 = vector.broadcast %add3A_72 : i32 to vector<16xi32>
    %add3A_74 = arith.addi %add3A_73, %and3A_71 : vector<16xi32>
    %eq3A = arith.constant 0 : i32
    %eq3A_75 = vector.broadcast %eq3A : i32 to vector<16xi32>
    %eq3A_76 = arith.cmpi eq, %iota3A, %eq3A_75 : vector<16xi32>
    %and3A_77 = arith.andi %and3A, %eq3A_76 : vector<16xi1>
    %select_n3A = arith.select %and3A_77, %sub3A_64, %add3A_74 : vector<16xi1>, vector<16xi32>
    tpu.vector_store_idx %arg9[%select_n3A], %convert_element_type3A : memref<416xf32, #tpu.memory_space<vmem>>[vector<16xi32>], vector<16xf32>,
    %eq3A_78 = arith.constant 1 : i32
    %eq3A_79 = vector.broadcast %eq3A_78 : i32 to vector<16xi32>
    %eq3A_80 = arith.cmpi eq, %iota3A, %eq3A_79 : vector<16xi32>
    %and3A_81 = arith.andi %and3A, %eq3A_80 : vector<16xi1>
    %select_n3A_82 = arith.select %and3A_81, %sub3A_64, %add3A_74 : vector<16xi1>, vector<16xi32>
    tpu.vector_store_idx %arg9[%select_n3A_82], %convert_element_type3A : memref<416xf32, #tpu.memory_space<vmem>>[vector<16xi32>], vector<16xf32>,
    %eq3A_83 = arith.constant 2 : i32
    %eq3A_84 = vector.broadcast %eq3A_83 : i32 to vector<16xi32>
    %eq3A_85 = arith.cmpi eq, %iota3A, %eq3A_84 : vector<16xi32>
    %and3A_86 = arith.andi %and3A, %eq3A_85 : vector<16xi1>
    %select_n3A_87 = arith.select %and3A_86, %sub3A_64, %add3A_74 : vector<16xi1>, vector<16xi32>
    tpu.vector_store_idx %arg9[%select_n3A_87], %convert_element_type3A : memref<416xf32, #tpu.memory_space<vmem>>[vector<16xi32>], vector<16xf32>,
    %eq3A_88 = arith.constant 3 : i32
    %eq3A_89 = vector.broadcast %eq3A_88 : i32 to vector<16xi32>
    %eq3A_90 = arith.cmpi eq, %iota3A, %eq3A_89 : vector<16xi32>
    %and3A_91 = arith.andi %and3A, %eq3A_90 : vector<16xi1>
    %select_n3A_92 = arith.select %and3A_91, %sub3A_64, %add3A_74 : vector<16xi1>, vector<16xi32>
    tpu.vector_store_idx %arg9[%select_n3A_92], %convert_element_type3A : memref<416xf32, #tpu.memory_space<vmem>>[vector<16xi32>], vector<16xf32>,
    %eq3A_93 = arith.constant 4 : i32
    %eq3A_94 = vector.broadcast %eq3A_93 : i32 to vector<16xi32>
    %eq3A_95 = arith.cmpi eq, %iota3A, %eq3A_94 : vector<16xi32>
    %and3A_96 = arith.andi %and3A, %eq3A_95 : vector<16xi1>
    %select_n3A_97 = arith.select %and3A_96, %sub3A_64, %add3A_74 : vector<16xi1>, vector<16xi32>
    tpu.vector_store_idx %arg9[%select_n3A_97], %convert_element_type3A : memref<416xf32, #tpu.memory_space<vmem>>[vector<16xi32>], vector<16xf32>,
    %eq3A_98 = arith.constant 5 : i32
    %eq3A_99 = vector.broadcast %eq3A_98 : i32 to vector<16xi32>
    %eq3A_100 = arith.cmpi eq, %iota3A, %eq3A_99 : vector<16xi32>
    %and3A_101 = arith.andi %and3A, %eq3A_100 : vector<16xi1>
    %select_n3A_102 = arith.select %and3A_101, %sub3A_64, %add3A_74 : vector<16xi1>, vector<16xi32>
    tpu.vector_store_idx %arg9[%select_n3A_102], %convert_element_type3A : memref<416xf32, #tpu.memory_space<vmem>>[vector<16xi32>], vector<16xf32>,
    %eq3A_103 = arith.constant 6 : i32
    %eq3A_104 = vector.broadcast %eq3A_103 : i32 to vector<16xi32>
    %eq3A_105 = arith.cmpi eq, %iota3A, %eq3A_104 : vector<16xi32>
    %and3A_106 = arith.andi %and3A, %eq3A_105 : vector<16xi1>
    %select_n3A_107 = arith.select %and3A_106, %sub3A_64, %add3A_74 : vector<16xi1>, vector<16xi32>
    tpu.vector_store_idx %arg9[%select_n3A_107], %convert_element_type3A : memref<416xf32, #tpu.memory_space<vmem>>[vector<16xi32>], vector<16xf32>,
    %eq3A_108 = arith.constant 7 : i32
    %eq3A_109 = vector.broadcast %eq3A_108 : i32 to vector<16xi32>
    %eq3A_110 = arith.cmpi eq, %iota3A, %eq3A_109 : vector<16xi32>
    %and3A_111 = arith.andi %and3A, %eq3A_110 : vector<16xi1>
    %select_n3A_112 = arith.select %and3A_111, %sub3A_64, %add3A_74 : vector<16xi1>, vector<16xi32>
    tpu.vector_store_idx %arg9[%select_n3A_112], %convert_element_type3A : memref<416xf32, #tpu.memory_space<vmem>>[vector<16xi32>], vector<16xf32>,
    %eq3A_113 = arith.constant 8 : i32
    %eq3A_114 = vector.broadcast %eq3A_113 : i32 to vector<16xi32>
    %eq3A_115 = arith.cmpi eq, %iota3A, %eq3A_114 : vector<16xi32>
    %and3A_116 = arith.andi %and3A, %eq3A_115 : vector<16xi1>
    %select_n3A_117 = arith.select %and3A_116, %sub3A_64, %add3A_74 : vector<16xi1>, vector<16xi32>
    tpu.vector_store_idx %arg9[%select_n3A_117], %convert_element_type3A : memref<416xf32, #tpu.memory_space<vmem>>[vector<16xi32>], vector<16xf32>,
    %eq3A_118 = arith.constant 9 : i32
    %eq3A_119 = vector.broadcast %eq3A_118 : i32 to vector<16xi32>
    %eq3A_120 = arith.cmpi eq, %iota3A, %eq3A_119 : vector<16xi32>
    %and3A_121 = arith.andi %and3A, %eq3A_120 : vector<16xi1>
    %select_n3A_122 = arith.select %and3A_121, %sub3A_64, %add3A_74 : vector<16xi1>, vector<16xi32>
    tpu.vector_store_idx %arg9[%select_n3A_122], %convert_element_type3A : memref<416xf32, #tpu.memory_space<vmem>>[vector<16xi32>], vector<16xf32>,
    %eq3A_123 = arith.constant 10 : i32
    %eq3A_124 = vector.broadcast %eq3A_123 : i32 to vector<16xi32>
    %eq3A_125 = arith.cmpi eq, %iota3A, %eq3A_124 : vector<16xi32>
    %and3A_126 = arith.andi %and3A, %eq3A_125 : vector<16xi1>
    %select_n3A_127 = arith.select %and3A_126, %sub3A_64, %add3A_74 : vector<16xi1>, vector<16xi32>
    tpu.vector_store_idx %arg9[%select_n3A_127], %convert_element_type3A : memref<416xf32, #tpu.memory_space<vmem>>[vector<16xi32>], vector<16xf32>,
    %eq3A_128 = arith.constant 11 : i32
    %eq3A_129 = vector.broadcast %eq3A_128 : i32 to vector<16xi32>
    %eq3A_130 = arith.cmpi eq, %iota3A, %eq3A_129 : vector<16xi32>
    %and3A_131 = arith.andi %and3A, %eq3A_130 : vector<16xi1>
    %select_n3A_132 = arith.select %and3A_131, %sub3A_64, %add3A_74 : vector<16xi1>, vector<16xi32>
    tpu.vector_store_idx %arg9[%select_n3A_132], %convert_element_type3A : memref<416xf32, #tpu.memory_space<vmem>>[vector<16xi32>], vector<16xf32>,
    %eq3A_133 = arith.constant 12 : i32
    %eq3A_134 = vector.broadcast %eq3A_133 : i32 to vector<16xi32>
    %eq3A_135 = arith.cmpi eq, %iota3A, %eq3A_134 : vector<16xi32>
    %and3A_136 = arith.andi %and3A, %eq3A_135 : vector<16xi1>
    %select_n3A_137 = arith.select %and3A_136, %sub3A_64, %add3A_74 : vector<16xi1>, vector<16xi32>
    tpu.vector_store_idx %arg9[%select_n3A_137], %convert_element_type3A : memref<416xf32, #tpu.memory_space<vmem>>[vector<16xi32>], vector<16xf32>,
    %eq3A_138 = arith.constant 13 : i32
    %eq3A_139 = vector.broadcast %eq3A_138 : i32 to vector<16xi32>
    %eq3A_140 = arith.cmpi eq, %iota3A, %eq3A_139 : vector<16xi32>
    %and3A_141 = arith.andi %and3A, %eq3A_140 : vector<16xi1>
    %select_n3A_142 = arith.select %and3A_141, %sub3A_64, %add3A_74 : vector<16xi1>, vector<16xi32>
    tpu.vector_store_idx %arg9[%select_n3A_142], %convert_element_type3A : memref<416xf32, #tpu.memory_space<vmem>>[vector<16xi32>], vector<16xf32>,
    %eq3A_143 = arith.constant 14 : i32
    %eq3A_144 = vector.broadcast %eq3A_143 : i32 to vector<16xi32>
    %eq3A_145 = arith.cmpi eq, %iota3A, %eq3A_144 : vector<16xi32>
    %and3A_146 = arith.andi %and3A, %eq3A_145 : vector<16xi1>
    %select_n3A_147 = arith.select %and3A_146, %sub3A_64, %add3A_74 : vector<16xi1>, vector<16xi32>
    tpu.vector_store_idx %arg9[%select_n3A_147], %convert_element_type3A : memref<416xf32, #tpu.memory_space<vmem>>[vector<16xi32>], vector<16xf32>,
    %eq3A_148 = arith.constant 15 : i32
    %eq3A_149 = vector.broadcast %eq3A_148 : i32 to vector<16xi32>
    %eq3A_150 = arith.cmpi eq, %iota3A, %eq3A_149 : vector<16xi32>
    %and3A_151 = arith.andi %and3A, %eq3A_150 : vector<16xi1>
    %select_n3A_152 = arith.select %and3A_151, %sub3A_64, %add3A_74 : vector<16xi1>, vector<16xi32>
    tpu.vector_store_idx %arg9[%select_n3A_152], %convert_element_type3A : memref<416xf32, #tpu.memory_space<vmem>>[vector<16xi32>], vector<16xf32>,
    %get3A_153 = arith.constant 16 : index
    %get3A_154 = tpu.vector_load %arg11[%get3A_153] {strides = array<i32>} : memref<80xi32, #tpu.memory_space<vmem>>, vector<16xi32>,
    %get3A_155 = arith.constant 16 : index
    %get3A_156 = tpu.vector_load %arg12[%get3A_155] {strides = array<i32>} : memref<80xi32, #tpu.memory_space<vmem>>, vector<16xi32>,
    %get3A_157 = arith.constant 16 : index
    %get3A_158 = tpu.vector_load %arg13[%get3A_157] {strides = array<i32>} : memref<80xi32, #tpu.memory_space<vmem>>, vector<16xi32>,
    %convert_element_type3A_159 = arith.sitofp %get3A_158 : vector<16xi32> to vector<16xf32>
    %mul3A_160 = arith.constant 100 : i32
    %mul3A_161 = vector.broadcast %mul3A_160 : i32 to vector<16xi32>
    %mul3A_162 = arith.muli %get3A_154, %mul3A_161 : vector<16xi32>
    %add3A_163 = arith.addi %mul3A_162, %get3A_156 : vector<16xi32>
    %sub3A_164 = vector.broadcast %mul3A_0 : i32 to vector<16xi32>
    %sub3A_165 = arith.subi %add3A_163, %sub3A_164 : vector<16xi32>
    %ge3A_166 = arith.constant 0 : i32
    %ge3A_167 = vector.broadcast %ge3A_166 : i32 to vector<16xi32>
    %ge3A_168 = arith.cmpi sge, %sub3A_165, %ge3A_167 : vector<16xi32>
    %lt3A_169 = arith.constant 400 : i32
    %lt3A_170 = vector.broadcast %lt3A_169 : i32 to vector<16xi32>
    %lt3A_171 = arith.cmpi slt, %sub3A_165, %lt3A_170 : vector<16xi32>
    %and3A_172 = arith.andi %ge3A_168, %lt3A_171 : vector<16xi1>
    %and3A_173 = arith.constant 15 : i32
    %and3A_174 = vector.broadcast %and3A_173 : i32 to vector<16xi32>
    %and3A_175 = arith.andi %iota3A, %and3A_174 : vector<16xi32>
    %add3A_176 = arith.constant 400 : i32
    %add3A_177 = vector.broadcast %add3A_176 : i32 to vector<16xi32>
    %add3A_178 = arith.addi %add3A_177, %and3A_175 : vector<16xi32>
    %eq3A_179 = arith.constant 0 : i32
    %eq3A_180 = vector.broadcast %eq3A_179 : i32 to vector<16xi32>
    %eq3A_181 = arith.cmpi eq, %iota3A, %eq3A_180 : vector<16xi32>
    %and3A_182 = arith.andi %and3A_172, %eq3A_181 : vector<16xi1>
    %select_n3A_183 = arith.select %and3A_182, %sub3A_165, %add3A_178 : vector<16xi1>, vector<16xi32>
    tpu.vector_store_idx %arg9[%select_n3A_183], %convert_element_type3A_159 : memref<416xf32, #tpu.memory_space<vmem>>[vector<16xi32>], vector<16xf32>,
    %eq3A_184 = arith.constant 1 : i32
    %eq3A_185 = vector.broadcast %eq3A_184 : i32 to vector<16xi32>
    %eq3A_186 = arith.cmpi eq, %iota3A, %eq3A_185 : vector<16xi32>
    %and3A_187 = arith.andi %and3A_172, %eq3A_186 : vector<16xi1>
    %select_n3A_188 = arith.select %and3A_187, %sub3A_165, %add3A_178 : vector<16xi1>, vector<16xi32>
    tpu.vector_store_idx %arg9[%select_n3A_188], %convert_element_type3A_159 : memref<416xf32, #tpu.memory_space<vmem>>[vector<16xi32>], vector<16xf32>,
    %eq3A_189 = arith.constant 2 : i32
    %eq3A_190 = vector.broadcast %eq3A_189 : i32 to vector<16xi32>
    %eq3A_191 = arith.cmpi eq, %iota3A, %eq3A_190 : vector<16xi32>
    %and3A_192 = arith.andi %and3A_172, %eq3A_191 : vector<16xi1>
    %select_n3A_193 = arith.select %and3A_192, %sub3A_165, %add3A_178 : vector<16xi1>, vector<16xi32>
    tpu.vector_store_idx %arg9[%select_n3A_193], %convert_element_type3A_159 : memref<416xf32, #tpu.memory_space<vmem>>[vector<16xi32>], vector<16xf32>,
    %eq3A_194 = arith.constant 3 : i32
    %eq3A_195 = vector.broadcast %eq3A_194 : i32 to vector<16xi32>
    %eq3A_196 = arith.cmpi eq, %iota3A, %eq3A_195 : vector<16xi32>
    %and3A_197 = arith.andi %and3A_172, %eq3A_196 : vector<16xi1>
    %select_n3A_198 = arith.select %and3A_197, %sub3A_165, %add3A_178 : vector<16xi1>, vector<16xi32>
    tpu.vector_store_idx %arg9[%select_n3A_198], %convert_element_type3A_159 : memref<416xf32, #tpu.memory_space<vmem>>[vector<16xi32>], vector<16xf32>,
    %eq3A_199 = arith.constant 4 : i32
    %eq3A_200 = vector.broadcast %eq3A_199 : i32 to vector<16xi32>
    %eq3A_201 = arith.cmpi eq, %iota3A, %eq3A_200 : vector<16xi32>
    %and3A_202 = arith.andi %and3A_172, %eq3A_201 : vector<16xi1>
    %select_n3A_203 = arith.select %and3A_202, %sub3A_165, %add3A_178 : vector<16xi1>, vector<16xi32>
    tpu.vector_store_idx %arg9[%select_n3A_203], %convert_element_type3A_159 : memref<416xf32, #tpu.memory_space<vmem>>[vector<16xi32>], vector<16xf32>,
    %eq3A_204 = arith.constant 5 : i32
    %eq3A_205 = vector.broadcast %eq3A_204 : i32 to vector<16xi32>
    %eq3A_206 = arith.cmpi eq, %iota3A, %eq3A_205 : vector<16xi32>
    %and3A_207 = arith.andi %and3A_172, %eq3A_206 : vector<16xi1>
    %select_n3A_208 = arith.select %and3A_207, %sub3A_165, %add3A_178 : vector<16xi1>, vector<16xi32>
    tpu.vector_store_idx %arg9[%select_n3A_208], %convert_element_type3A_159 : memref<416xf32, #tpu.memory_space<vmem>>[vector<16xi32>], vector<16xf32>,
    %eq3A_209 = arith.constant 6 : i32
    %eq3A_210 = vector.broadcast %eq3A_209 : i32 to vector<16xi32>
    %eq3A_211 = arith.cmpi eq, %iota3A, %eq3A_210 : vector<16xi32>
    %and3A_212 = arith.andi %and3A_172, %eq3A_211 : vector<16xi1>
    %select_n3A_213 = arith.select %and3A_212, %sub3A_165, %add3A_178 : vector<16xi1>, vector<16xi32>
    tpu.vector_store_idx %arg9[%select_n3A_213], %convert_element_type3A_159 : memref<416xf32, #tpu.memory_space<vmem>>[vector<16xi32>], vector<16xf32>,
    %eq3A_214 = arith.constant 7 : i32
    %eq3A_215 = vector.broadcast %eq3A_214 : i32 to vector<16xi32>
    %eq3A_216 = arith.cmpi eq, %iota3A, %eq3A_215 : vector<16xi32>
    %and3A_217 = arith.andi %and3A_172, %eq3A_216 : vector<16xi1>
    %select_n3A_218 = arith.select %and3A_217, %sub3A_165, %add3A_178 : vector<16xi1>, vector<16xi32>
    tpu.vector_store_idx %arg9[%select_n3A_218], %convert_element_type3A_159 : memref<416xf32, #tpu.memory_space<vmem>>[vector<16xi32>], vector<16xf32>,
    %eq3A_219 = arith.constant 8 : i32
    %eq3A_220 = vector.broadcast %eq3A_219 : i32 to vector<16xi32>
    %eq3A_221 = arith.cmpi eq, %iota3A, %eq3A_220 : vector<16xi32>
    %and3A_222 = arith.andi %and3A_172, %eq3A_221 : vector<16xi1>
    %select_n3A_223 = arith.select %and3A_222, %sub3A_165, %add3A_178 : vector<16xi1>, vector<16xi32>
    tpu.vector_store_idx %arg9[%select_n3A_223], %convert_element_type3A_159 : memref<416xf32, #tpu.memory_space<vmem>>[vector<16xi32>], vector<16xf32>,
    %eq3A_224 = arith.constant 9 : i32
    %eq3A_225 = vector.broadcast %eq3A_224 : i32 to vector<16xi32>
    %eq3A_226 = arith.cmpi eq, %iota3A, %eq3A_225 : vector<16xi32>
    %and3A_227 = arith.andi %and3A_172, %eq3A_226 : vector<16xi1>
    %select_n3A_228 = arith.select %and3A_227, %sub3A_165, %add3A_178 : vector<16xi1>, vector<16xi32>
    tpu.vector_store_idx %arg9[%select_n3A_228], %convert_element_type3A_159 : memref<416xf32, #tpu.memory_space<vmem>>[vector<16xi32>], vector<16xf32>,
    %eq3A_229 = arith.constant 10 : i32
    %eq3A_230 = vector.broadcast %eq3A_229 : i32 to vector<16xi32>
    %eq3A_231 = arith.cmpi eq, %iota3A, %eq3A_230 : vector<16xi32>
    %and3A_232 = arith.andi %and3A_172, %eq3A_231 : vector<16xi1>
    %select_n3A_233 = arith.select %and3A_232, %sub3A_165, %add3A_178 : vector<16xi1>, vector<16xi32>
    tpu.vector_store_idx %arg9[%select_n3A_233], %convert_element_type3A_159 : memref<416xf32, #tpu.memory_space<vmem>>[vector<16xi32>], vector<16xf32>,
    %eq3A_234 = arith.constant 11 : i32
    %eq3A_235 = vector.broadcast %eq3A_234 : i32 to vector<16xi32>
    %eq3A_236 = arith.cmpi eq, %iota3A, %eq3A_235 : vector<16xi32>
    %and3A_237 = arith.andi %and3A_172, %eq3A_236 : vector<16xi1>
    %select_n3A_238 = arith.select %and3A_237, %sub3A_165, %add3A_178 : vector<16xi1>, vector<16xi32>
    tpu.vector_store_idx %arg9[%select_n3A_238], %convert_element_type3A_159 : memref<416xf32, #tpu.memory_space<vmem>>[vector<16xi32>], vector<16xf32>,
    %eq3A_239 = arith.constant 12 : i32
    %eq3A_240 = vector.broadcast %eq3A_239 : i32 to vector<16xi32>
    %eq3A_241 = arith.cmpi eq, %iota3A, %eq3A_240 : vector<16xi32>
    %and3A_242 = arith.andi %and3A_172, %eq3A_241 : vector<16xi1>
    %select_n3A_243 = arith.select %and3A_242, %sub3A_165, %add3A_178 : vector<16xi1>, vector<16xi32>
    tpu.vector_store_idx %arg9[%select_n3A_243], %convert_element_type3A_159 : memref<416xf32, #tpu.memory_space<vmem>>[vector<16xi32>], vector<16xf32>,
    %eq3A_244 = arith.constant 13 : i32
    %eq3A_245 = vector.broadcast %eq3A_244 : i32 to vector<16xi32>
    %eq3A_246 = arith.cmpi eq, %iota3A, %eq3A_245 : vector<16xi32>
    %and3A_247 = arith.andi %and3A_172, %eq3A_246 : vector<16xi1>
    %select_n3A_248 = arith.select %and3A_247, %sub3A_165, %add3A_178 : vector<16xi1>, vector<16xi32>
    tpu.vector_store_idx %arg9[%select_n3A_248], %convert_element_type3A_159 : memref<416xf32, #tpu.memory_space<vmem>>[vector<16xi32>], vector<16xf32>,
    %eq3A_249 = arith.constant 14 : i32
    %eq3A_250 = vector.broadcast %eq3A_249 : i32 to vector<16xi32>
    %eq3A_251 = arith.cmpi eq, %iota3A, %eq3A_250 : vector<16xi32>
    %and3A_252 = arith.andi %and3A_172, %eq3A_251 : vector<16xi1>
    %select_n3A_253 = arith.select %and3A_252, %sub3A_165, %add3A_178 : vector<16xi1>, vector<16xi32>
    tpu.vector_store_idx %arg9[%select_n3A_253], %convert_element_type3A_159 : memref<416xf32, #tpu.memory_space<vmem>>[vector<16xi32>], vector<16xf32>,
    %eq3A_254 = arith.constant 15 : i32
    %eq3A_255 = vector.broadcast %eq3A_254 : i32 to vector<16xi32>
    %eq3A_256 = arith.cmpi eq, %iota3A, %eq3A_255 : vector<16xi32>
    %and3A_257 = arith.andi %and3A_172, %eq3A_256 : vector<16xi1>
    %select_n3A_258 = arith.select %and3A_257, %sub3A_165, %add3A_178 : vector<16xi1>, vector<16xi32>
    tpu.vector_store_idx %arg9[%select_n3A_258], %convert_element_type3A_159 : memref<416xf32, #tpu.memory_space<vmem>>[vector<16xi32>], vector<16xf32>,
    %get3A_259 = arith.constant 32 : index
    %get3A_260 = tpu.vector_load %arg11[%get3A_259] {strides = array<i32>} : memref<80xi32, #tpu.memory_space<vmem>>, vector<16xi32>,
    %get3A_261 = arith.constant 32 : index
    %get3A_262 = tpu.vector_load %arg12[%get3A_261] {strides = array<i32>} : memref<80xi32, #tpu.memory_space<vmem>>, vector<16xi32>,
    %get3A_263 = arith.constant 32 : index
    %get3A_264 = tpu.vector_load %arg13[%get3A_263] {strides = array<i32>} : memref<80xi32, #tpu.memory_space<vmem>>, vector<16xi32>,
    %convert_element_type3A_265 = arith.sitofp %get3A_264 : vector<16xi32> to vector<16xf32>
    %mul3A_266 = arith.constant 100 : i32
    %mul3A_267 = vector.broadcast %mul3A_266 : i32 to vector<16xi32>
    %mul3A_268 = arith.muli %get3A_260, %mul3A_267 : vector<16xi32>
    %add3A_269 = arith.addi %mul3A_268, %get3A_262 : vector<16xi32>
    %sub3A_270 = vector.broadcast %mul3A_0 : i32 to vector<16xi32>
    %sub3A_271 = arith.subi %add3A_269, %sub3A_270 : vector<16xi32>
    %ge3A_272 = arith.constant 0 : i32
    %ge3A_273 = vector.broadcast %ge3A_272 : i32 to vector<16xi32>
    %ge3A_274 = arith.cmpi sge, %sub3A_271, %ge3A_273 : vector<16xi32>
    %lt3A_275 = arith.constant 400 : i32
    %lt3A_276 = vector.broadcast %lt3A_275 : i32 to vector<16xi32>
    %lt3A_277 = arith.cmpi slt, %sub3A_271, %lt3A_276 : vector<16xi32>
    %and3A_278 = arith.andi %ge3A_274, %lt3A_277 : vector<16xi1>
    %and3A_279 = arith.constant 15 : i32
    %and3A_280 = vector.broadcast %and3A_279 : i32 to vector<16xi32>
    %and3A_281 = arith.andi %iota3A, %and3A_280 : vector<16xi32>
    %add3A_282 = arith.constant 400 : i32
    %add3A_283 = vector.broadcast %add3A_282 : i32 to vector<16xi32>
    %add3A_284 = arith.addi %add3A_283, %and3A_281 : vector<16xi32>
    %eq3A_285 = arith.constant 0 : i32
    %eq3A_286 = vector.broadcast %eq3A_285 : i32 to vector<16xi32>
    %eq3A_287 = arith.cmpi eq, %iota3A, %eq3A_286 : vector<16xi32>
    %and3A_288 = arith.andi %and3A_278, %eq3A_287 : vector<16xi1>
    %select_n3A_289 = arith.select %and3A_288, %sub3A_271, %add3A_284 : vector<16xi1>, vector<16xi32>
    tpu.vector_store_idx %arg9[%select_n3A_289], %convert_element_type3A_265 : memref<416xf32, #tpu.memory_space<vmem>>[vector<16xi32>], vector<16xf32>,
    %eq3A_290 = arith.constant 1 : i32
    %eq3A_291 = vector.broadcast %eq3A_290 : i32 to vector<16xi32>
    %eq3A_292 = arith.cmpi eq, %iota3A, %eq3A_291 : vector<16xi32>
    %and3A_293 = arith.andi %and3A_278, %eq3A_292 : vector<16xi1>
    %select_n3A_294 = arith.select %and3A_293, %sub3A_271, %add3A_284 : vector<16xi1>, vector<16xi32>
    tpu.vector_store_idx %arg9[%select_n3A_294], %convert_element_type3A_265 : memref<416xf32, #tpu.memory_space<vmem>>[vector<16xi32>], vector<16xf32>,
    %eq3A_295 = arith.constant 2 : i32
    %eq3A_296 = vector.broadcast %eq3A_295 : i32 to vector<16xi32>
    %eq3A_297 = arith.cmpi eq, %iota3A, %eq3A_296 : vector<16xi32>
    %and3A_298 = arith.andi %and3A_278, %eq3A_297 : vector<16xi1>
    %select_n3A_299 = arith.select %and3A_298, %sub3A_271, %add3A_284 : vector<16xi1>, vector<16xi32>
    tpu.vector_store_idx %arg9[%select_n3A_299], %convert_element_type3A_265 : memref<416xf32, #tpu.memory_space<vmem>>[vector<16xi32>], vector<16xf32>,
    %eq3A_300 = arith.constant 3 : i32
    %eq3A_301 = vector.broadcast %eq3A_300 : i32 to vector<16xi32>
    %eq3A_302 = arith.cmpi eq, %iota3A, %eq3A_301 : vector<16xi32>
    %and3A_303 = arith.andi %and3A_278, %eq3A_302 : vector<16xi1>
    %select_n3A_304 = arith.select %and3A_303, %sub3A_271, %add3A_284 : vector<16xi1>, vector<16xi32>
    tpu.vector_store_idx %arg9[%select_n3A_304], %convert_element_type3A_265 : memref<416xf32, #tpu.memory_space<vmem>>[vector<16xi32>], vector<16xf32>,
    %eq3A_305 = arith.constant 4 : i32
    %eq3A_306 = vector.broadcast %eq3A_305 : i32 to vector<16xi32>
    %eq3A_307 = arith.cmpi eq, %iota3A, %eq3A_306 : vector<16xi32>
    %and3A_308 = arith.andi %and3A_278, %eq3A_307 : vector<16xi1>
    %select_n3A_309 = arith.select %and3A_308, %sub3A_271, %add3A_284 : vector<16xi1>, vector<16xi32>
    tpu.vector_store_idx %arg9[%select_n3A_309], %convert_element_type3A_265 : memref<416xf32, #tpu.memory_space<vmem>>[vector<16xi32>], vector<16xf32>,
    %eq3A_310 = arith.constant 5 : i32
    %eq3A_311 = vector.broadcast %eq3A_310 : i32 to vector<16xi32>
    %eq3A_312 = arith.cmpi eq, %iota3A, %eq3A_311 : vector<16xi32>
    %and3A_313 = arith.andi %and3A_278, %eq3A_312 : vector<16xi1>
    %select_n3A_314 = arith.select %and3A_313, %sub3A_271, %add3A_284 : vector<16xi1>, vector<16xi32>
    tpu.vector_store_idx %arg9[%select_n3A_314], %convert_element_type3A_265 : memref<416xf32, #tpu.memory_space<vmem>>[vector<16xi32>], vector<16xf32>,
    %eq3A_315 = arith.constant 6 : i32
    %eq3A_316 = vector.broadcast %eq3A_315 : i32 to vector<16xi32>
    %eq3A_317 = arith.cmpi eq, %iota3A, %eq3A_316 : vector<16xi32>
    %and3A_318 = arith.andi %and3A_278, %eq3A_317 : vector<16xi1>
    %select_n3A_319 = arith.select %and3A_318, %sub3A_271, %add3A_284 : vector<16xi1>, vector<16xi32>
    tpu.vector_store_idx %arg9[%select_n3A_319], %convert_element_type3A_265 : memref<416xf32, #tpu.memory_space<vmem>>[vector<16xi32>], vector<16xf32>,
    %eq3A_320 = arith.constant 7 : i32
    %eq3A_321 = vector.broadcast %eq3A_320 : i32 to vector<16xi32>
    %eq3A_322 = arith.cmpi eq, %iota3A, %eq3A_321 : vector<16xi32>
    %and3A_323 = arith.andi %and3A_278, %eq3A_322 : vector<16xi1>
    %select_n3A_324 = arith.select %and3A_323, %sub3A_271, %add3A_284 : vector<16xi1>, vector<16xi32>
    tpu.vector_store_idx %arg9[%select_n3A_324], %convert_element_type3A_265 : memref<416xf32, #tpu.memory_space<vmem>>[vector<16xi32>], vector<16xf32>,
    %eq3A_325 = arith.constant 8 : i32
    %eq3A_326 = vector.broadcast %eq3A_325 : i32 to vector<16xi32>
    %eq3A_327 = arith.cmpi eq, %iota3A, %eq3A_326 : vector<16xi32>
    %and3A_328 = arith.andi %and3A_278, %eq3A_327 : vector<16xi1>
    %select_n3A_329 = arith.select %and3A_328, %sub3A_271, %add3A_284 : vector<16xi1>, vector<16xi32>
    tpu.vector_store_idx %arg9[%select_n3A_329], %convert_element_type3A_265 : memref<416xf32, #tpu.memory_space<vmem>>[vector<16xi32>], vector<16xf32>,
    %eq3A_330 = arith.constant 9 : i32
    %eq3A_331 = vector.broadcast %eq3A_330 : i32 to vector<16xi32>
    %eq3A_332 = arith.cmpi eq, %iota3A, %eq3A_331 : vector<16xi32>
    %and3A_333 = arith.andi %and3A_278, %eq3A_332 : vector<16xi1>
    %select_n3A_334 = arith.select %and3A_333, %sub3A_271, %add3A_284 : vector<16xi1>, vector<16xi32>
    tpu.vector_store_idx %arg9[%select_n3A_334], %convert_element_type3A_265 : memref<416xf32, #tpu.memory_space<vmem>>[vector<16xi32>], vector<16xf32>,
    %eq3A_335 = arith.constant 10 : i32
    %eq3A_336 = vector.broadcast %eq3A_335 : i32 to vector<16xi32>
    %eq3A_337 = arith.cmpi eq, %iota3A, %eq3A_336 : vector<16xi32>
    %and3A_338 = arith.andi %and3A_278, %eq3A_337 : vector<16xi1>
    %select_n3A_339 = arith.select %and3A_338, %sub3A_271, %add3A_284 : vector<16xi1>, vector<16xi32>
    tpu.vector_store_idx %arg9[%select_n3A_339], %convert_element_type3A_265 : memref<416xf32, #tpu.memory_space<vmem>>[vector<16xi32>], vector<16xf32>,
    %eq3A_340 = arith.constant 11 : i32
    %eq3A_341 = vector.broadcast %eq3A_340 : i32 to vector<16xi32>
    %eq3A_342 = arith.cmpi eq, %iota3A, %eq3A_341 : vector<16xi32>
    %and3A_343 = arith.andi %and3A_278, %eq3A_342 : vector<16xi1>
    %select_n3A_344 = arith.select %and3A_343, %sub3A_271, %add3A_284 : vector<16xi1>, vector<16xi32>
    tpu.vector_store_idx %arg9[%select_n3A_344], %convert_element_type3A_265 : memref<416xf32, #tpu.memory_space<vmem>>[vector<16xi32>], vector<16xf32>,
    %eq3A_345 = arith.constant 12 : i32
    %eq3A_346 = vector.broadcast %eq3A_345 : i32 to vector<16xi32>
    %eq3A_347 = arith.cmpi eq, %iota3A, %eq3A_346 : vector<16xi32>
    %and3A_348 = arith.andi %and3A_278, %eq3A_347 : vector<16xi1>
    %select_n3A_349 = arith.select %and3A_348, %sub3A_271, %add3A_284 : vector<16xi1>, vector<16xi32>
    tpu.vector_store_idx %arg9[%select_n3A_349], %convert_element_type3A_265 : memref<416xf32, #tpu.memory_space<vmem>>[vector<16xi32>], vector<16xf32>,
    %eq3A_350 = arith.constant 13 : i32
    %eq3A_351 = vector.broadcast %eq3A_350 : i32 to vector<16xi32>
    %eq3A_352 = arith.cmpi eq, %iota3A, %eq3A_351 : vector<16xi32>
    %and3A_353 = arith.andi %and3A_278, %eq3A_352 : vector<16xi1>
    %select_n3A_354 = arith.select %and3A_353, %sub3A_271, %add3A_284 : vector<16xi1>, vector<16xi32>
    tpu.vector_store_idx %arg9[%select_n3A_354], %convert_element_type3A_265 : memref<416xf32, #tpu.memory_space<vmem>>[vector<16xi32>], vector<16xf32>,
    %eq3A_355 = arith.constant 14 : i32
    %eq3A_356 = vector.broadcast %eq3A_355 : i32 to vector<16xi32>
    %eq3A_357 = arith.cmpi eq, %iota3A, %eq3A_356 : vector<16xi32>
    %and3A_358 = arith.andi %and3A_278, %eq3A_357 : vector<16xi1>
    %select_n3A_359 = arith.select %and3A_358, %sub3A_271, %add3A_284 : vector<16xi1>, vector<16xi32>
    tpu.vector_store_idx %arg9[%select_n3A_359], %convert_element_type3A_265 : memref<416xf32, #tpu.memory_space<vmem>>[vector<16xi32>], vector<16xf32>,
    %eq3A_360 = arith.constant 15 : i32
    %eq3A_361 = vector.broadcast %eq3A_360 : i32 to vector<16xi32>
    %eq3A_362 = arith.cmpi eq, %iota3A, %eq3A_361 : vector<16xi32>
    %and3A_363 = arith.andi %and3A_278, %eq3A_362 : vector<16xi1>
    %select_n3A_364 = arith.select %and3A_363, %sub3A_271, %add3A_284 : vector<16xi1>, vector<16xi32>
    tpu.vector_store_idx %arg9[%select_n3A_364], %convert_element_type3A_265 : memref<416xf32, #tpu.memory_space<vmem>>[vector<16xi32>], vector<16xf32>,
    %get3A_365 = arith.constant 48 : index
    %get3A_366 = tpu.vector_load %arg11[%get3A_365] {strides = array<i32>} : memref<80xi32, #tpu.memory_space<vmem>>, vector<16xi32>,
    %get3A_367 = arith.constant 48 : index
    %get3A_368 = tpu.vector_load %arg12[%get3A_367] {strides = array<i32>} : memref<80xi32, #tpu.memory_space<vmem>>, vector<16xi32>,
    %get3A_369 = arith.constant 48 : index
    %get3A_370 = tpu.vector_load %arg13[%get3A_369] {strides = array<i32>} : memref<80xi32, #tpu.memory_space<vmem>>, vector<16xi32>,
    %convert_element_type3A_371 = arith.sitofp %get3A_370 : vector<16xi32> to vector<16xf32>
    %mul3A_372 = arith.constant 100 : i32
    %mul3A_373 = vector.broadcast %mul3A_372 : i32 to vector<16xi32>
    %mul3A_374 = arith.muli %get3A_366, %mul3A_373 : vector<16xi32>
    %add3A_375 = arith.addi %mul3A_374, %get3A_368 : vector<16xi32>
    %sub3A_376 = vector.broadcast %mul3A_0 : i32 to vector<16xi32>
    %sub3A_377 = arith.subi %add3A_375, %sub3A_376 : vector<16xi32>
    %ge3A_378 = arith.constant 0 : i32
    %ge3A_379 = vector.broadcast %ge3A_378 : i32 to vector<16xi32>
    %ge3A_380 = arith.cmpi sge, %sub3A_377, %ge3A_379 : vector<16xi32>
    %lt3A_381 = arith.constant 400 : i32
    %lt3A_382 = vector.broadcast %lt3A_381 : i32 to vector<16xi32>
    %lt3A_383 = arith.cmpi slt, %sub3A_377, %lt3A_382 : vector<16xi32>
    %and3A_384 = arith.andi %ge3A_380, %lt3A_383 : vector<16xi1>
    %and3A_385 = arith.constant 15 : i32
    %and3A_386 = vector.broadcast %and3A_385 : i32 to vector<16xi32>
    %and3A_387 = arith.andi %iota3A, %and3A_386 : vector<16xi32>
    %add3A_388 = arith.constant 400 : i32
    %add3A_389 = vector.broadcast %add3A_388 : i32 to vector<16xi32>
    %add3A_390 = arith.addi %add3A_389, %and3A_387 : vector<16xi32>
    %eq3A_391 = arith.constant 0 : i32
    %eq3A_392 = vector.broadcast %eq3A_391 : i32 to vector<16xi32>
    %eq3A_393 = arith.cmpi eq, %iota3A, %eq3A_392 : vector<16xi32>
    %and3A_394 = arith.andi %and3A_384, %eq3A_393 : vector<16xi1>
    %select_n3A_395 = arith.select %and3A_394, %sub3A_377, %add3A_390 : vector<16xi1>, vector<16xi32>
    tpu.vector_store_idx %arg9[%select_n3A_395], %convert_element_type3A_371 : memref<416xf32, #tpu.memory_space<vmem>>[vector<16xi32>], vector<16xf32>,
    %eq3A_396 = arith.constant 1 : i32
    %eq3A_397 = vector.broadcast %eq3A_396 : i32 to vector<16xi32>
    %eq3A_398 = arith.cmpi eq, %iota3A, %eq3A_397 : vector<16xi32>
    %and3A_399 = arith.andi %and3A_384, %eq3A_398 : vector<16xi1>
    %select_n3A_400 = arith.select %and3A_399, %sub3A_377, %add3A_390 : vector<16xi1>, vector<16xi32>
    tpu.vector_store_idx %arg9[%select_n3A_400], %convert_element_type3A_371 : memref<416xf32, #tpu.memory_space<vmem>>[vector<16xi32>], vector<16xf32>,
    %eq3A_401 = arith.constant 2 : i32
    %eq3A_402 = vector.broadcast %eq3A_401 : i32 to vector<16xi32>
    %eq3A_403 = arith.cmpi eq, %iota3A, %eq3A_402 : vector<16xi32>
    %and3A_404 = arith.andi %and3A_384, %eq3A_403 : vector<16xi1>
    %select_n3A_405 = arith.select %and3A_404, %sub3A_377, %add3A_390 : vector<16xi1>, vector<16xi32>
    tpu.vector_store_idx %arg9[%select_n3A_405], %convert_element_type3A_371 : memref<416xf32, #tpu.memory_space<vmem>>[vector<16xi32>], vector<16xf32>,
    %eq3A_406 = arith.constant 3 : i32
    %eq3A_407 = vector.broadcast %eq3A_406 : i32 to vector<16xi32>
    %eq3A_408 = arith.cmpi eq, %iota3A, %eq3A_407 : vector<16xi32>
    %and3A_409 = arith.andi %and3A_384, %eq3A_408 : vector<16xi1>
    %select_n3A_410 = arith.select %and3A_409, %sub3A_377, %add3A_390 : vector<16xi1>, vector<16xi32>
    tpu.vector_store_idx %arg9[%select_n3A_410], %convert_element_type3A_371 : memref<416xf32, #tpu.memory_space<vmem>>[vector<16xi32>], vector<16xf32>,
    %eq3A_411 = arith.constant 4 : i32
    %eq3A_412 = vector.broadcast %eq3A_411 : i32 to vector<16xi32>
    %eq3A_413 = arith.cmpi eq, %iota3A, %eq3A_412 : vector<16xi32>
    %and3A_414 = arith.andi %and3A_384, %eq3A_413 : vector<16xi1>
    %select_n3A_415 = arith.select %and3A_414, %sub3A_377, %add3A_390 : vector<16xi1>, vector<16xi32>
    tpu.vector_store_idx %arg9[%select_n3A_415], %convert_element_type3A_371 : memref<416xf32, #tpu.memory_space<vmem>>[vector<16xi32>], vector<16xf32>,
    %eq3A_416 = arith.constant 5 : i32
    %eq3A_417 = vector.broadcast %eq3A_416 : i32 to vector<16xi32>
    %eq3A_418 = arith.cmpi eq, %iota3A, %eq3A_417 : vector<16xi32>
    %and3A_419 = arith.andi %and3A_384, %eq3A_418 : vector<16xi1>
    %select_n3A_420 = arith.select %and3A_419, %sub3A_377, %add3A_390 : vector<16xi1>, vector<16xi32>
    tpu.vector_store_idx %arg9[%select_n3A_420], %convert_element_type3A_371 : memref<416xf32, #tpu.memory_space<vmem>>[vector<16xi32>], vector<16xf32>,
    %eq3A_421 = arith.constant 6 : i32
    %eq3A_422 = vector.broadcast %eq3A_421 : i32 to vector<16xi32>
    %eq3A_423 = arith.cmpi eq, %iota3A, %eq3A_422 : vector<16xi32>
    %and3A_424 = arith.andi %and3A_384, %eq3A_423 : vector<16xi1>
    %select_n3A_425 = arith.select %and3A_424, %sub3A_377, %add3A_390 : vector<16xi1>, vector<16xi32>
    tpu.vector_store_idx %arg9[%select_n3A_425], %convert_element_type3A_371 : memref<416xf32, #tpu.memory_space<vmem>>[vector<16xi32>], vector<16xf32>,
    %eq3A_426 = arith.constant 7 : i32
    %eq3A_427 = vector.broadcast %eq3A_426 : i32 to vector<16xi32>
    %eq3A_428 = arith.cmpi eq, %iota3A, %eq3A_427 : vector<16xi32>
    %and3A_429 = arith.andi %and3A_384, %eq3A_428 : vector<16xi1>
    %select_n3A_430 = arith.select %and3A_429, %sub3A_377, %add3A_390 : vector<16xi1>, vector<16xi32>
    tpu.vector_store_idx %arg9[%select_n3A_430], %convert_element_type3A_371 : memref<416xf32, #tpu.memory_space<vmem>>[vector<16xi32>], vector<16xf32>,
    %eq3A_431 = arith.constant 8 : i32
    %eq3A_432 = vector.broadcast %eq3A_431 : i32 to vector<16xi32>
    %eq3A_433 = arith.cmpi eq, %iota3A, %eq3A_432 : vector<16xi32>
    %and3A_434 = arith.andi %and3A_384, %eq3A_433 : vector<16xi1>
    %select_n3A_435 = arith.select %and3A_434, %sub3A_377, %add3A_390 : vector<16xi1>, vector<16xi32>
    tpu.vector_store_idx %arg9[%select_n3A_435], %convert_element_type3A_371 : memref<416xf32, #tpu.memory_space<vmem>>[vector<16xi32>], vector<16xf32>,
    %eq3A_436 = arith.constant 9 : i32
    %eq3A_437 = vector.broadcast %eq3A_436 : i32 to vector<16xi32>
    %eq3A_438 = arith.cmpi eq, %iota3A, %eq3A_437 : vector<16xi32>
    %and3A_439 = arith.andi %and3A_384, %eq3A_438 : vector<16xi1>
    %select_n3A_440 = arith.select %and3A_439, %sub3A_377, %add3A_390 : vector<16xi1>, vector<16xi32>
    tpu.vector_store_idx %arg9[%select_n3A_440], %convert_element_type3A_371 : memref<416xf32, #tpu.memory_space<vmem>>[vector<16xi32>], vector<16xf32>,
    %eq3A_441 = arith.constant 10 : i32
    %eq3A_442 = vector.broadcast %eq3A_441 : i32 to vector<16xi32>
    %eq3A_443 = arith.cmpi eq, %iota3A, %eq3A_442 : vector<16xi32>
    %and3A_444 = arith.andi %and3A_384, %eq3A_443 : vector<16xi1>
    %select_n3A_445 = arith.select %and3A_444, %sub3A_377, %add3A_390 : vector<16xi1>, vector<16xi32>
    tpu.vector_store_idx %arg9[%select_n3A_445], %convert_element_type3A_371 : memref<416xf32, #tpu.memory_space<vmem>>[vector<16xi32>], vector<16xf32>,
    %eq3A_446 = arith.constant 11 : i32
    %eq3A_447 = vector.broadcast %eq3A_446 : i32 to vector<16xi32>
    %eq3A_448 = arith.cmpi eq, %iota3A, %eq3A_447 : vector<16xi32>
    %and3A_449 = arith.andi %and3A_384, %eq3A_448 : vector<16xi1>
    %select_n3A_450 = arith.select %and3A_449, %sub3A_377, %add3A_390 : vector<16xi1>, vector<16xi32>
    tpu.vector_store_idx %arg9[%select_n3A_450], %convert_element_type3A_371 : memref<416xf32, #tpu.memory_space<vmem>>[vector<16xi32>], vector<16xf32>,
    %eq3A_451 = arith.constant 12 : i32
    %eq3A_452 = vector.broadcast %eq3A_451 : i32 to vector<16xi32>
    %eq3A_453 = arith.cmpi eq, %iota3A, %eq3A_452 : vector<16xi32>
    %and3A_454 = arith.andi %and3A_384, %eq3A_453 : vector<16xi1>
    %select_n3A_455 = arith.select %and3A_454, %sub3A_377, %add3A_390 : vector<16xi1>, vector<16xi32>
    tpu.vector_store_idx %arg9[%select_n3A_455], %convert_element_type3A_371 : memref<416xf32, #tpu.memory_space<vmem>>[vector<16xi32>], vector<16xf32>,
    %eq3A_456 = arith.constant 13 : i32
    %eq3A_457 = vector.broadcast %eq3A_456 : i32 to vector<16xi32>
    %eq3A_458 = arith.cmpi eq, %iota3A, %eq3A_457 : vector<16xi32>
    %and3A_459 = arith.andi %and3A_384, %eq3A_458 : vector<16xi1>
    %select_n3A_460 = arith.select %and3A_459, %sub3A_377, %add3A_390 : vector<16xi1>, vector<16xi32>
    tpu.vector_store_idx %arg9[%select_n3A_460], %convert_element_type3A_371 : memref<416xf32, #tpu.memory_space<vmem>>[vector<16xi32>], vector<16xf32>,
    %eq3A_461 = arith.constant 14 : i32
    %eq3A_462 = vector.broadcast %eq3A_461 : i32 to vector<16xi32>
    %eq3A_463 = arith.cmpi eq, %iota3A, %eq3A_462 : vector<16xi32>
    %and3A_464 = arith.andi %and3A_384, %eq3A_463 : vector<16xi1>
    %select_n3A_465 = arith.select %and3A_464, %sub3A_377, %add3A_390 : vector<16xi1>, vector<16xi32>
    tpu.vector_store_idx %arg9[%select_n3A_465], %convert_element_type3A_371 : memref<416xf32, #tpu.memory_space<vmem>>[vector<16xi32>], vector<16xf32>,
    %eq3A_466 = arith.constant 15 : i32
    %eq3A_467 = vector.broadcast %eq3A_466 : i32 to vector<16xi32>
    %eq3A_468 = arith.cmpi eq, %iota3A, %eq3A_467 : vector<16xi32>
    %and3A_469 = arith.andi %and3A_384, %eq3A_468 : vector<16xi1>
    %select_n3A_470 = arith.select %and3A_469, %sub3A_377, %add3A_390 : vector<16xi1>, vector<16xi32>
    tpu.vector_store_idx %arg9[%select_n3A_470], %convert_element_type3A_371 : memref<416xf32, #tpu.memory_space<vmem>>[vector<16xi32>], vector<16xf32>,
    %get3A_471 = arith.constant 64 : index
    %get3A_472 = tpu.vector_load %arg11[%get3A_471] {strides = array<i32>} : memref<80xi32, #tpu.memory_space<vmem>>, vector<16xi32>,
    %get3A_473 = arith.constant 64 : index
    %get3A_474 = tpu.vector_load %arg12[%get3A_473] {strides = array<i32>} : memref<80xi32, #tpu.memory_space<vmem>>, vector<16xi32>,
    %get3A_475 = arith.constant 64 : index
    %get3A_476 = tpu.vector_load %arg13[%get3A_475] {strides = array<i32>} : memref<80xi32, #tpu.memory_space<vmem>>, vector<16xi32>,
    %convert_element_type3A_477 = arith.sitofp %get3A_476 : vector<16xi32> to vector<16xf32>
    %mul3A_478 = arith.constant 100 : i32
    %mul3A_479 = vector.broadcast %mul3A_478 : i32 to vector<16xi32>
    %mul3A_480 = arith.muli %get3A_472, %mul3A_479 : vector<16xi32>
    %add3A_481 = arith.addi %mul3A_480, %get3A_474 : vector<16xi32>
    %sub3A_482 = vector.broadcast %mul3A_0 : i32 to vector<16xi32>
    %sub3A_483 = arith.subi %add3A_481, %sub3A_482 : vector<16xi32>
    %ge3A_484 = arith.constant 0 : i32
    %ge3A_485 = vector.broadcast %ge3A_484 : i32 to vector<16xi32>
    %ge3A_486 = arith.cmpi sge, %sub3A_483, %ge3A_485 : vector<16xi32>
    %lt3A_487 = arith.constant 400 : i32
    %lt3A_488 = vector.broadcast %lt3A_487 : i32 to vector<16xi32>
    %lt3A_489 = arith.cmpi slt, %sub3A_483, %lt3A_488 : vector<16xi32>
    %and3A_490 = arith.andi %ge3A_486, %lt3A_489 : vector<16xi1>
    %and3A_491 = arith.constant 15 : i32
    %and3A_492 = vector.broadcast %and3A_491 : i32 to vector<16xi32>
    %and3A_493 = arith.andi %iota3A, %and3A_492 : vector<16xi32>
    %add3A_494 = arith.constant 400 : i32
    %add3A_495 = vector.broadcast %add3A_494 : i32 to vector<16xi32>
    %add3A_496 = arith.addi %add3A_495, %and3A_493 : vector<16xi32>
    %eq3A_497 = arith.constant 0 : i32
    %eq3A_498 = vector.broadcast %eq3A_497 : i32 to vector<16xi32>
    %eq3A_499 = arith.cmpi eq, %iota3A, %eq3A_498 : vector<16xi32>
    %and3A_500 = arith.andi %and3A_490, %eq3A_499 : vector<16xi1>
    %select_n3A_501 = arith.select %and3A_500, %sub3A_483, %add3A_496 : vector<16xi1>, vector<16xi32>
    tpu.vector_store_idx %arg9[%select_n3A_501], %convert_element_type3A_477 : memref<416xf32, #tpu.memory_space<vmem>>[vector<16xi32>], vector<16xf32>,
    %eq3A_502 = arith.constant 1 : i32
    %eq3A_503 = vector.broadcast %eq3A_502 : i32 to vector<16xi32>
    %eq3A_504 = arith.cmpi eq, %iota3A, %eq3A_503 : vector<16xi32>
    %and3A_505 = arith.andi %and3A_490, %eq3A_504 : vector<16xi1>
    %select_n3A_506 = arith.select %and3A_505, %sub3A_483, %add3A_496 : vector<16xi1>, vector<16xi32>
    tpu.vector_store_idx %arg9[%select_n3A_506], %convert_element_type3A_477 : memref<416xf32, #tpu.memory_space<vmem>>[vector<16xi32>], vector<16xf32>,
    %eq3A_507 = arith.constant 2 : i32
    %eq3A_508 = vector.broadcast %eq3A_507 : i32 to vector<16xi32>
    %eq3A_509 = arith.cmpi eq, %iota3A, %eq3A_508 : vector<16xi32>
    %and3A_510 = arith.andi %and3A_490, %eq3A_509 : vector<16xi1>
    %select_n3A_511 = arith.select %and3A_510, %sub3A_483, %add3A_496 : vector<16xi1>, vector<16xi32>
    tpu.vector_store_idx %arg9[%select_n3A_511], %convert_element_type3A_477 : memref<416xf32, #tpu.memory_space<vmem>>[vector<16xi32>], vector<16xf32>,
    %eq3A_512 = arith.constant 3 : i32
    %eq3A_513 = vector.broadcast %eq3A_512 : i32 to vector<16xi32>
    %eq3A_514 = arith.cmpi eq, %iota3A, %eq3A_513 : vector<16xi32>
    %and3A_515 = arith.andi %and3A_490, %eq3A_514 : vector<16xi1>
    %select_n3A_516 = arith.select %and3A_515, %sub3A_483, %add3A_496 : vector<16xi1>, vector<16xi32>
    tpu.vector_store_idx %arg9[%select_n3A_516], %convert_element_type3A_477 : memref<416xf32, #tpu.memory_space<vmem>>[vector<16xi32>], vector<16xf32>,
    %eq3A_517 = arith.constant 4 : i32
    %eq3A_518 = vector.broadcast %eq3A_517 : i32 to vector<16xi32>
    %eq3A_519 = arith.cmpi eq, %iota3A, %eq3A_518 : vector<16xi32>
    %and3A_520 = arith.andi %and3A_490, %eq3A_519 : vector<16xi1>
    %select_n3A_521 = arith.select %and3A_520, %sub3A_483, %add3A_496 : vector<16xi1>, vector<16xi32>
    tpu.vector_store_idx %arg9[%select_n3A_521], %convert_element_type3A_477 : memref<416xf32, #tpu.memory_space<vmem>>[vector<16xi32>], vector<16xf32>,
    %eq3A_522 = arith.constant 5 : i32
    %eq3A_523 = vector.broadcast %eq3A_522 : i32 to vector<16xi32>
    %eq3A_524 = arith.cmpi eq, %iota3A, %eq3A_523 : vector<16xi32>
    %and3A_525 = arith.andi %and3A_490, %eq3A_524 : vector<16xi1>
    %select_n3A_526 = arith.select %and3A_525, %sub3A_483, %add3A_496 : vector<16xi1>, vector<16xi32>
    tpu.vector_store_idx %arg9[%select_n3A_526], %convert_element_type3A_477 : memref<416xf32, #tpu.memory_space<vmem>>[vector<16xi32>], vector<16xf32>,
    %eq3A_527 = arith.constant 6 : i32
    %eq3A_528 = vector.broadcast %eq3A_527 : i32 to vector<16xi32>
    %eq3A_529 = arith.cmpi eq, %iota3A, %eq3A_528 : vector<16xi32>
    %and3A_530 = arith.andi %and3A_490, %eq3A_529 : vector<16xi1>
    %select_n3A_531 = arith.select %and3A_530, %sub3A_483, %add3A_496 : vector<16xi1>, vector<16xi32>
    tpu.vector_store_idx %arg9[%select_n3A_531], %convert_element_type3A_477 : memref<416xf32, #tpu.memory_space<vmem>>[vector<16xi32>], vector<16xf32>,
    %eq3A_532 = arith.constant 7 : i32
    %eq3A_533 = vector.broadcast %eq3A_532 : i32 to vector<16xi32>
    %eq3A_534 = arith.cmpi eq, %iota3A, %eq3A_533 : vector<16xi32>
    %and3A_535 = arith.andi %and3A_490, %eq3A_534 : vector<16xi1>
    %select_n3A_536 = arith.select %and3A_535, %sub3A_483, %add3A_496 : vector<16xi1>, vector<16xi32>
    tpu.vector_store_idx %arg9[%select_n3A_536], %convert_element_type3A_477 : memref<416xf32, #tpu.memory_space<vmem>>[vector<16xi32>], vector<16xf32>,
    %eq3A_537 = arith.constant 8 : i32
    %eq3A_538 = vector.broadcast %eq3A_537 : i32 to vector<16xi32>
    %eq3A_539 = arith.cmpi eq, %iota3A, %eq3A_538 : vector<16xi32>
    %and3A_540 = arith.andi %and3A_490, %eq3A_539 : vector<16xi1>
    %select_n3A_541 = arith.select %and3A_540, %sub3A_483, %add3A_496 : vector<16xi1>, vector<16xi32>
    tpu.vector_store_idx %arg9[%select_n3A_541], %convert_element_type3A_477 : memref<416xf32, #tpu.memory_space<vmem>>[vector<16xi32>], vector<16xf32>,
    %eq3A_542 = arith.constant 9 : i32
    %eq3A_543 = vector.broadcast %eq3A_542 : i32 to vector<16xi32>
    %eq3A_544 = arith.cmpi eq, %iota3A, %eq3A_543 : vector<16xi32>
    %and3A_545 = arith.andi %and3A_490, %eq3A_544 : vector<16xi1>
    %select_n3A_546 = arith.select %and3A_545, %sub3A_483, %add3A_496 : vector<16xi1>, vector<16xi32>
    tpu.vector_store_idx %arg9[%select_n3A_546], %convert_element_type3A_477 : memref<416xf32, #tpu.memory_space<vmem>>[vector<16xi32>], vector<16xf32>,
    %eq3A_547 = arith.constant 10 : i32
    %eq3A_548 = vector.broadcast %eq3A_547 : i32 to vector<16xi32>
    %eq3A_549 = arith.cmpi eq, %iota3A, %eq3A_548 : vector<16xi32>
    %and3A_550 = arith.andi %and3A_490, %eq3A_549 : vector<16xi1>
    %select_n3A_551 = arith.select %and3A_550, %sub3A_483, %add3A_496 : vector<16xi1>, vector<16xi32>
    tpu.vector_store_idx %arg9[%select_n3A_551], %convert_element_type3A_477 : memref<416xf32, #tpu.memory_space<vmem>>[vector<16xi32>], vector<16xf32>,
    %eq3A_552 = arith.constant 11 : i32
    %eq3A_553 = vector.broadcast %eq3A_552 : i32 to vector<16xi32>
    %eq3A_554 = arith.cmpi eq, %iota3A, %eq3A_553 : vector<16xi32>
    %and3A_555 = arith.andi %and3A_490, %eq3A_554 : vector<16xi1>
    %select_n3A_556 = arith.select %and3A_555, %sub3A_483, %add3A_496 : vector<16xi1>, vector<16xi32>
    tpu.vector_store_idx %arg9[%select_n3A_556], %convert_element_type3A_477 : memref<416xf32, #tpu.memory_space<vmem>>[vector<16xi32>], vector<16xf32>,
    %eq3A_557 = arith.constant 12 : i32
    %eq3A_558 = vector.broadcast %eq3A_557 : i32 to vector<16xi32>
    %eq3A_559 = arith.cmpi eq, %iota3A, %eq3A_558 : vector<16xi32>
    %and3A_560 = arith.andi %and3A_490, %eq3A_559 : vector<16xi1>
    %select_n3A_561 = arith.select %and3A_560, %sub3A_483, %add3A_496 : vector<16xi1>, vector<16xi32>
    tpu.vector_store_idx %arg9[%select_n3A_561], %convert_element_type3A_477 : memref<416xf32, #tpu.memory_space<vmem>>[vector<16xi32>], vector<16xf32>,
    %eq3A_562 = arith.constant 13 : i32
    %eq3A_563 = vector.broadcast %eq3A_562 : i32 to vector<16xi32>
    %eq3A_564 = arith.cmpi eq, %iota3A, %eq3A_563 : vector<16xi32>
    %and3A_565 = arith.andi %and3A_490, %eq3A_564 : vector<16xi1>
    %select_n3A_566 = arith.select %and3A_565, %sub3A_483, %add3A_496 : vector<16xi1>, vector<16xi32>
    tpu.vector_store_idx %arg9[%select_n3A_566], %convert_element_type3A_477 : memref<416xf32, #tpu.memory_space<vmem>>[vector<16xi32>], vector<16xf32>,
    %eq3A_567 = arith.constant 14 : i32
    %eq3A_568 = vector.broadcast %eq3A_567 : i32 to vector<16xi32>
    %eq3A_569 = arith.cmpi eq, %iota3A, %eq3A_568 : vector<16xi32>
    %and3A_570 = arith.andi %and3A_490, %eq3A_569 : vector<16xi1>
    %select_n3A_571 = arith.select %and3A_570, %sub3A_483, %add3A_496 : vector<16xi1>, vector<16xi32>
    tpu.vector_store_idx %arg9[%select_n3A_571], %convert_element_type3A_477 : memref<416xf32, #tpu.memory_space<vmem>>[vector<16xi32>], vector<16xf32>,
    %eq3A_572 = arith.constant 15 : i32
    %eq3A_573 = vector.broadcast %eq3A_572 : i32 to vector<16xi32>
    %eq3A_574 = arith.cmpi eq, %iota3A, %eq3A_573 : vector<16xi32>
    %and3A_575 = arith.andi %and3A_490, %eq3A_574 : vector<16xi1>
    %select_n3A_576 = arith.select %and3A_575, %sub3A_483, %add3A_496 : vector<16xi1>, vector<16xi32>
    tpu.vector_store_idx %arg9[%select_n3A_576], %convert_element_type3A_477 : memref<416xf32, #tpu.memory_space<vmem>>[vector<16xi32>], vector<16xf32>,
    %dma_wait3A = tpu.memref_slice %arg2[%mul3A_2] : memref<262400xf32, #tpu.memory_space<hbm>> -> memref<16400xf32, #tpu.memory_space<hbm>>
    %dma_wait3A_577 = tpu.memref_slice %arg2[%mul3A_2] : memref<262400xf32, #tpu.memory_space<hbm>> -> memref<16400xf32, #tpu.memory_space<hbm>>
    tpu.wait_dma2 semaphore(%arg17 : memref<!tpu.dma_semaphore, #tpu.memory_space<semaphore_mem>>) src(%dma_wait3A_577 : memref<16400xf32, #tpu.memory_space<hbm>>) dst(%arg8 : memref<16400xf32, #tpu.memory_space<vmem>>)
    %broadcast_in_dim3A_578 = arith.constant 0.000000e+00 : f32
    %broadcast_in_dim3A_579 = vector.broadcast %broadcast_in_dim3A_578 : f32 to vector<16xf32>
    %scan3A = arith.constant 0 : i32
    %scan3A_580 = arith.constant 25 : i32
    %scan3A_581 = arith.addi %scan3A, %scan3A_580 : i32
    %scan3A_582 = arith.constant 1 : i32
    %scan3A_583:2 = scf.for %scan3A_595 = %scan3A to %scan3A_581 step %scan3A_582 iter_args(%scan3A_596 = %broadcast_in_dim3A_579, %scan3A_597 = %broadcast_in_dim3A_579) -> (vector<16xf32>, vector<16xf32>)  : i32 {
      %mul3A_598 = arith.constant 16 : i32
      %mul3A_599 = arith.muli %scan3A_595, %mul3A_598 : i32
      %add3A_600 = vector.broadcast %mul3A_599 : i32 to vector<16xi32>
      %add3A_601 = arith.addi %add3A_600, %iota3A : vector<16xi32>
      %mul3A_602 = arith.constant 41 : i32
      %mul3A_603 = vector.broadcast %mul3A_602 : i32 to vector<16xi32>
      %mul3A_604 = arith.muli %add3A_601, %mul3A_603 : vector<16xi32>
      %add3A_605 = arith.constant 0 : i32
      %add3A_606 = vector.broadcast %add3A_605 : i32 to vector<16xi32>
      %add3A_607 = arith.addi %mul3A_604, %add3A_606 : vector<16xi32>
      %gather3A = tpu.vector_load_idx %arg8[%add3A_607] : memref<16400xf32, #tpu.memory_space<vmem>>[vector<16xi32>], vector<16xf32>,
      %add3A_608 = arith.constant 1 : i32
      %add3A_609 = vector.broadcast %add3A_608 : i32 to vector<16xi32>
      %add3A_610 = arith.addi %mul3A_604, %add3A_609 : vector<16xi32>
      %gather3A_611 = tpu.vector_load_idx %arg8[%add3A_610] : memref<16400xf32, #tpu.memory_space<vmem>>[vector<16xi32>], vector<16xf32>,
      %add3A_612 = arith.constant 2 : i32
      %add3A_613 = vector.broadcast %add3A_612 : i32 to vector<16xi32>
      %add3A_614 = arith.addi %mul3A_604, %add3A_613 : vector<16xi32>
      %gather3A_615 = tpu.vector_load_idx %arg8[%add3A_614] : memref<16400xf32, #tpu.memory_space<vmem>>[vector<16xi32>], vector<16xf32>,
      %add3A_616 = arith.constant 3 : i32
      %add3A_617 = vector.broadcast %add3A_616 : i32 to vector<16xi32>
      %add3A_618 = arith.addi %mul3A_604, %add3A_617 : vector<16xi32>
      %gather3A_619 = tpu.vector_load_idx %arg8[%add3A_618] : memref<16400xf32, #tpu.memory_space<vmem>>[vector<16xi32>], vector<16xf32>,
      %add3A_620 = arith.constant 4 : i32
      %add3A_621 = vector.broadcast %add3A_620 : i32 to vector<16xi32>
      %add3A_622 = arith.addi %mul3A_604, %add3A_621 : vector<16xi32>
      %gather3A_623 = tpu.vector_load_idx %arg8[%add3A_622] : memref<16400xf32, #tpu.memory_space<vmem>>[vector<16xi32>], vector<16xf32>,
      %add3A_624 = arith.constant 5 : i32
      %add3A_625 = vector.broadcast %add3A_624 : i32 to vector<16xi32>
      %add3A_626 = arith.addi %mul3A_604, %add3A_625 : vector<16xi32>
      %gather3A_627 = tpu.vector_load_idx %arg8[%add3A_626] : memref<16400xf32, #tpu.memory_space<vmem>>[vector<16xi32>], vector<16xf32>,
      %add3A_628 = arith.constant 6 : i32
      %add3A_629 = vector.broadcast %add3A_628 : i32 to vector<16xi32>
      %add3A_630 = arith.addi %mul3A_604, %add3A_629 : vector<16xi32>
      %gather3A_631 = tpu.vector_load_idx %arg8[%add3A_630] : memref<16400xf32, #tpu.memory_space<vmem>>[vector<16xi32>], vector<16xf32>,
      %add3A_632 = arith.constant 7 : i32
      %add3A_633 = vector.broadcast %add3A_632 : i32 to vector<16xi32>
      %add3A_634 = arith.addi %mul3A_604, %add3A_633 : vector<16xi32>
      %gather3A_635 = tpu.vector_load_idx %arg8[%add3A_634] : memref<16400xf32, #tpu.memory_space<vmem>>[vector<16xi32>], vector<16xf32>,
      %add3A_636 = arith.constant 8 : i32
      %add3A_637 = vector.broadcast %add3A_636 : i32 to vector<16xi32>
      %add3A_638 = arith.addi %mul3A_604, %add3A_637 : vector<16xi32>
      %gather3A_639 = tpu.vector_load_idx %arg8[%add3A_638] : memref<16400xf32, #tpu.memory_space<vmem>>[vector<16xi32>], vector<16xf32>,
      %add3A_640 = arith.constant 9 : i32
      %add3A_641 = vector.broadcast %add3A_640 : i32 to vector<16xi32>
      %add3A_642 = arith.addi %mul3A_604, %add3A_641 : vector<16xi32>
      %gather3A_643 = tpu.vector_load_idx %arg8[%add3A_642] : memref<16400xf32, #tpu.memory_space<vmem>>[vector<16xi32>], vector<16xf32>,
      %add3A_644 = arith.constant 10 : i32
      %add3A_645 = vector.broadcast %add3A_644 : i32 to vector<16xi32>
      %add3A_646 = arith.addi %mul3A_604, %add3A_645 : vector<16xi32>
      %gather3A_647 = tpu.vector_load_idx %arg8[%add3A_646] : memref<16400xf32, #tpu.memory_space<vmem>>[vector<16xi32>], vector<16xf32>,
      %add3A_648 = arith.constant 11 : i32
      %add3A_649 = vector.broadcast %add3A_648 : i32 to vector<16xi32>
      %add3A_650 = arith.addi %mul3A_604, %add3A_649 : vector<16xi32>
      %gather3A_651 = tpu.vector_load_idx %arg8[%add3A_650] : memref<16400xf32, #tpu.memory_space<vmem>>[vector<16xi32>], vector<16xf32>,
      %add3A_652 = arith.constant 12 : i32
      %add3A_653 = vector.broadcast %add3A_652 : i32 to vector<16xi32>
      %add3A_654 = arith.addi %mul3A_604, %add3A_653 : vector<16xi32>
      %gather3A_655 = tpu.vector_load_idx %arg8[%add3A_654] : memref<16400xf32, #tpu.memory_space<vmem>>[vector<16xi32>], vector<16xf32>,
      %add3A_656 = arith.constant 13 : i32
      %add3A_657 = vector.broadcast %add3A_656 : i32 to vector<16xi32>
      %add3A_658 = arith.addi %mul3A_604, %add3A_657 : vector<16xi32>
      %gather3A_659 = tpu.vector_load_idx %arg8[%add3A_658] : memref<16400xf32, #tpu.memory_space<vmem>>[vector<16xi32>], vector<16xf32>,
      %add3A_660 = arith.constant 14 : i32
      %add3A_661 = vector.broadcast %add3A_660 : i32 to vector<16xi32>
      %add3A_662 = arith.addi %mul3A_604, %add3A_661 : vector<16xi32>
      %gather3A_663 = tpu.vector_load_idx %arg8[%add3A_662] : memref<16400xf32, #tpu.memory_space<vmem>>[vector<16xi32>], vector<16xf32>,
      %add3A_664 = arith.constant 15 : i32
      %add3A_665 = vector.broadcast %add3A_664 : i32 to vector<16xi32>
      %add3A_666 = arith.addi %mul3A_604, %add3A_665 : vector<16xi32>
      %gather3A_667 = tpu.vector_load_idx %arg8[%add3A_666] : memref<16400xf32, #tpu.memory_space<vmem>>[vector<16xi32>], vector<16xf32>,
      %add3A_668 = arith.constant 16 : i32
      %add3A_669 = vector.broadcast %add3A_668 : i32 to vector<16xi32>
      %add3A_670 = arith.addi %mul3A_604, %add3A_669 : vector<16xi32>
      %gather3A_671 = tpu.vector_load_idx %arg8[%add3A_670] : memref<16400xf32, #tpu.memory_space<vmem>>[vector<16xi32>], vector<16xf32>,
      %add3A_672 = arith.constant 17 : i32
      %add3A_673 = vector.broadcast %add3A_672 : i32 to vector<16xi32>
      %add3A_674 = arith.addi %mul3A_604, %add3A_673 : vector<16xi32>
      %gather3A_675 = tpu.vector_load_idx %arg8[%add3A_674] : memref<16400xf32, #tpu.memory_space<vmem>>[vector<16xi32>], vector<16xf32>,
      %add3A_676 = arith.constant 18 : i32
      %add3A_677 = vector.broadcast %add3A_676 : i32 to vector<16xi32>
      %add3A_678 = arith.addi %mul3A_604, %add3A_677 : vector<16xi32>
      %gather3A_679 = tpu.vector_load_idx %arg8[%add3A_678] : memref<16400xf32, #tpu.memory_space<vmem>>[vector<16xi32>], vector<16xf32>,
      %add3A_680 = arith.constant 19 : i32
      %add3A_681 = vector.broadcast %add3A_680 : i32 to vector<16xi32>
      %add3A_682 = arith.addi %mul3A_604, %add3A_681 : vector<16xi32>
      %gather3A_683 = tpu.vector_load_idx %arg8[%add3A_682] : memref<16400xf32, #tpu.memory_space<vmem>>[vector<16xi32>], vector<16xf32>,
      %add3A_684 = arith.constant 20 : i32
      %add3A_685 = vector.broadcast %add3A_684 : i32 to vector<16xi32>
      %add3A_686 = arith.addi %mul3A_604, %add3A_685 : vector<16xi32>
      %gather3A_687 = tpu.vector_load_idx %arg8[%add3A_686] : memref<16400xf32, #tpu.memory_space<vmem>>[vector<16xi32>], vector<16xf32>,
      %add3A_688 = arith.constant 21 : i32
      %add3A_689 = vector.broadcast %add3A_688 : i32 to vector<16xi32>
      %add3A_690 = arith.addi %mul3A_604, %add3A_689 : vector<16xi32>
      %gather3A_691 = tpu.vector_load_idx %arg8[%add3A_690] : memref<16400xf32, #tpu.memory_space<vmem>>[vector<16xi32>], vector<16xf32>,
      %add3A_692 = arith.constant 22 : i32
      %add3A_693 = vector.broadcast %add3A_692 : i32 to vector<16xi32>
      %add3A_694 = arith.addi %mul3A_604, %add3A_693 : vector<16xi32>
      %gather3A_695 = tpu.vector_load_idx %arg8[%add3A_694] : memref<16400xf32, #tpu.memory_space<vmem>>[vector<16xi32>], vector<16xf32>,
      %add3A_696 = arith.constant 23 : i32
      %add3A_697 = vector.broadcast %add3A_696 : i32 to vector<16xi32>
      %add3A_698 = arith.addi %mul3A_604, %add3A_697 : vector<16xi32>
      %gather3A_699 = tpu.vector_load_idx %arg8[%add3A_698] : memref<16400xf32, #tpu.memory_space<vmem>>[vector<16xi32>], vector<16xf32>,
      %add3A_700 = arith.constant 24 : i32
      %add3A_701 = vector.broadcast %add3A_700 : i32 to vector<16xi32>
      %add3A_702 = arith.addi %mul3A_604, %add3A_701 : vector<16xi32>
      %gather3A_703 = tpu.vector_load_idx %arg8[%add3A_702] : memref<16400xf32, #tpu.memory_space<vmem>>[vector<16xi32>], vector<16xf32>,
      %add3A_704 = arith.constant 25 : i32
      %add3A_705 = vector.broadcast %add3A_704 : i32 to vector<16xi32>
      %add3A_706 = arith.addi %mul3A_604, %add3A_705 : vector<16xi32>
      %gather3A_707 = tpu.vector_load_idx %arg8[%add3A_706] : memref<16400xf32, #tpu.memory_space<vmem>>[vector<16xi32>], vector<16xf32>,
      %add3A_708 = arith.constant 26 : i32
      %add3A_709 = vector.broadcast %add3A_708 : i32 to vector<16xi32>
      %add3A_710 = arith.addi %mul3A_604, %add3A_709 : vector<16xi32>
      %gather3A_711 = tpu.vector_load_idx %arg8[%add3A_710] : memref<16400xf32, #tpu.memory_space<vmem>>[vector<16xi32>], vector<16xf32>,
      %add3A_712 = arith.constant 27 : i32
      %add3A_713 = vector.broadcast %add3A_712 : i32 to vector<16xi32>
      %add3A_714 = arith.addi %mul3A_604, %add3A_713 : vector<16xi32>
      %gather3A_715 = tpu.vector_load_idx %arg8[%add3A_714] : memref<16400xf32, #tpu.memory_space<vmem>>[vector<16xi32>], vector<16xf32>,
      %add3A_716 = arith.constant 28 : i32
      %add3A_717 = vector.broadcast %add3A_716 : i32 to vector<16xi32>
      %add3A_718 = arith.addi %mul3A_604, %add3A_717 : vector<16xi32>
      %gather3A_719 = tpu.vector_load_idx %arg8[%add3A_718] : memref<16400xf32, #tpu.memory_space<vmem>>[vector<16xi32>], vector<16xf32>,
      %add3A_720 = arith.constant 29 : i32
      %add3A_721 = vector.broadcast %add3A_720 : i32 to vector<16xi32>
      %add3A_722 = arith.addi %mul3A_604, %add3A_721 : vector<16xi32>
      %gather3A_723 = tpu.vector_load_idx %arg8[%add3A_722] : memref<16400xf32, #tpu.memory_space<vmem>>[vector<16xi32>], vector<16xf32>,
      %add3A_724 = arith.constant 30 : i32
      %add3A_725 = vector.broadcast %add3A_724 : i32 to vector<16xi32>
      %add3A_726 = arith.addi %mul3A_604, %add3A_725 : vector<16xi32>
      %gather3A_727 = tpu.vector_load_idx %arg8[%add3A_726] : memref<16400xf32, #tpu.memory_space<vmem>>[vector<16xi32>], vector<16xf32>,
      %add3A_728 = arith.constant 31 : i32
      %add3A_729 = vector.broadcast %add3A_728 : i32 to vector<16xi32>
      %add3A_730 = arith.addi %mul3A_604, %add3A_729 : vector<16xi32>
      %gather3A_731 = tpu.vector_load_idx %arg8[%add3A_730] : memref<16400xf32, #tpu.memory_space<vmem>>[vector<16xi32>], vector<16xf32>,
      %add3A_732 = arith.constant 32 : i32
      %add3A_733 = vector.broadcast %add3A_732 : i32 to vector<16xi32>
      %add3A_734 = arith.addi %mul3A_604, %add3A_733 : vector<16xi32>
      %gather3A_735 = tpu.vector_load_idx %arg8[%add3A_734] : memref<16400xf32, #tpu.memory_space<vmem>>[vector<16xi32>], vector<16xf32>,
      %add3A_736 = arith.constant 33 : i32
      %add3A_737 = vector.broadcast %add3A_736 : i32 to vector<16xi32>
      %add3A_738 = arith.addi %mul3A_604, %add3A_737 : vector<16xi32>
      %gather3A_739 = tpu.vector_load_idx %arg8[%add3A_738] : memref<16400xf32, #tpu.memory_space<vmem>>[vector<16xi32>], vector<16xf32>,
      %add3A_740 = arith.constant 34 : i32
      %add3A_741 = vector.broadcast %add3A_740 : i32 to vector<16xi32>
      %add3A_742 = arith.addi %mul3A_604, %add3A_741 : vector<16xi32>
      %gather3A_743 = tpu.vector_load_idx %arg8[%add3A_742] : memref<16400xf32, #tpu.memory_space<vmem>>[vector<16xi32>], vector<16xf32>,
      %add3A_744 = arith.constant 35 : i32
      %add3A_745 = vector.broadcast %add3A_744 : i32 to vector<16xi32>
      %add3A_746 = arith.addi %mul3A_604, %add3A_745 : vector<16xi32>
      %gather3A_747 = tpu.vector_load_idx %arg8[%add3A_746] : memref<16400xf32, #tpu.memory_space<vmem>>[vector<16xi32>], vector<16xf32>,
      %add3A_748 = arith.constant 36 : i32
      %add3A_749 = vector.broadcast %add3A_748 : i32 to vector<16xi32>
      %add3A_750 = arith.addi %mul3A_604, %add3A_749 : vector<16xi32>
      %gather3A_751 = tpu.vector_load_idx %arg8[%add3A_750] : memref<16400xf32, #tpu.memory_space<vmem>>[vector<16xi32>], vector<16xf32>,
      %add3A_752 = arith.constant 37 : i32
      %add3A_753 = vector.broadcast %add3A_752 : i32 to vector<16xi32>
      %add3A_754 = arith.addi %mul3A_604, %add3A_753 : vector<16xi32>
      %gather3A_755 = tpu.vector_load_idx %arg8[%add3A_754] : memref<16400xf32, #tpu.memory_space<vmem>>[vector<16xi32>], vector<16xf32>,
      %add3A_756 = arith.constant 38 : i32
      %add3A_757 = vector.broadcast %add3A_756 : i32 to vector<16xi32>
      %add3A_758 = arith.addi %mul3A_604, %add3A_757 : vector<16xi32>
      %gather3A_759 = tpu.vector_load_idx %arg8[%add3A_758] : memref<16400xf32, #tpu.memory_space<vmem>>[vector<16xi32>], vector<16xf32>,
      %add3A_760 = arith.constant 39 : i32
      %add3A_761 = vector.broadcast %add3A_760 : i32 to vector<16xi32>
      %add3A_762 = arith.addi %mul3A_604, %add3A_761 : vector<16xi32>
      %gather3A_763 = tpu.vector_load_idx %arg8[%add3A_762] : memref<16400xf32, #tpu.memory_space<vmem>>[vector<16xi32>], vector<16xf32>,
      %add3A_764 = arith.constant 40 : i32
      %add3A_765 = vector.broadcast %add3A_764 : i32 to vector<16xi32>
      %add3A_766 = arith.addi %mul3A_604, %add3A_765 : vector<16xi32>
      %gather3A_767 = tpu.vector_load_idx %arg8[%add3A_766] : memref<16400xf32, #tpu.memory_space<vmem>>[vector<16xi32>], vector<16xf32>,
      %max3A = arith.maximumf %gather3A, %gather3A_611 : vector<16xf32>
      %max3A_768 = arith.maximumf %gather3A_615, %gather3A_619 : vector<16xf32>
      %max3A_769 = arith.maximumf %gather3A_623, %gather3A_627 : vector<16xf32>
      %max3A_770 = arith.maximumf %gather3A_631, %gather3A_635 : vector<16xf32>
      %max3A_771 = arith.maximumf %gather3A_639, %gather3A_643 : vector<16xf32>
      %max3A_772 = arith.maximumf %gather3A_647, %gather3A_651 : vector<16xf32>
      %max3A_773 = arith.maximumf %gather3A_655, %gather3A_659 : vector<16xf32>
      %max3A_774 = arith.maximumf %gather3A_663, %gather3A_667 : vector<16xf32>
      %max3A_775 = arith.maximumf %gather3A_671, %gather3A_675 : vector<16xf32>
      %max3A_776 = arith.maximumf %gather3A_679, %gather3A_683 : vector<16xf32>
      %max3A_777 = arith.maximumf %gather3A_687, %gather3A_691 : vector<16xf32>
      %max3A_778 = arith.maximumf %gather3A_695, %gather3A_699 : vector<16xf32>
      %max3A_779 = arith.maximumf %gather3A_703, %gather3A_707 : vector<16xf32>
      %max3A_780 = arith.maximumf %gather3A_711, %gather3A_715 : vector<16xf32>
      %max3A_781 = arith.maximumf %gather3A_719, %gather3A_723 : vector<16xf32>
      %max3A_782 = arith.maximumf %gather3A_727, %gather3A_731 : vector<16xf32>
      %max3A_783 = arith.maximumf %gather3A_735, %gather3A_739 : vector<16xf32>
      %max3A_784 = arith.maximumf %gather3A_743, %gather3A_747 : vector<16xf32>
      %max3A_785 = arith.maximumf %gather3A_751, %gather3A_755 : vector<16xf32>
      %max3A_786 = arith.maximumf %gather3A_759, %gather3A_763 : vector<16xf32>
      %max3A_787 = arith.maximumf %max3A, %max3A_768 : vector<16xf32>
      %max3A_788 = arith.maximumf %max3A_769, %max3A_770 : vector<16xf32>
      %max3A_789 = arith.maximumf %max3A_771, %max3A_772 : vector<16xf32>
      %max3A_790 = arith.maximumf %max3A_773, %max3A_774 : vector<16xf32>
      %max3A_791 = arith.maximumf %max3A_775, %max3A_776 : vector<16xf32>
      %max3A_792 = arith.maximumf %max3A_777, %max3A_778 : vector<16xf32>
      %max3A_793 = arith.maximumf %max3A_779, %max3A_780 : vector<16xf32>
      %max3A_794 = arith.maximumf %max3A_781, %max3A_782 : vector<16xf32>
      %max3A_795 = arith.maximumf %max3A_783, %max3A_784 : vector<16xf32>
      %max3A_796 = arith.maximumf %max3A_785, %max3A_786 : vector<16xf32>
      %max3A_797 = arith.maximumf %max3A_787, %max3A_788 : vector<16xf32>
      %max3A_798 = arith.maximumf %max3A_789, %max3A_790 : vector<16xf32>
      %max3A_799 = arith.maximumf %max3A_791, %max3A_792 : vector<16xf32>
      %max3A_800 = arith.maximumf %max3A_793, %max3A_794 : vector<16xf32>
      %max3A_801 = arith.maximumf %max3A_795, %max3A_796 : vector<16xf32>
      %max3A_802 = arith.maximumf %max3A_797, %max3A_798 : vector<16xf32>
      %max3A_803 = arith.maximumf %max3A_799, %max3A_800 : vector<16xf32>
      %max3A_804 = arith.maximumf %max3A_801, %gather3A_767 : vector<16xf32>
      %max3A_805 = arith.maximumf %max3A_802, %max3A_803 : vector<16xf32>
      %max3A_806 = arith.maximumf %max3A_805, %max3A_804 : vector<16xf32>
      %sub3A_807 = arith.subf %gather3A, %max3A_806 : vector<16xf32>
      %exp3A = math.exp %sub3A_807 : vector<16xf32>
      %sub3A_808 = arith.subf %gather3A_611, %max3A_806 : vector<16xf32>
      %exp3A_809 = math.exp %sub3A_808 : vector<16xf32>
      %sub3A_810 = arith.subf %gather3A_615, %max3A_806 : vector<16xf32>
      %exp3A_811 = math.exp %sub3A_810 : vector<16xf32>
      %sub3A_812 = arith.subf %gather3A_619, %max3A_806 : vector<16xf32>
      %exp3A_813 = math.exp %sub3A_812 : vector<16xf32>
      %sub3A_814 = arith.subf %gather3A_623, %max3A_806 : vector<16xf32>
      %exp3A_815 = math.exp %sub3A_814 : vector<16xf32>
      %sub3A_816 = arith.subf %gather3A_627, %max3A_806 : vector<16xf32>
      %exp3A_817 = math.exp %sub3A_816 : vector<16xf32>
      %sub3A_818 = arith.subf %gather3A_631, %max3A_806 : vector<16xf32>
      %exp3A_819 = math.exp %sub3A_818 : vector<16xf32>
      %sub3A_820 = arith.subf %gather3A_635, %max3A_806 : vector<16xf32>
      %exp3A_821 = math.exp %sub3A_820 : vector<16xf32>
      %sub3A_822 = arith.subf %gather3A_639, %max3A_806 : vector<16xf32>
      %exp3A_823 = math.exp %sub3A_822 : vector<16xf32>
      %sub3A_824 = arith.subf %gather3A_643, %max3A_806 : vector<16xf32>
      %exp3A_825 = math.exp %sub3A_824 : vector<16xf32>
      %sub3A_826 = arith.subf %gather3A_647, %max3A_806 : vector<16xf32>
      %exp3A_827 = math.exp %sub3A_826 : vector<16xf32>
      %sub3A_828 = arith.subf %gather3A_651, %max3A_806 : vector<16xf32>
      %exp3A_829 = math.exp %sub3A_828 : vector<16xf32>
      %sub3A_830 = arith.subf %gather3A_655, %max3A_806 : vector<16xf32>
      %exp3A_831 = math.exp %sub3A_830 : vector<16xf32>
      %sub3A_832 = arith.subf %gather3A_659, %max3A_806 : vector<16xf32>
      %exp3A_833 = math.exp %sub3A_832 : vector<16xf32>
      %sub3A_834 = arith.subf %gather3A_663, %max3A_806 : vector<16xf32>
      %exp3A_835 = math.exp %sub3A_834 : vector<16xf32>
      %sub3A_836 = arith.subf %gather3A_667, %max3A_806 : vector<16xf32>
      %exp3A_837 = math.exp %sub3A_836 : vector<16xf32>
      %sub3A_838 = arith.subf %gather3A_671, %max3A_806 : vector<16xf32>
      %exp3A_839 = math.exp %sub3A_838 : vector<16xf32>
      %sub3A_840 = arith.subf %gather3A_675, %max3A_806 : vector<16xf32>
      %exp3A_841 = math.exp %sub3A_840 : vector<16xf32>
      %sub3A_842 = arith.subf %gather3A_679, %max3A_806 : vector<16xf32>
      %exp3A_843 = math.exp %sub3A_842 : vector<16xf32>
      %sub3A_844 = arith.subf %gather3A_683, %max3A_806 : vector<16xf32>
      %exp3A_845 = math.exp %sub3A_844 : vector<16xf32>
      %sub3A_846 = arith.subf %gather3A_687, %max3A_806 : vector<16xf32>
      %exp3A_847 = math.exp %sub3A_846 : vector<16xf32>
      %sub3A_848 = arith.subf %gather3A_691, %max3A_806 : vector<16xf32>
      %exp3A_849 = math.exp %sub3A_848 : vector<16xf32>
      %sub3A_850 = arith.subf %gather3A_695, %max3A_806 : vector<16xf32>
      %exp3A_851 = math.exp %sub3A_850 : vector<16xf32>
      %sub3A_852 = arith.subf %gather3A_699, %max3A_806 : vector<16xf32>
      %exp3A_853 = math.exp %sub3A_852 : vector<16xf32>
      %sub3A_854 = arith.subf %gather3A_703, %max3A_806 : vector<16xf32>
      %exp3A_855 = math.exp %sub3A_854 : vector<16xf32>
      %sub3A_856 = arith.subf %gather3A_707, %max3A_806 : vector<16xf32>
      %exp3A_857 = math.exp %sub3A_856 : vector<16xf32>
      %sub3A_858 = arith.subf %gather3A_711, %max3A_806 : vector<16xf32>
      %exp3A_859 = math.exp %sub3A_858 : vector<16xf32>
      %sub3A_860 = arith.subf %gather3A_715, %max3A_806 : vector<16xf32>
      %exp3A_861 = math.exp %sub3A_860 : vector<16xf32>
      %sub3A_862 = arith.subf %gather3A_719, %max3A_806 : vector<16xf32>
      %exp3A_863 = math.exp %sub3A_862 : vector<16xf32>
      %sub3A_864 = arith.subf %gather3A_723, %max3A_806 : vector<16xf32>
      %exp3A_865 = math.exp %sub3A_864 : vector<16xf32>
      %sub3A_866 = arith.subf %gather3A_727, %max3A_806 : vector<16xf32>
      %exp3A_867 = math.exp %sub3A_866 : vector<16xf32>
      %sub3A_868 = arith.subf %gather3A_731, %max3A_806 : vector<16xf32>
      %exp3A_869 = math.exp %sub3A_868 : vector<16xf32>
      %sub3A_870 = arith.subf %gather3A_735, %max3A_806 : vector<16xf32>
      %exp3A_871 = math.exp %sub3A_870 : vector<16xf32>
      %sub3A_872 = arith.subf %gather3A_739, %max3A_806 : vector<16xf32>
      %exp3A_873 = math.exp %sub3A_872 : vector<16xf32>
      %sub3A_874 = arith.subf %gather3A_743, %max3A_806 : vector<16xf32>
      %exp3A_875 = math.exp %sub3A_874 : vector<16xf32>
      %sub3A_876 = arith.subf %gather3A_747, %max3A_806 : vector<16xf32>
      %exp3A_877 = math.exp %sub3A_876 : vector<16xf32>
      %sub3A_878 = arith.subf %gather3A_751, %max3A_806 : vector<16xf32>
      %exp3A_879 = math.exp %sub3A_878 : vector<16xf32>
      %sub3A_880 = arith.subf %gather3A_755, %max3A_806 : vector<16xf32>
      %exp3A_881 = math.exp %sub3A_880 : vector<16xf32>
      %sub3A_882 = arith.subf %gather3A_759, %max3A_806 : vector<16xf32>
      %exp3A_883 = math.exp %sub3A_882 : vector<16xf32>
      %sub3A_884 = arith.subf %gather3A_763, %max3A_806 : vector<16xf32>
      %exp3A_885 = math.exp %sub3A_884 : vector<16xf32>
      %sub3A_886 = arith.subf %gather3A_767, %max3A_806 : vector<16xf32>
      %exp3A_887 = math.exp %sub3A_886 : vector<16xf32>
      %add3A_888 = arith.addf %exp3A, %exp3A_809 : vector<16xf32>
      %add3A_889 = arith.addf %exp3A_811, %exp3A_813 : vector<16xf32>
      %add3A_890 = arith.addf %exp3A_815, %exp3A_817 : vector<16xf32>
      %add3A_891 = arith.addf %exp3A_819, %exp3A_821 : vector<16xf32>
      %add3A_892 = arith.addf %exp3A_823, %exp3A_825 : vector<16xf32>
      %add3A_893 = arith.addf %exp3A_827, %exp3A_829 : vector<16xf32>
      %add3A_894 = arith.addf %exp3A_831, %exp3A_833 : vector<16xf32>
      %add3A_895 = arith.addf %exp3A_835, %exp3A_837 : vector<16xf32>
      %add3A_896 = arith.addf %exp3A_839, %exp3A_841 : vector<16xf32>
      %add3A_897 = arith.addf %exp3A_843, %exp3A_845 : vector<16xf32>
      %add3A_898 = arith.addf %exp3A_847, %exp3A_849 : vector<16xf32>
      %add3A_899 = arith.addf %exp3A_851, %exp3A_853 : vector<16xf32>
      %add3A_900 = arith.addf %exp3A_855, %exp3A_857 : vector<16xf32>
      %add3A_901 = arith.addf %exp3A_859, %exp3A_861 : vector<16xf32>
      %add3A_902 = arith.addf %exp3A_863, %exp3A_865 : vector<16xf32>
      %add3A_903 = arith.addf %exp3A_867, %exp3A_869 : vector<16xf32>
      %add3A_904 = arith.addf %exp3A_871, %exp3A_873 : vector<16xf32>
      %add3A_905 = arith.addf %exp3A_875, %exp3A_877 : vector<16xf32>
      %add3A_906 = arith.addf %exp3A_879, %exp3A_881 : vector<16xf32>
      %add3A_907 = arith.addf %exp3A_883, %exp3A_885 : vector<16xf32>
      %add3A_908 = arith.addf %add3A_888, %add3A_889 : vector<16xf32>
      %add3A_909 = arith.addf %add3A_890, %add3A_891 : vector<16xf32>
      %add3A_910 = arith.addf %add3A_892, %add3A_893 : vector<16xf32>
      %add3A_911 = arith.addf %add3A_894, %add3A_895 : vector<16xf32>
      %add3A_912 = arith.addf %add3A_896, %add3A_897 : vector<16xf32>
      %add3A_913 = arith.addf %add3A_898, %add3A_899 : vector<16xf32>
      %add3A_914 = arith.addf %add3A_900, %add3A_901 : vector<16xf32>
      %add3A_915 = arith.addf %add3A_902, %add3A_903 : vector<16xf32>
      %add3A_916 = arith.addf %add3A_904, %add3A_905 : vector<16xf32>
      %add3A_917 = arith.addf %add3A_906, %add3A_907 : vector<16xf32>
      %add3A_918 = arith.addf %add3A_908, %add3A_909 : vector<16xf32>
      %add3A_919 = arith.addf %add3A_910, %add3A_911 : vector<16xf32>
      %add3A_920 = arith.addf %add3A_912, %add3A_913 : vector<16xf32>
      %add3A_921 = arith.addf %add3A_914, %add3A_915 : vector<16xf32>
      %add3A_922 = arith.addf %add3A_916, %add3A_917 : vector<16xf32>
      %add3A_923 = arith.addf %add3A_918, %add3A_919 : vector<16xf32>
      %add3A_924 = arith.addf %add3A_920, %add3A_921 : vector<16xf32>
      %add3A_925 = arith.addf %add3A_922, %exp3A_887 : vector<16xf32>
      %add3A_926 = arith.addf %add3A_923, %add3A_924 : vector<16xf32>
      %add3A_927 = arith.addf %add3A_926, %add3A_925 : vector<16xf32>
      %bitcast3A = vector.bitcast %add3A_927 : vector<16xf32> to vector<16xi32>
      %shift_right_arithmetic3A = arith.constant 23 : i32
      %shift_right_arithmetic3A_928 = vector.broadcast %shift_right_arithmetic3A : i32 to vector<16xi32>
      %shift_right_arithmetic3A_929 = arith.shrsi %bitcast3A, %shift_right_arithmetic3A_928 : vector<16xi32>
      %sub3A_930 = arith.constant 127 : i32
      %sub3A_931 = vector.broadcast %sub3A_930 : i32 to vector<16xi32>
      %sub3A_932 = arith.subi %shift_right_arithmetic3A_929, %sub3A_931 : vector<16xi32>
      %and3A_933 = arith.constant 8388607 : i32
      %and3A_934 = vector.broadcast %and3A_933 : i32 to vector<16xi32>
      %and3A_935 = arith.andi %bitcast3A, %and3A_934 : vector<16xi32>
      %or3A = arith.constant 1065353216 : i32
      %or3A_936 = vector.broadcast %or3A : i32 to vector<16xi32>
      %or3A_937 = arith.ori %and3A_935, %or3A_936 : vector<16xi32>
      %bitcast3A_938 = vector.bitcast %or3A_937 : vector<16xi32> to vector<16xf32>
      %sub3A_939 = arith.constant 1.000000e+00 : f32
      %sub3A_940 = vector.broadcast %sub3A_939 : f32 to vector<16xf32>
      %sub3A_941 = arith.subf %bitcast3A_938, %sub3A_940 : vector<16xf32>
      %add3A_942 = arith.constant 1.000000e+00 : f32
      %add3A_943 = vector.broadcast %add3A_942 : f32 to vector<16xf32>
      %add3A_944 = arith.addf %bitcast3A_938, %add3A_943 : vector<16xf32>
      %div3A = arith.divf %sub3A_941, %add3A_944 : vector<16xf32>
      %mul3A_945 = arith.mulf %div3A, %div3A : vector<16xf32>
      %mul3A_946 = arith.constant 0.222222224 : f32
      %mul3A_947 = vector.broadcast %mul3A_946 : f32 to vector<16xf32>
      %mul3A_948 = arith.mulf %mul3A_945, %mul3A_947 : vector<16xf32>
      %add3A_949 = arith.constant 0.285714298 : f32
      %add3A_950 = vector.broadcast %add3A_949 : f32 to vector<16xf32>
      %add3A_951 = arith.addf %add3A_950, %mul3A_948 : vector<16xf32>
      %mul3A_952 = arith.mulf %mul3A_945, %add3A_951 : vector<16xf32>
      %add3A_953 = arith.constant 4.000000e-01 : f32
      %add3A_954 = vector.broadcast %add3A_953 : f32 to vector<16xf32>
      %add3A_955 = arith.addf %add3A_954, %mul3A_952 : vector<16xf32>
      %mul3A_956 = arith.mulf %mul3A_945, %add3A_955 : vector<16xf32>
      %add3A_957 = arith.constant 0.666666686 : f32
      %add3A_958 = vector.broadcast %add3A_957 : f32 to vector<16xf32>
      %add3A_959 = arith.addf %add3A_958, %mul3A_956 : vector<16xf32>
      %mul3A_960 = arith.mulf %mul3A_945, %add3A_959 : vector<16xf32>
      %add3A_961 = arith.constant 2.000000e+00 : f32
      %add3A_962 = vector.broadcast %add3A_961 : f32 to vector<16xf32>
      %add3A_963 = arith.addf %add3A_962, %mul3A_960 : vector<16xf32>
      %mul3A_964 = arith.mulf %div3A, %add3A_963 : vector<16xf32>
      %convert_element_type3A_965 = arith.sitofp %sub3A_932 : vector<16xi32> to vector<16xf32>
      %mul3A_966 = arith.constant 0.693147182 : f32
      %mul3A_967 = vector.broadcast %mul3A_966 : f32 to vector<16xf32>
      %mul3A_968 = arith.mulf %convert_element_type3A_965, %mul3A_967 : vector<16xf32>
      %add3A_969 = arith.addf %max3A_806, %mul3A_968 : vector<16xf32>
      %add3A_970 = arith.addf %add3A_969, %mul3A_964 : vector<16xf32>
      %gather3A_971 = tpu.vector_load_idx %arg9[%add3A_601] : memref<416xf32, #tpu.memory_space<vmem>>[vector<16xi32>], vector<16xf32>,
      %convert_element_type3A_972 = arith.fptosi %gather3A_971 : vector<16xf32> to vector<16xi32>
      %gather3A_973 = tpu.vector_load_idx %arg10[%convert_element_type3A_972] : memref<41xf32, #tpu.memory_space<vmem>>[vector<16xi32>], vector<16xf32>,
      %add3A_974 = arith.addi %mul3A_604, %convert_element_type3A_972 : vector<16xi32>
      %gather3A_975 = tpu.vector_load_idx %arg8[%add3A_974] : memref<16400xf32, #tpu.memory_space<vmem>>[vector<16xi32>], vector<16xf32>,
      %sub3A_976 = arith.subf %add3A_970, %gather3A_975 : vector<16xf32>
      %mul3A_977 = arith.mulf %gather3A_973, %sub3A_976 : vector<16xf32>
      %add3A_978 = arith.addf %scan3A_596, %mul3A_977 : vector<16xf32>
      %add3A_979 = arith.addf %scan3A_597, %gather3A_973 : vector<16xf32>
      scf.yield %add3A_978, %add3A_979 : vector<16xf32>, vector<16xf32>
    }
    %scan3A_584 = arith.constant 25 : i32
    %swap3A_585 = arith.constant 0 : index
    %swap3A_586 = tpu.vector_load %arg14[%swap3A_585] {strides = array<i32>} : memref<32xf32, #tpu.memory_space<vmem>>, vector<16xf32>,
    tpu.vector_store %arg14[%swap3A_585], %scan3A_583#0 {strides = array<i32>} : memref<32xf32, #tpu.memory_space<vmem>>, vector<16xf32>,
    %swap3A_587 = arith.constant 16 : index
    %swap3A_588 = tpu.vector_load %arg14[%swap3A_587] {strides = array<i32>} : memref<32xf32, #tpu.memory_space<vmem>>, vector<16xf32>,
    tpu.vector_store %arg14[%swap3A_587], %scan3A_583#1 {strides = array<i32>} : memref<32xf32, #tpu.memory_space<vmem>>, vector<16xf32>,
    %mul3A_589 = arith.constant 32 : i32
    %mul3A_590 = arith.muli %arg1, %mul3A_589 : i32
    "tpu.region"() ({
      %run_scoped3A = tpu.sem_alloc : memref<!tpu.dma_semaphore, #tpu.memory_space<semaphore_mem>>
      %dma_start3A_595 = tpu.memref_slice %arg16[%mul3A_590] : memref<512xf32, #tpu.memory_space<vmem_shared>> -> memref<32xf32, #tpu.memory_space<vmem_shared>>
      %dma_start3A_596 = tpu.memref_slice %arg16[%mul3A_590] : memref<512xf32, #tpu.memory_space<vmem_shared>> -> memref<32xf32, #tpu.memory_space<vmem_shared>>
      tpu.enqueue_dma source(%arg14 : memref<32xf32, #tpu.memory_space<vmem>>) target(%dma_start3A_596 : memref<32xf32, #tpu.memory_space<vmem_shared>>) target_semaphore(%run_scoped3A : memref<!tpu.dma_semaphore, #tpu.memory_space<semaphore_mem>>)
      %dma_wait3A_597 = tpu.memref_slice %arg16[%mul3A_590] : memref<512xf32, #tpu.memory_space<vmem_shared>> -> memref<32xf32, #tpu.memory_space<vmem_shared>>
      %dma_wait3A_598 = tpu.memref_slice %arg16[%mul3A_590] : memref<512xf32, #tpu.memory_space<vmem_shared>> -> memref<32xf32, #tpu.memory_space<vmem_shared>>
      tpu.wait_dma2 semaphore(%run_scoped3A : memref<!tpu.dma_semaphore, #tpu.memory_space<semaphore_mem>>) src(%arg14 : memref<32xf32, #tpu.memory_space<vmem>>) dst(%dma_wait3A_598 : memref<32xf32, #tpu.memory_space<vmem_shared>>)
      tpu.yield
    }) : () -> ()
    %barrier3A = arith.constant 0 : index
    tpu.barrier barrier_id(%barrier3A)
    %eq3A_591 = arith.constant 0 : i32
    %eq3A_592 = arith.cmpi eq, %arg1, %eq3A_591 : i32
    %convert_element_type3A_593 = arith.extui %eq3A_592 : i1 to i32
    %cond3A = arith.constant 0 : i32
    %cond3A_594 = arith.cmpi ne, %convert_element_type3A_593, %cond3A : i32
    scf.if %cond3A_594 {
      "tpu.region"() ({
        %run_scoped3A = tpu.sem_alloc : memref<!tpu.dma_semaphore, #tpu.memory_space<semaphore_mem>>
        tpu.enqueue_dma source(%arg16 : memref<512xf32, #tpu.memory_space<vmem_shared>>) target(%arg15 : memref<512xf32, #tpu.memory_space<vmem>>) target_semaphore(%run_scoped3A : memref<!tpu.dma_semaphore, #tpu.memory_space<semaphore_mem>>)
        tpu.wait_dma2 semaphore(%run_scoped3A : memref<!tpu.dma_semaphore, #tpu.memory_space<semaphore_mem>>) src(%arg16 : memref<512xf32, #tpu.memory_space<vmem_shared>>) dst(%arg15 : memref<512xf32, #tpu.memory_space<vmem>>)
        tpu.yield
      }) : () -> ()
      %broadcast_in_dim3A_595 = arith.constant 0.000000e+00 : f32
      %broadcast_in_dim3A_596 = vector.broadcast %broadcast_in_dim3A_595 : f32 to vector<16xf32>
      %broadcast_in_dim3A_597 = arith.constant 0.000000e+00 : f32
      %broadcast_in_dim3A_598 = vector.broadcast %broadcast_in_dim3A_597 : f32 to vector<16xf32>
      %get3A_599 = arith.constant 0 : index
      %get3A_600 = tpu.vector_load %arg15[%get3A_599] {strides = array<i32>} : memref<512xf32, #tpu.memory_space<vmem>>, vector<16xf32>,
      %add3A_601 = arith.addf %broadcast_in_dim3A_596, %get3A_600 : vector<16xf32>
      %get3A_602 = arith.constant 16 : index
      %get3A_603 = tpu.vector_load %arg15[%get3A_602] {strides = array<i32>} : memref<512xf32, #tpu.memory_space<vmem>>, vector<16xf32>,
      %add3A_604 = arith.addf %broadcast_in_dim3A_598, %get3A_603 : vector<16xf32>
      %get3A_605 = arith.constant 32 : index
      %get3A_606 = tpu.vector_load %arg15[%get3A_605] {strides = array<i32>} : memref<512xf32, #tpu.memory_space<vmem>>, vector<16xf32>,
      %add3A_607 = arith.addf %add3A_601, %get3A_606 : vector<16xf32>
      %get3A_608 = arith.constant 48 : index
      %get3A_609 = tpu.vector_load %arg15[%get3A_608] {strides = array<i32>} : memref<512xf32, #tpu.memory_space<vmem>>, vector<16xf32>,
      %add3A_610 = arith.addf %add3A_604, %get3A_609 : vector<16xf32>
      %get3A_611 = arith.constant 64 : index
      %get3A_612 = tpu.vector_load %arg15[%get3A_611] {strides = array<i32>} : memref<512xf32, #tpu.memory_space<vmem>>, vector<16xf32>,
      %add3A_613 = arith.addf %add3A_607, %get3A_612 : vector<16xf32>
      %get3A_614 = arith.constant 80 : index
      %get3A_615 = tpu.vector_load %arg15[%get3A_614] {strides = array<i32>} : memref<512xf32, #tpu.memory_space<vmem>>, vector<16xf32>,
      %add3A_616 = arith.addf %add3A_610, %get3A_615 : vector<16xf32>
      %get3A_617 = arith.constant 96 : index
      %get3A_618 = tpu.vector_load %arg15[%get3A_617] {strides = array<i32>} : memref<512xf32, #tpu.memory_space<vmem>>, vector<16xf32>,
      %add3A_619 = arith.addf %add3A_613, %get3A_618 : vector<16xf32>
      %get3A_620 = arith.constant 112 : index
      %get3A_621 = tpu.vector_load %arg15[%get3A_620] {strides = array<i32>} : memref<512xf32, #tpu.memory_space<vmem>>, vector<16xf32>,
      %add3A_622 = arith.addf %add3A_616, %get3A_621 : vector<16xf32>
      %get3A_623 = arith.constant 128 : index
      %get3A_624 = tpu.vector_load %arg15[%get3A_623] {strides = array<i32>} : memref<512xf32, #tpu.memory_space<vmem>>, vector<16xf32>,
      %add3A_625 = arith.addf %add3A_619, %get3A_624 : vector<16xf32>
      %get3A_626 = arith.constant 144 : index
      %get3A_627 = tpu.vector_load %arg15[%get3A_626] {strides = array<i32>} : memref<512xf32, #tpu.memory_space<vmem>>, vector<16xf32>,
      %add3A_628 = arith.addf %add3A_622, %get3A_627 : vector<16xf32>
      %get3A_629 = arith.constant 160 : index
      %get3A_630 = tpu.vector_load %arg15[%get3A_629] {strides = array<i32>} : memref<512xf32, #tpu.memory_space<vmem>>, vector<16xf32>,
      %add3A_631 = arith.addf %add3A_625, %get3A_630 : vector<16xf32>
      %get3A_632 = arith.constant 176 : index
      %get3A_633 = tpu.vector_load %arg15[%get3A_632] {strides = array<i32>} : memref<512xf32, #tpu.memory_space<vmem>>, vector<16xf32>,
      %add3A_634 = arith.addf %add3A_628, %get3A_633 : vector<16xf32>
      %get3A_635 = arith.constant 192 : index
      %get3A_636 = tpu.vector_load %arg15[%get3A_635] {strides = array<i32>} : memref<512xf32, #tpu.memory_space<vmem>>, vector<16xf32>,
      %add3A_637 = arith.addf %add3A_631, %get3A_636 : vector<16xf32>
      %get3A_638 = arith.constant 208 : index
      %get3A_639 = tpu.vector_load %arg15[%get3A_638] {strides = array<i32>} : memref<512xf32, #tpu.memory_space<vmem>>, vector<16xf32>,
      %add3A_640 = arith.addf %add3A_634, %get3A_639 : vector<16xf32>
      %get3A_641 = arith.constant 224 : index
      %get3A_642 = tpu.vector_load %arg15[%get3A_641] {strides = array<i32>} : memref<512xf32, #tpu.memory_space<vmem>>, vector<16xf32>,
      %add3A_643 = arith.addf %add3A_637, %get3A_642 : vector<16xf32>
      %get3A_644 = arith.constant 240 : index
      %get3A_645 = tpu.vector_load %arg15[%get3A_644] {strides = array<i32>} : memref<512xf32, #tpu.memory_space<vmem>>, vector<16xf32>,
      %add3A_646 = arith.addf %add3A_640, %get3A_645 : vector<16xf32>
      %get3A_647 = arith.constant 256 : index
      %get3A_648 = tpu.vector_load %arg15[%get3A_647] {strides = array<i32>} : memref<512xf32, #tpu.memory_space<vmem>>, vector<16xf32>,
      %add3A_649 = arith.addf %add3A_643, %get3A_648 : vector<16xf32>
      %get3A_650 = arith.constant 272 : index
      %get3A_651 = tpu.vector_load %arg15[%get3A_650] {strides = array<i32>} : memref<512xf32, #tpu.memory_space<vmem>>, vector<16xf32>,
      %add3A_652 = arith.addf %add3A_646, %get3A_651 : vector<16xf32>
      %get3A_653 = arith.constant 288 : index
      %get3A_654 = tpu.vector_load %arg15[%get3A_653] {strides = array<i32>} : memref<512xf32, #tpu.memory_space<vmem>>, vector<16xf32>,
      %add3A_655 = arith.addf %add3A_649, %get3A_654 : vector<16xf32>
      %get3A_656 = arith.constant 304 : index
      %get3A_657 = tpu.vector_load %arg15[%get3A_656] {strides = array<i32>} : memref<512xf32, #tpu.memory_space<vmem>>, vector<16xf32>,
      %add3A_658 = arith.addf %add3A_652, %get3A_657 : vector<16xf32>
      %get3A_659 = arith.constant 320 : index
      %get3A_660 = tpu.vector_load %arg15[%get3A_659] {strides = array<i32>} : memref<512xf32, #tpu.memory_space<vmem>>, vector<16xf32>,
      %add3A_661 = arith.addf %add3A_655, %get3A_660 : vector<16xf32>
      %get3A_662 = arith.constant 336 : index
      %get3A_663 = tpu.vector_load %arg15[%get3A_662] {strides = array<i32>} : memref<512xf32, #tpu.memory_space<vmem>>, vector<16xf32>,
      %add3A_664 = arith.addf %add3A_658, %get3A_663 : vector<16xf32>
      %get3A_665 = arith.constant 352 : index
      %get3A_666 = tpu.vector_load %arg15[%get3A_665] {strides = array<i32>} : memref<512xf32, #tpu.memory_space<vmem>>, vector<16xf32>,
      %add3A_667 = arith.addf %add3A_661, %get3A_666 : vector<16xf32>
      %get3A_668 = arith.constant 368 : index
      %get3A_669 = tpu.vector_load %arg15[%get3A_668] {strides = array<i32>} : memref<512xf32, #tpu.memory_space<vmem>>, vector<16xf32>,
      %add3A_670 = arith.addf %add3A_664, %get3A_669 : vector<16xf32>
      %get3A_671 = arith.constant 384 : index
      %get3A_672 = tpu.vector_load %arg15[%get3A_671] {strides = array<i32>} : memref<512xf32, #tpu.memory_space<vmem>>, vector<16xf32>,
      %add3A_673 = arith.addf %add3A_667, %get3A_672 : vector<16xf32>
      %get3A_674 = arith.constant 400 : index
      %get3A_675 = tpu.vector_load %arg15[%get3A_674] {strides = array<i32>} : memref<512xf32, #tpu.memory_space<vmem>>, vector<16xf32>,
      %add3A_676 = arith.addf %add3A_670, %get3A_675 : vector<16xf32>
      %get3A_677 = arith.constant 416 : index
      %get3A_678 = tpu.vector_load %arg15[%get3A_677] {strides = array<i32>} : memref<512xf32, #tpu.memory_space<vmem>>, vector<16xf32>,
      %add3A_679 = arith.addf %add3A_673, %get3A_678 : vector<16xf32>
      %get3A_680 = arith.constant 432 : index
      %get3A_681 = tpu.vector_load %arg15[%get3A_680] {strides = array<i32>} : memref<512xf32, #tpu.memory_space<vmem>>, vector<16xf32>,
      %add3A_682 = arith.addf %add3A_676, %get3A_681 : vector<16xf32>
      %get3A_683 = arith.constant 448 : index
      %get3A_684 = tpu.vector_load %arg15[%get3A_683] {strides = array<i32>} : memref<512xf32, #tpu.memory_space<vmem>>, vector<16xf32>,
      %add3A_685 = arith.addf %add3A_679, %get3A_684 : vector<16xf32>
      %get3A_686 = arith.constant 464 : index
      %get3A_687 = tpu.vector_load %arg15[%get3A_686] {strides = array<i32>} : memref<512xf32, #tpu.memory_space<vmem>>, vector<16xf32>,
      %add3A_688 = arith.addf %add3A_682, %get3A_687 : vector<16xf32>
      %get3A_689 = arith.constant 480 : index
      %get3A_690 = tpu.vector_load %arg15[%get3A_689] {strides = array<i32>} : memref<512xf32, #tpu.memory_space<vmem>>, vector<16xf32>,
      %add3A_691 = arith.addf %add3A_685, %get3A_690 : vector<16xf32>
      %get3A_692 = arith.constant 496 : index
      %get3A_693 = tpu.vector_load %arg15[%get3A_692] {strides = array<i32>} : memref<512xf32, #tpu.memory_space<vmem>>, vector<16xf32>,
      %add3A_694 = arith.addf %add3A_688, %get3A_693 : vector<16xf32>
      %swap3A_695 = arith.constant 0 : index
      %swap3A_696 = tpu.vector_load %arg14[%swap3A_695] {strides = array<i32>} : memref<32xf32, #tpu.memory_space<vmem>>, vector<16xf32>,
      tpu.vector_store %arg14[%swap3A_695], %add3A_691 {strides = array<i32>} : memref<32xf32, #tpu.memory_space<vmem>>, vector<16xf32>,
      %swap3A_697 = arith.constant 16 : index
      %swap3A_698 = tpu.vector_load %arg14[%swap3A_697] {strides = array<i32>} : memref<32xf32, #tpu.memory_space<vmem>>, vector<16xf32>,
      tpu.vector_store %arg14[%swap3A_697], %add3A_694 {strides = array<i32>} : memref<32xf32, #tpu.memory_space<vmem>>, vector<16xf32>,
      %xor3A = arith.constant 1 : i32
      %xor3A_699 = vector.broadcast %xor3A : i32 to vector<16xi32>
      %xor3A_700 = arith.xori %iota3A, %xor3A_699 : vector<16xi32>
      %gather3A = tpu.vector_load_idx %arg14[%xor3A_700] : memref<32xf32, #tpu.memory_space<vmem>>[vector<16xi32>], vector<16xf32>,
      %add3A_701 = arith.addf %add3A_691, %gather3A : vector<16xf32>
      %xor3A_702 = arith.constant 1 : i32
      %xor3A_703 = vector.broadcast %xor3A_702 : i32 to vector<16xi32>
      %xor3A_704 = arith.xori %iota3A, %xor3A_703 : vector<16xi32>
      %add3A_705 = arith.constant 16 : i32
      %add3A_706 = vector.broadcast %add3A_705 : i32 to vector<16xi32>
      %add3A_707 = arith.addi %xor3A_704, %add3A_706 : vector<16xi32>
      %gather3A_708 = tpu.vector_load_idx %arg14[%add3A_707] : memref<32xf32, #tpu.memory_space<vmem>>[vector<16xi32>], vector<16xf32>,
      %add3A_709 = arith.addf %add3A_694, %gather3A_708 : vector<16xf32>
      %swap3A_710 = arith.constant 0 : index
      %swap3A_711 = tpu.vector_load %arg14[%swap3A_710] {strides = array<i32>} : memref<32xf32, #tpu.memory_space<vmem>>, vector<16xf32>,
      tpu.vector_store %arg14[%swap3A_710], %add3A_701 {strides = array<i32>} : memref<32xf32, #tpu.memory_space<vmem>>, vector<16xf32>,
      %swap3A_712 = arith.constant 16 : index
      %swap3A_713 = tpu.vector_load %arg14[%swap3A_712] {strides = array<i32>} : memref<32xf32, #tpu.memory_space<vmem>>, vector<16xf32>,
      tpu.vector_store %arg14[%swap3A_712], %add3A_709 {strides = array<i32>} : memref<32xf32, #tpu.memory_space<vmem>>, vector<16xf32>,
      %xor3A_714 = arith.constant 2 : i32
      %xor3A_715 = vector.broadcast %xor3A_714 : i32 to vector<16xi32>
      %xor3A_716 = arith.xori %iota3A, %xor3A_715 : vector<16xi32>
      %gather3A_717 = tpu.vector_load_idx %arg14[%xor3A_716] : memref<32xf32, #tpu.memory_space<vmem>>[vector<16xi32>], vector<16xf32>,
      %add3A_718 = arith.addf %add3A_701, %gather3A_717 : vector<16xf32>
      %xor3A_719 = arith.constant 2 : i32
      %xor3A_720 = vector.broadcast %xor3A_719 : i32 to vector<16xi32>
      %xor3A_721 = arith.xori %iota3A, %xor3A_720 : vector<16xi32>
      %add3A_722 = arith.constant 16 : i32
      %add3A_723 = vector.broadcast %add3A_722 : i32 to vector<16xi32>
      %add3A_724 = arith.addi %xor3A_721, %add3A_723 : vector<16xi32>
      %gather3A_725 = tpu.vector_load_idx %arg14[%add3A_724] : memref<32xf32, #tpu.memory_space<vmem>>[vector<16xi32>], vector<16xf32>,
      %add3A_726 = arith.addf %add3A_709, %gather3A_725 : vector<16xf32>
      %swap3A_727 = arith.constant 0 : index
      %swap3A_728 = tpu.vector_load %arg14[%swap3A_727] {strides = array<i32>} : memref<32xf32, #tpu.memory_space<vmem>>, vector<16xf32>,
      tpu.vector_store %arg14[%swap3A_727], %add3A_718 {strides = array<i32>} : memref<32xf32, #tpu.memory_space<vmem>>, vector<16xf32>,
      %swap3A_729 = arith.constant 16 : index
      %swap3A_730 = tpu.vector_load %arg14[%swap3A_729] {strides = array<i32>} : memref<32xf32, #tpu.memory_space<vmem>>, vector<16xf32>,
      tpu.vector_store %arg14[%swap3A_729], %add3A_726 {strides = array<i32>} : memref<32xf32, #tpu.memory_space<vmem>>, vector<16xf32>,
      %xor3A_731 = arith.constant 4 : i32
      %xor3A_732 = vector.broadcast %xor3A_731 : i32 to vector<16xi32>
      %xor3A_733 = arith.xori %iota3A, %xor3A_732 : vector<16xi32>
      %gather3A_734 = tpu.vector_load_idx %arg14[%xor3A_733] : memref<32xf32, #tpu.memory_space<vmem>>[vector<16xi32>], vector<16xf32>,
      %add3A_735 = arith.addf %add3A_718, %gather3A_734 : vector<16xf32>
      %xor3A_736 = arith.constant 4 : i32
      %xor3A_737 = vector.broadcast %xor3A_736 : i32 to vector<16xi32>
      %xor3A_738 = arith.xori %iota3A, %xor3A_737 : vector<16xi32>
      %add3A_739 = arith.constant 16 : i32
      %add3A_740 = vector.broadcast %add3A_739 : i32 to vector<16xi32>
      %add3A_741 = arith.addi %xor3A_738, %add3A_740 : vector<16xi32>
      %gather3A_742 = tpu.vector_load_idx %arg14[%add3A_741] : memref<32xf32, #tpu.memory_space<vmem>>[vector<16xi32>], vector<16xf32>,
      %add3A_743 = arith.addf %add3A_726, %gather3A_742 : vector<16xf32>
      %swap3A_744 = arith.constant 0 : index
      %swap3A_745 = tpu.vector_load %arg14[%swap3A_744] {strides = array<i32>} : memref<32xf32, #tpu.memory_space<vmem>>, vector<16xf32>,
      tpu.vector_store %arg14[%swap3A_744], %add3A_735 {strides = array<i32>} : memref<32xf32, #tpu.memory_space<vmem>>, vector<16xf32>,
      %swap3A_746 = arith.constant 16 : index
      %swap3A_747 = tpu.vector_load %arg14[%swap3A_746] {strides = array<i32>} : memref<32xf32, #tpu.memory_space<vmem>>, vector<16xf32>,
      tpu.vector_store %arg14[%swap3A_746], %add3A_743 {strides = array<i32>} : memref<32xf32, #tpu.memory_space<vmem>>, vector<16xf32>,
      %xor3A_748 = arith.constant 8 : i32
      %xor3A_749 = vector.broadcast %xor3A_748 : i32 to vector<16xi32>
      %xor3A_750 = arith.xori %iota3A, %xor3A_749 : vector<16xi32>
      %gather3A_751 = tpu.vector_load_idx %arg14[%xor3A_750] : memref<32xf32, #tpu.memory_space<vmem>>[vector<16xi32>], vector<16xf32>,
      %add3A_752 = arith.addf %add3A_735, %gather3A_751 : vector<16xf32>
      %xor3A_753 = arith.constant 8 : i32
      %xor3A_754 = vector.broadcast %xor3A_753 : i32 to vector<16xi32>
      %xor3A_755 = arith.xori %iota3A, %xor3A_754 : vector<16xi32>
      %add3A_756 = arith.constant 16 : i32
      %add3A_757 = vector.broadcast %add3A_756 : i32 to vector<16xi32>
      %add3A_758 = arith.addi %xor3A_755, %add3A_757 : vector<16xi32>
      %gather3A_759 = tpu.vector_load_idx %arg14[%add3A_758] : memref<32xf32, #tpu.memory_space<vmem>>[vector<16xi32>], vector<16xf32>,
      %add3A_760 = arith.addf %add3A_743, %gather3A_759 : vector<16xf32>
      %div3A = arith.divf %add3A_752, %add3A_760 : vector<16xf32>
      %swap3A_761 = arith.constant 0 : index
      %swap3A_762 = tpu.vector_load %arg14[%swap3A_761] {strides = array<i32>} : memref<32xf32, #tpu.memory_space<vmem>>, vector<16xf32>,
      tpu.vector_store %arg14[%swap3A_761], %div3A {strides = array<i32>} : memref<32xf32, #tpu.memory_space<vmem>>, vector<16xf32>,
      "tpu.region"() ({
        %run_scoped3A = tpu.sem_alloc : memref<!tpu.dma_semaphore, #tpu.memory_space<semaphore_mem>>
        %dma_start3A_763 = arith.constant 0 : i32
        %dma_start3A_764 = tpu.memref_slice %arg14[%dma_start3A_763] : memref<32xf32, #tpu.memory_space<vmem>> -> memref<16xf32, #tpu.memory_space<vmem>>
        %dma_start3A_765 = arith.constant 0 : i32
        %dma_start3A_766 = tpu.memref_slice %arg14[%dma_start3A_765] : memref<32xf32, #tpu.memory_space<vmem>> -> memref<16xf32, #tpu.memory_space<vmem>>
        tpu.enqueue_dma source(%dma_start3A_766 : memref<16xf32, #tpu.memory_space<vmem>>) target(%arg7 : memref<16xf32, #tpu.memory_space<hbm>>) target_semaphore(%run_scoped3A : memref<!tpu.dma_semaphore, #tpu.memory_space<semaphore_mem>>)
        %dma_wait3A_767 = arith.constant 0 : i32
        %dma_wait3A_768 = tpu.memref_slice %arg14[%dma_wait3A_767] : memref<32xf32, #tpu.memory_space<vmem>> -> memref<16xf32, #tpu.memory_space<vmem>>
        %dma_wait3A_769 = arith.constant 0 : i32
        %dma_wait3A_770 = tpu.memref_slice %arg14[%dma_wait3A_769] : memref<32xf32, #tpu.memory_space<vmem>> -> memref<16xf32, #tpu.memory_space<vmem>>
        tpu.wait_dma2 semaphore(%run_scoped3A : memref<!tpu.dma_semaphore, #tpu.memory_space<semaphore_mem>>) src(%dma_wait3A_770 : memref<16xf32, #tpu.memory_space<vmem>>) dst(%arg7 : memref<16xf32, #tpu.memory_space<hbm>>)
        tpu.yield
      }) : () -> ()
    } else {
    }
    return
  }
}

</mosaic_0001>

<sc_bundles>
// kernel: kernel.3.cloned.1.call-start
scs
__scs_entry_jumppad:
0x0: {  	(pc) =	sbr.rel $0x88, $3  }
0x1: {  	(tag) =	ssettag $0x0;
	lr =	simm.s32 $0x1  }
0x2: {  	[smem:$0x3F9C] =	sst lr;
	_ =	strace $0xD0000000  }
0x3: {  	_ = 	snop  }
0x4: {  	_ = 	snop  }
0x5: {  	_ = 	snop  }
0x6: {  	_ = 	snop  }
0x7: {  	_ = 	snop  }
__scs_overlays_trampoline_lowered:
0x8: {  	[smem:$0x3FAB] =	sst s0  }
0x9: {  	[smem:$0x3FAC] =	sst s1  }
0xa: {  	[smem:$0x3FAD] =	sst s2  }
0xb: {  	[smem:$0x3FAE] =	sst s3  }
0xc: {  	[smem:$0x3FAF] =	sst s4  }
0xd: {  	[smem:$0x3FB0] =	sst s5  }
0xe: {  	[smem:$0x3FB1] =	sst s6  }
0xf: {  	[smem:$0x3FB2] =	sst s7  }
0x10: {  	[smem:$0x3FB3] =	sst s8  }
0x11: {  	[smem:$0x3FB4] =	sst s9;
	s0 =	simm.s32 @!p0 $0x0  }
0x12: {  	s1 =	sld [smem:$0x3F9A];
	s0 =	simm.s32 @p0 $0x1  }
0x13: {  	[smem:$0x3FB5] =	sst s0;
	s0 =	simm.s32 @!p1 $0x0  }
0x14: {  	s2 =	sld [smem:$0x3F99];
	s0 =	simm.s32 @p1 $0x1  }
0x15: {  	[smem:$0x3FB6] =	sst s0;
	s0 =	simm.s32 @!p2 $0x0  }
0x16: {  	s3 =	sld [smem:$0x3FDB];
	s0 =	simm.s32 @p2 $0x1  }
0x17: {  	s4 =	simm.s32 $0x1BF5;
	[smem:$0x3FB8] =	sst s0  }
0x18: {  	s0 =	sld [smem:$0x3F9B];
	_ =	swait.ge [sflag:s4], $0x0  }
0x19: {  	s7 =	sld [smem:$0x3F9C]  }
0x1a: {  	s8 =	sadd.s32 $0xFFFFE003, lr  }
0x1b: {  	s9 =	sadd.s32 $0xFFFFFEF7, lr;
	s5 =	simm.s32 $0xFFFFFFFF;
	p2 =	slt.u32 s8, $0xFFFFF086  }
0x1c: {  	p1 =	slt.u32 s9, $0xF7A;
	s5 =	simm.s32 @!p2 $0x0  }
0x1d: {  	s5 =	simm.s32 @p1 $0x1;
	p0 =	seq.s32 s7, s2  }
0x1e: {  	s7 =	smul.u32 @!p0 $0xF7A, s2;
	p2 =	seq.s32 @!p0 s5, $0x0  }
0x1f: {  	s9 =	smul.u32 $0xF7A, s1;
	s8 =	simm.s32 @!p0 $0x1BF5;
	p2 =	por !p2, p0  }
0x20: {  	[sflag:s8] =	ssyncset.s32 @!p0 $0xFFFFF086;
	s6 =	sadd.s32 @!p0 s3, s7;
	s7 =	simm.s32 @!p0 $0x108  }
0x21: {  	s3 =	sadd.s32 s3, s9;
	s6 =	sadd.s32 @!p0 $0x88, s6;
	s7 =	simm.s32 @p2 $0x1082  }
0x22: {  	[simem:s7], [sflag:s8] =	dma.local @!p0 [hbm:s6], $0xF7A  }
0x23: {  	s9 =	sor.u32 $0xD0000000, s2;
	s6 =	simm.s32 $0x108;
	_ =	swait.ge @!p0 [sflag:s8], $0x0  }
0x24: {  	s3 =	sadd.s32 $0x88, s3;
	s6 =	simm.s32 @!p1 $0x1082;
	[sflag:s4] =	ssyncset.s32 $0xFFFFF086  }
0x25: {  	[simem:s6], [sflag:s4] =	dma.local [hbm:s3], $0xF7A  }
0x26: {  	[smem:$0x3F9C] =	sst s1;
	(tag) =	ssettag s2;
	_ =	strace s9  }
0x27: {  	s1 =	sld [smem:$0x3FAC]  }
0x28: {  	s2 =	sld [smem:$0x3FAD]  }
0x29: {  	s4 =	sld [smem:$0x3FAF]  }
0x2a: {  	p0 =	seq.s32 s5, $0x0;
	s5 =	sld [smem:$0x3FB0]  }
0x2b: {  	s6 =	sld [smem:$0x3FB1]  }
0x2c: {  	s7 =	sld [smem:$0x3FB2]  }
0x2d: {  	s3 =	simm.s32 $0x108;
	s8 =	sld [smem:$0x3FB3]  }
0x2e: {  	s3 =	simm.s32 @!p0 $0x1082;
	s9 =	sld [smem:$0x3FB4]  }
0x2f: {  	lr =	sadd.s32 s0, s3;
	s0 =	sld [smem:$0x3FAB]  }
0x30: {  	s3 =	sld [smem:$0x3FAE]  }
0x31: {  	[smem:$0x3FB7] =	sst s10  }
0x32: {  	s10 =	sld [smem:$0x3FB5];
	_ =	sdelay $0x3  }
0x33: {  	p0 =	seq.s32 s10, $0x1;
	s10 =	sld [smem:$0x3FB7];
	_ =	sdelay $0x3  }
0x34: {  	[smem:$0x3FB7] =	sst s10  }
0x35: {  	s10 =	sld [smem:$0x3FB6];
	_ =	sdelay $0x3  }
0x36: {  	p1 =	seq.s32 s10, $0x1;
	s10 =	sld [smem:$0x3FB7];
	_ =	sdelay $0x3  }
0x37: {  	[smem:$0x3FB7] =	sst s10  }
0x38: {  	s10 =	sld [smem:$0x3FB8]  }
0x39: {  	_ = 	snop;
	(pc) =	sbr.ind lr, $3  }
0x3a: {  	_ = 	snop  }
0x3b: {  	_ = 	snop  }
0x3c: {  	p2 =	seq.s32 s10, $0x1;
	s10 =	sld [smem:$0x3FB7]  }
0x3d: {  	_ =	shalt  }
0x3e: {  	_ =	shalt  }
0x3f: {  	_ =	shalt  }
0x40: {  	_ =	shalt  }
0x41: {  	_ =	shalt  }
0x42: {  	_ =	shalt  }
0x43: {  	_ =	shalt  }
0x44: {  	_ =	shalt  }
0x45: {  	_ =	shalt  }
0x46: {  	_ =	shalt  }
0x47: {  	_ =	shalt  }
0x48: {  	_ =	shalt  }
0x49: {  	_ =	shalt  }
0x4a: {  	_ =	shalt  }
0x4b: {  	_ =	shalt  }
0x4c: {  	_ =	shalt  }
0x4d: {  	_ =	shalt  }
0x4e: {  	_ =	shalt  }
0x4f: {  	_ =	shalt  }
0x50: {  	_ =	shalt  }
0x51: {  	_ =	shalt  }
0x52: {  	_ =	shalt  }
0x53: {  	_ =	shalt  }
0x54: {  	_ =	shalt  }
0x55: {  	_ =	shalt  }
0x56: {  	_ =	shalt  }
0x57: {  	_ =	shalt  }
0x58: {  	_ =	shalt  }
0x59: {  	_ =	shalt  }
0x5a: {  	_ =	shalt  }
0x5b: {  	_ =	shalt  }
0x5c: {  	_ =	shalt  }
0x5d: {  	_ =	shalt  }
0x5e: {  	_ =	shalt  }
0x5f: {  	_ =	shalt  }
0x60: {  	_ =	shalt  }
0x61: {  	_ =	shalt  }
0x62: {  	_ =	shalt  }
0x63: {  	_ =	shalt  }
0x64: {  	_ =	shalt  }
0x65: {  	_ =	shalt  }
0x66: {  	_ =	shalt  }
0x67: {  	_ =	shalt  }
0x68: {  	_ =	shalt  }
0x69: {  	_ =	shalt  }
0x6a: {  	_ =	shalt  }
0x6b: {  	_ =	shalt  }
0x6c: {  	_ =	shalt  }
0x6d: {  	_ =	shalt  }
0x6e: {  	_ =	shalt  }
0x6f: {  	_ =	shalt  }
0x70: {  	_ =	shalt  }
0x71: {  	_ =	shalt  }
0x72: {  	_ =	shalt  }
0x73: {  	_ =	shalt  }
0x74: {  	_ =	shalt  }
0x75: {  	_ =	shalt  }
0x76: {  	_ =	shalt  }
0x77: {  	_ =	shalt  }
0x78: {  	_ =	shalt  }
0x79: {  	_ =	shalt  }
0x7a: {  	_ =	shalt  }
0x7b: {  	_ =	shalt  }
0x7c: {  	_ =	shalt  }
0x7d: {  	_ =	shalt  }
0x7e: {  	_ =	shalt  }
0x7f: {  	_ =	shalt  }
0x80: {  	_ =	shalt  }
0x81: {  	_ =	shalt  }
0x82: {  	_ =	shalt  }
0x83: {  	_ =	shalt  }
0x84: {  	_ =	shalt  }
0x85: {  	_ =	shalt  }
0x86: {  	_ =	shalt  }
0x87: {  	_ =	shalt  }
.Lfunc_end0:
.L_simem_size_0:
called_computation_lowered:
.L_overlay_start_0:
0x88: {  	s0 =	sld [smem:$0x3FD9]  }
0x89: {  	s1 =	sld [smem:$0x3FFE];
	_ =	sdelay $0x3  }
0x8a: {  	s0 =	sadd.s32 s1, s0  }
0x8b: {  	[smem:$0x3FC3] =	sst s0  }
0x8c: {  	_ = 	snop  }
0x8d: {  	s0 =	sld [smem:$0x3FC8]  }
0x8e: {  	s16 =	sld [smem:$0x3FC7]  }
0x8f: {  	s2 =	sld [smem:$0x3FC6]  }
0x90: {  	s3 =	sld [smem:$0x3FC5]  }
0x91: {  	s4 =	sld [smem:$0x3FD0];
	(tm) =	ssettm $0x1  }
0x92: {  	s5 =	sld [smem:$0x3FFB];
	_ =	sdelay $0x3  }
0x93: {  	_ =	strace s5  }
0x94: {  	s5 =	sld [smem:$0x3FFC];
	_ =	sdelay $0x3  }
0x95: {  	_ =	strace s5  }
0x96: {  	s5 =	sld [smem:$0x3FFD];
	_ =	sdelay $0x3  }
0x97: {  	_ =	strace s5  }
0x98: {  	_ =	strace $0x8FFFFFFF  }
0x99: {  	s17 =	sld [smem:$0x3FDB];
	_ =	sdelay $0x1  }
0x9a: {  	s6 =	simm.s32 $_scs_section_size  }
0x9b: {  	s7 =	simm.s32 $_size__tile_overlayer_lowered;
	s8 =	simm.s32 $_tile_overlayer_lowered  }
0x9c: {  	s20 =	simm.s32 $0x1BFF;
	s19 =	sshll.u32 s8, $0x1;
	s5 =	sadd.s32 s6, s17  }
0x9d: {  	s9 =	simm.s32 $0x0;
	s18 =	sshll.u32 s7, $0x1;
	s7 =	sadd.s32 s19, s5  }
0x9e: {  	[timem:s9], [sflag:s20] =	dma.local [hbm:s7], s18  }
0x9f: {  	_ =	swait.ge [sflag:s20], s18  }
0xa0: {  	s6 =	ssub.s32 $0x0, s18;
	[sflag:s20] =	ssyncset.done $0x0  }
0xa1: {  	[sflag:s20] =	ssyncadd.s32 s6;
	_ =	sdelay $0x1  }
0xa2: {  	s21 =	simm.s32 $0x1B8B  }
0xa3: {  	_ =	swait.ge [sflag:s21], $0x1  }
0xa4: {  	[sflag:s21] =	ssyncset.done $0x0  }
0xa5: {  	s23 =	simm.s32 $0x1B8E;
	s22 =	sld [smem:$0x3FFE];
	[sflag:s21] =	ssyncadd.s32 $0xFFFFFFFF  }
0xa6: {  	s24 =	simm.s32 $execute0_lowered;
	[smem:$0x3FD2] =	sst s23  }
0xa7: {  	s7 =	sshll.u32 s24, $0x1;
	_ =	strace $0x80000046;
	[dreg:$0x1] =	wrdreg $0xFFFFFFFF  }
0xa8: {  	s25 =	simm.s32 $_size_execute0_lowered;
	s5 =	sadd.s32 s5, s7;
	[dreg:$0x0] =	wrdreg $0x0  }
0xa9: {  	s7 =	sshll.u32 s25, $0x1;
	[dreg:$0x2] =	wrdreg s5  }
0xaa: {  	[dreg:$0x3] =	wrdreg s7  }
0xab: {  	[dreg:$0x4] =	wrdreg $0xC0  }
0xac: {  	_ =	task [dreg:s9], $0x5FFFF  }
0xad: {  	[dreg:$0x1] =	wrdreg $0xFFFFFFFF  }
0xae: {  	[dreg:$0x0] =	wrdreg $0x60  }
0xaf: {  	[dreg:$0x2] =	wrdreg s22  }
0xb0: {  	[dreg:$0x3] =	wrdreg s16  }
0xb1: {  	[dreg:$0x4] =	wrdreg s2  }
0xb2: {  	[dreg:$0x5] =	wrdreg s0  }
0xb3: {  	[dreg:$0x6] =	wrdreg s3  }
0xb4: {  	[dreg:$0x7] =	wrdreg s4  }
0xb5: {  	[dreg:$0x8] =	wrdreg $0x47000  }
0xb6: {  	[dreg:$0x9] =	wrdreg $0x9  }
0xb7: {  	_ =	task.clear_ibuf [dreg:s9], $0xAFFFF;
	_ =	strace $0x90000046  }
0xb8: {  	s26 =	simm.s32 $0x9;
	_ =	strace $0x80000048  }
0xb9: {  	_ =	swait.ge [sflag:s26], $0x1  }
0xba: {  	[sflag:s26] =	ssyncadd.s32 $0xFFFFFFFF  }
0xbb: {  	_ =	strace $0x90000048  }
0xbc: {  	_ =	sfence  }
0xbd: {  	s28 =	sld [smem:$0x0];
	_ =	sdelay $0x1  }
0xbe: {  	s29 =	srdreg.scid  }
0xbf: {  	s30 =	sshll.u32 s29, $0xD;
	s31 =	sshrl.u32 s29, $0x2  }
0xc0: {  	s1 =	sand.u32 $0x1, s29;
	s2 =	sand.u32 $0x4000, s30;
	s0 =	sadd.s32 s31, s28  }
0xc1: {  	s1 =	sor.u32 s2, s1;
	s0 =	sshll.u32 s0, $0x11  }
0xc2: {  	s0 =	sor.u32 s0, s1  }
0xc3: {  	s0 =	sadd.s32 $0x8F2B, s0  }
0xc4: {  	[sflag:s0] =	ssyncadd.remote.s32 $0x1  }
0xc5: {  	_ =	sfence.sel $0xFFFF  }
0xc6: {  	[dreg:$0x0] =	wrdreg $0xFFFFFFFF;
	(pc) =	sbr.abs _section_cstart, $3  }
0xc7: {  	[dreg:$0x1] =	wrdreg $0xFFFFFFFF  }
0xc8: {  	_ =	task.clear_ibuf [dreg:s9], $0x2FFFF;
	_ =	strace $0x9FFFFFFF  }
0xc9: {  	(tm) =	ssettm $0x7FFFFFFF  }
tec
execute0_lowered:
.L_overlay_start_1:
0x0: {  	(tag) =	ssettag $0x1  }
0x1: {  	s5 =	rddreg [dreg:$0x0]  }
0x2: {  	s6 =	rddreg [dreg:$0x1]  }
0x3: {  	s7 =	rddreg [dreg:$0x2]  }
0x4: {  	s8 =	rddreg [dreg:$0x3]  }
0x5: {  	s9 =	rddreg [dreg:$0x4];
	s3 =	stileid.u32  }
0x6: {  	s1 =	rddreg [dreg:$0x5];
	s10 =	smul.u32 $0x802, s3  }
0x7: {  	s2 =	rddreg [dreg:$0x6];
	s4 =	simm.s32 $0x0  }
0x8: {  	[smem:$0x7FF] =	sst s4;
	s5 =	sadd.s32 s10, s5  }
0x9: {  	s0 =	rddreg [dreg:$0x7];
	_ =	strace $0x80000047;
	s5 =	sadd.s32 $0x400, s5  }
0xa: {  	[tilespmem:s4], [sflag:$0x1] =	stream.linear.gather [hbm4b:s5+s4], $0x4010, $0x38;
	[tilespmem:$0x4720] =	vst v63  }
0xb: {  	s25 =	simm.s32 $0x4300  }
0xc: {  	[tilespmem:s25], [sflag:$0x2] =	stream.linear.gather [hbm4b:s6+s4], $0x80, $0x38;
	[tilespmem:$0x4720] =	vst v63  }
0xd: {  	s26 =	simm.s32 $0x4380  }
0xe: {  	[tilespmem:s26], [sflag:$0x2] =	stream.linear.gather [hbm4b:s7+s4], $0x80, $0x38;
	[tilespmem:$0x4720] =	vst v63  }
0xf: {  	s28 =	simm.s32 $0x4400  }
0x10: {  	[tilespmem:s28], [sflag:$0x2] =	stream.linear.gather [hbm4b:s8+s4], $0x80, $0x38;
	[tilespmem:$0x4720] =	vst v63  }
0x11: {  	s29 =	simm.s32 $0x2;
	s5 =	simm.s32 $0x4280  }
0x12: {  	[tilespmem:s5], [sflag:$0x2] =	stream.linear.gather [hbm4b:s9+s4], $0x80, $0x38;
	[tilespmem:$0x4720] =	vst v63  }
0x13: {  	_ =	swait.ge [sflag:s29], $0x80  }
0x14: {  	[sflag:s29] =	ssyncset.done $0x0  }
0x15: {  	[sflag:s29] =	ssyncadd.s32 $0xFFFFFF80  }
0x16: {  	_ =	swait.ge [sflag:s29], $0x80  }
0x17: {  	[sflag:s29] =	ssyncset.done $0x0  }
0x18: {  	[sflag:s29] =	ssyncadd.s32 $0xFFFFFF80  }
0x19: {  	_ =	swait.ge [sflag:s29], $0x80  }
0x1a: {  	[sflag:s29] =	ssyncset.done $0x0  }
0x1b: {  	[sflag:s29] =	ssyncadd.s32 $0xFFFFFF80  }
0x1c: {  	_ =	swait.ge [sflag:s29], $0x80  }
0x1d: {  	[sflag:s29] =	ssyncset.done $0x0  }
0x1e: {  	v1 =	vimm.f32 $4.000000000e+01;
	[sflag:s29] =	ssyncadd.s32 $0xFFFFFF80  }
0x1f: {  	[tilespmem:$0x4080] =	vst v1  }
0x20: {  	[tilespmem:$0x4090] =	vst v1  }
0x21: {  	[tilespmem:$0x40A0] =	vst v1  }
0x22: {  	[tilespmem:$0x40B0] =	vst v1  }
0x23: {  	[tilespmem:$0x40C0] =	vst v1  }
0x24: {  	[tilespmem:$0x40D0] =	vst v1  }
0x25: {  	[tilespmem:$0x40E0] =	vst v1  }
0x26: {  	[tilespmem:$0x40F0] =	vst v1  }
0x27: {  	[tilespmem:$0x4100] =	vst v1  }
0x28: {  	[tilespmem:$0x4110] =	vst v1  }
0x29: {  	[tilespmem:$0x4120] =	vst v1  }
0x2a: {  	[tilespmem:$0x4130] =	vst v1;
	v0 =	vld [tilespmem:$0x4300]  }
0x2b: {  	[tilespmem:$0x4140] =	vst v1;
	v2 =	vld [tilespmem:$0x4380]  }
0x2c: {  	[tilespmem:$0x4150] =	vst v1  }
0x2d: {  	[tilespmem:$0x4160] =	vst v1  }
0x2e: {  	s30 =	smul.u32 $0xFFFFFE70, s3;
	[tilespmem:$0x4170] =	vst v1  }
0x2f: {  	[tilespmem:$0x4180] =	vst v1;
	v0 =	vmul.u32 $0x64, v0  }
0x30: {  	[tilespmem:$0x4190] =	vst v1;
	v2 =	vadd.s32 s30, v2  }
0x31: {  	vm1 =	vmmov $0x1;
	[tilespmem:$0x41A0] =	vst v1;
	v2 =	vadd.s32 v0, v2;
	v0 =	vimm.s32 $0x0  }
0x32: {  	v3 =	vld [tilespmem:$0x4400];
	[tilespmem:$0x41B0] =	vst v1;
	v0 =	vsel vm1, $0xFFFFFFFF, v0  }
0x33: {  	vm12 =	vcmask $0x704;
	vm0 =	vlt.u32 v2, $0x190;
	[tilespmem:$0x1FD40] =	vst v0;
	v0 =	vlaneseq.u32  }
0x34: {  	vm13 =	vcmask $0xB08;
	[tilespmem:$0x41C0] =	vst v1;
	vm2 =	vmand vm0, vm1;
	v0 =	vor.u32 $0x190, v0  }
0x35: {  	vm14 =	vcmask $0xF0C;
	[tilespmem:$0x41D0] =	vst v1;
	vm3 =	vmand vm0, vm12;
	v4 =	vsel vm2, v2, v0  }
0x36: {  	vm15 =	vcmask $0x1310;
	[tilespmem:$0x41E0] =	vst v1;
	vm4 =	vmand vm0, vm13;
	v5 =	vsel vm3, v2, v0  }
0x37: {  	[tilespmem:$0x41F0] =	vst v1;
	v3 =	vcvt.s32.f32 v3;
	vm5 =	vmand vm0, vm14;
	v6 =	vsel vm4, v2, v0  }
0x38: {  	[tilespmem:$0x4200] =	vst v1;
	vm6 =	vmand vm0, vm15;
	v7 =	vsel vm5, v2, v0;
	vm4 =	vcmask $0x1714  }
0x39: {  	s6 =	simm.s32 $0x4080;
	[tilespmem:$0x4210] =	vst v1;
	v1 =	vsel vm6, v2, v0;
	vm5 =	vcmask $0x1B18;
	vm7 =	vmand vm0, vm4  }
0x3a: {  	vm6 =	vcmask $0x1F1C;
	vm8 =	vmand vm0, vm5;
	[tilespmem:v4+s6+$0x0] =	vst.idx.msk $0xffff, v3;
	v4 =	vsel vm7, v2, v0  }
0x3b: {  	vm9 =	vmand vm0, vm6;
	vm7 =	vcmask $0x2320;
	[tilespmem:v5+s6+$0x0] =	vst.idx.msk $0xffff, v3;
	v5 =	vsel vm8, v2, v0  }
0x3c: {  	vm10 =	vmand vm0, vm7;
	vm8 =	vcmask $0x2724;
	[tilespmem:v6+s6+$0x0] =	vst.idx.msk $0xffff, v3;
	v6 =	vsel vm9, v2, v0  }
0x3d: {  	vm11 =	vmand vm0, vm8;
	vm9 =	vcmask $0x2B28;
	[tilespmem:v7+s6+$0x0] =	vst.idx.msk $0xffff, v3;
	v7 =	vsel vm10, v2, v0  }
0x3e: {  	vm12 =	vmand vm0, vm9;
	vm10 =	vcmask $0x2F2C;
	[tilespmem:v1+s6+$0x0] =	vst.idx.msk $0xffff, v3;
	v1 =	vsel vm11, v2, v0  }
0x3f: {  	vm13 =	vmand vm0, vm10;
	vm11 =	vcmask $0x3330;
	[tilespmem:v4+s6+$0x0] =	vst.idx.msk $0xffff, v3;
	v4 =	vsel vm12, v2, v0  }
0x40: {  	vm14 =	vmand vm0, vm11;
	vm12 =	vcmask $0x3734;
	[tilespmem:v5+s6+$0x0] =	vst.idx.msk $0xffff, v3;
	v5 =	vsel vm13, v2, v0  }
0x41: {  	vm15 =	vmand vm0, vm12;
	vm13 =	vcmask $0x3B38;
	[tilespmem:v6+s6+$0x0] =	vst.idx.msk $0xffff, v3;
	v6 =	vsel vm14, v2, v0  }
0x42: {  	v8 =	vsel vm15, v2, v0;
	vm1 =	vmand vm0, vm13;
	vm14 =	vcmask $0x3F3C;
	[tilespmem:v7+s6+$0x0] =	vst.idx.msk $0xffff, v3  }
0x43: {  	v7 =	vsel vm1, v2, v0;
	vm0 =	vmand vm0, vm14;
	[tilespmem:v1+s6+$0x0] =	vst.idx.msk $0xffff, v3  }
0x44: {  	v1 =	vsel vm0, v2, v0;
	[tilespmem:v4+s6+$0x0] =	vst.idx.msk $0xffff, v3  }
0x45: {  	[tilespmem:v5+s6+$0x0] =	vst.idx.msk $0xffff, v3  }
0x46: {  	[tilespmem:v6+s6+$0x0] =	vst.idx.msk $0xffff, v3  }
0x47: {  	[tilespmem:v8+s6+$0x0] =	vst.idx.msk $0xffff, v3  }
0x48: {  	[tilespmem:v7+s6+$0x0] =	vst.idx.msk $0xffff, v3  }
0x49: {  	[tilespmem:v1+s6+$0x0] =	vst.idx.msk $0xffff, v3  }
0x4a: {  	v1 =	vld [tilespmem:$0x4310]  }
0x4b: {  	v2 =	vld [tilespmem:$0x4390];
	_ =	sdelay $0x3  }
0x4c: {  	v1 =	vmul.u32 $0x64, v1  }
0x4d: {  	v2 =	vadd.s32 s30, v2  }
0x4e: {  	v1 =	vadd.s32 v1, v2  }
0x4f: {  	vm3 =	vcmask $0x704;
	v3 =	vld [tilespmem:$0x1FD40];
	vm0 =	vlt.u32 v1, $0x190  }
0x50: {  	vm4 =	vmand vm0, vm3  }
0x51: {  	v4 =	vsel vm4, v1, v0;
	vm4 =	vcmask $0xB08  }
0x52: {  	vm5 =	vmand vm0, vm4  }
0x53: {  	v5 =	vsel vm5, v1, v0;
	vm5 =	vcmask $0xF0C  }
0x54: {  	vm2 =	vnez.u8 v3;
	v2 =	vld [tilespmem:$0x4410];
	vm6 =	vmand vm0, vm5  }
0x55: {  	vm15 =	vmand vm0, vm2;
	v6 =	vsel vm6, v1, v0;
	vm6 =	vcmask $0x1310  }
0x56: {  	v3 =	vsel vm15, v1, v0;
	vm7 =	vmand vm0, vm6  }
0x57: {  	v7 =	vsel vm7, v1, v0;
	vm7 =	vcmask $0x1714  }
0x58: {  	vm8 =	vmand vm0, vm7  }
0x59: {  	v2 =	vcvt.s32.f32 v2;
	v8 =	vsel vm8, v1, v0;
	vm8 =	vcmask $0x1B18  }
0x5a: {  	vm9 =	vmand vm0, vm8  }
0x5b: {  	[tilespmem:v3+s6+$0x0] =	vst.idx.msk $0xffff, v2;
	v3 =	vsel vm9, v1, v0;
	vm9 =	vcmask $0x1F1C  }
0x5c: {  	vm10 =	vmand vm0, vm9  }
0x5d: {  	[tilespmem:v4+s6+$0x0] =	vst.idx.msk $0xffff, v2;
	v4 =	vsel vm10, v1, v0;
	vm10 =	vcmask $0x2320  }
0x5e: {  	vm11 =	vmand vm0, vm10  }
0x5f: {  	[tilespmem:v5+s6+$0x0] =	vst.idx.msk $0xffff, v2;
	v5 =	vsel vm11, v1, v0;
	vm11 =	vcmask $0x2724  }
0x60: {  	vm12 =	vmand vm0, vm11  }
0x61: {  	[tilespmem:v6+s6+$0x0] =	vst.idx.msk $0xffff, v2;
	v6 =	vsel vm12, v1, v0;
	vm12 =	vcmask $0x2B28  }
0x62: {  	vm13 =	vmand vm0, vm12  }
0x63: {  	[tilespmem:v7+s6+$0x0] =	vst.idx.msk $0xffff, v2;
	v7 =	vsel vm13, v1, v0;
	vm13 =	vcmask $0x2F2C  }
0x64: {  	vm14 =	vmand vm0, vm13  }
0x65: {  	[tilespmem:v8+s6+$0x0] =	vst.idx.msk $0xffff, v2;
	v8 =	vsel vm14, v1, v0;
	vm14 =	vcmask $0x3330  }
0x66: {  	vm15 =	vmand vm0, vm14  }
0x67: {  	[tilespmem:v3+s6+$0x0] =	vst.idx.msk $0xffff, v2;
	v3 =	vsel vm15, v1, v0;
	vm15 =	vcmask $0x3734  }
0x68: {  	vm1 =	vmand vm0, vm15  }
0x69: {  	[tilespmem:v4+s6+$0x0] =	vst.idx.msk $0xffff, v2;
	v4 =	vsel vm1, v1, v0;
	vm1 =	vcmask $0x3B38  }
0x6a: {  	vm1 =	vmand vm0, vm1  }
0x6b: {  	[tilespmem:v5+s6+$0x0] =	vst.idx.msk $0xffff, v2;
	v5 =	vsel vm1, v1, v0;
	vm1 =	vcmask $0x3F3C  }
0x6c: {  	[tilespmem:v6+s6+$0x0] =	vst.idx.msk $0xffff, v2;
	vm0 =	vmand vm0, vm1  }
0x6d: {  	[tilespmem:v7+s6+$0x0] =	vst.idx.msk $0xffff, v2;
	v1 =	vsel vm0, v1, v0  }
0x6e: {  	[tilespmem:v8+s6+$0x0] =	vst.idx.msk $0xffff, v2  }
0x6f: {  	[tilespmem:v3+s6+$0x0] =	vst.idx.msk $0xffff, v2  }
0x70: {  	[tilespmem:v4+s6+$0x0] =	vst.idx.msk $0xffff, v2  }
0x71: {  	[tilespmem:v5+s6+$0x0] =	vst.idx.msk $0xffff, v2  }
0x72: {  	[tilespmem:v1+s6+$0x0] =	vst.idx.msk $0xffff, v2  }
0x73: {  	v1 =	vld [tilespmem:$0x4320]  }
0x74: {  	v2 =	vld [tilespmem:$0x43A0];
	_ =	sdelay $0x3  }
0x75: {  	v1 =	vmul.u32 $0x64, v1  }
0x76: {  	v2 =	vadd.s32 s30, v2  }
0x77: {  	v1 =	vadd.s32 v1, v2  }
0x78: {  	v2 =	vld [tilespmem:$0x4420];
	vm0 =	vlt.u32 v1, $0x190  }
0x79: {  	vm1 =	vmand vm0, vm2  }
0x7a: {  	v3 =	vsel vm1, v1, v0;
	vm1 =	vmand vm0, vm3  }
0x7b: {  	v4 =	vsel vm1, v1, v0;
	vm1 =	vmand vm0, vm4  }
0x7c: {  	v5 =	vsel vm1, v1, v0;
	vm1 =	vmand vm0, vm5  }
0x7d: {  	v2 =	vcvt.s32.f32 v2;
	v6 =	vsel vm1, v1, v0;
	vm1 =	vmand vm0, vm6  }
0x7e: {  	v7 =	vsel vm1, v1, v0;
	vm1 =	vmand vm0, vm7  }
0x7f: {  	v8 =	vsel vm1, v1, v0;
	[tilespmem:v3+s6+$0x0] =	vst.idx.msk $0xffff, v2;
	vm1 =	vmand vm0, vm8  }
0x80: {  	v3 =	vsel vm1, v1, v0;
	[tilespmem:v4+s6+$0x0] =	vst.idx.msk $0xffff, v2;
	vm1 =	vmand vm0, vm9  }
0x81: {  	v4 =	vsel vm1, v1, v0;
	[tilespmem:v5+s6+$0x0] =	vst.idx.msk $0xffff, v2;
	vm1 =	vmand vm0, vm10  }
0x82: {  	v5 =	vsel vm1, v1, v0;
	[tilespmem:v6+s6+$0x0] =	vst.idx.msk $0xffff, v2;
	vm1 =	vmand vm0, vm11  }
0x83: {  	v6 =	vsel vm1, v1, v0;
	[tilespmem:v7+s6+$0x0] =	vst.idx.msk $0xffff, v2;
	vm1 =	vmand vm0, vm12  }
0x84: {  	v7 =	vsel vm1, v1, v0;
	[tilespmem:v8+s6+$0x0] =	vst.idx.msk $0xffff, v2;
	vm1 =	vmand vm0, vm13  }
0x85: {  	vm15 =	vmand vm0, vm15;
	v8 =	vsel vm1, v1, v0;
	[tilespmem:v3+s6+$0x0] =	vst.idx.msk $0xffff, v2;
	vm1 =	vmand vm0, vm14  }
0x86: {  	v3 =	vsel vm1, v1, v0;
	[tilespmem:v4+s6+$0x0] =	vst.idx.msk $0xffff, v2;
	v4 =	vsel vm15, v1, v0;
	vm15 =	vcmask $0x3B38  }
0x87: {  	vm3 =	vcmask $0x3F3C;
	[tilespmem:v5+s6+$0x0] =	vst.idx.msk $0xffff, v2;
	vm1 =	vmand vm0, vm15  }
0x88: {  	vm0 =	vmand vm0, vm3;
	v5 =	vsel vm1, v1, v0;
	[tilespmem:v6+s6+$0x0] =	vst.idx.msk $0xffff, v2  }
0x89: {  	v1 =	vsel vm0, v1, v0;
	[tilespmem:v7+s6+$0x0] =	vst.idx.msk $0xffff, v2  }
0x8a: {  	[tilespmem:v8+s6+$0x0] =	vst.idx.msk $0xffff, v2  }
0x8b: {  	[tilespmem:v3+s6+$0x0] =	vst.idx.msk $0xffff, v2  }
0x8c: {  	[tilespmem:v4+s6+$0x0] =	vst.idx.msk $0xffff, v2  }
0x8d: {  	[tilespmem:v5+s6+$0x0] =	vst.idx.msk $0xffff, v2  }
0x8e: {  	[tilespmem:v1+s6+$0x0] =	vst.idx.msk $0xffff, v2  }
0x8f: {  	v1 =	vld [tilespmem:$0x4330]  }
0x90: {  	v2 =	vld [tilespmem:$0x43B0];
	_ =	sdelay $0x3  }
0x91: {  	v1 =	vmul.u32 $0x64, v1  }
0x92: {  	v2 =	vadd.s32 s30, v2  }
0x93: {  	v1 =	vadd.s32 v1, v2  }
0x94: {  	vm0 =	vlt.u32 v1, $0x190  }
0x95: {  	vm1 =	vmand vm0, vm2  }
0x96: {  	v2 =	vld [tilespmem:$0x4430];
	v3 =	vsel vm1, v1, v0;
	vm1 =	vcmask $0x704  }
0x97: {  	vm1 =	vmand vm0, vm1  }
0x98: {  	v4 =	vsel vm1, v1, v0;
	vm1 =	vmand vm0, vm4  }
0x99: {  	v5 =	vsel vm1, v1, v0;
	vm1 =	vmand vm0, vm5  }
0x9a: {  	v6 =	vsel vm1, v1, v0;
	vm1 =	vmand vm0, vm6  }
0x9b: {  	v2 =	vcvt.s32.f32 v2;
	v7 =	vsel vm1, v1, v0;
	vm1 =	vmand vm0, vm7  }
0x9c: {  	v8 =	vsel vm1, v1, v0;
	vm1 =	vmand vm0, vm8  }
0x9d: {  	[tilespmem:v3+s6+$0x0] =	vst.idx.msk $0xffff, v2;
	v3 =	vsel vm1, v1, v0;
	vm1 =	vmand vm0, vm9  }
0x9e: {  	[tilespmem:v4+s6+$0x0] =	vst.idx.msk $0xffff, v2;
	v4 =	vsel vm1, v1, v0;
	vm1 =	vmand vm0, vm10  }
0x9f: {  	[tilespmem:v5+s6+$0x0] =	vst.idx.msk $0xffff, v2;
	v5 =	vsel vm1, v1, v0;
	vm1 =	vmand vm0, vm11  }
0xa0: {  	[tilespmem:v6+s6+$0x0] =	vst.idx.msk $0xffff, v2;
	v6 =	vsel vm1, v1, v0;
	vm1 =	vmand vm0, vm12  }
0xa1: {  	[tilespmem:v7+s6+$0x0] =	vst.idx.msk $0xffff, v2;
	v7 =	vsel vm1, v1, v0;
	vm1 =	vmand vm0, vm13  }
0xa2: {  	[tilespmem:v8+s6+$0x0] =	vst.idx.msk $0xffff, v2;
	v8 =	vsel vm1, v1, v0;
	vm1 =	vmand vm0, vm14  }
0xa3: {  	[tilespmem:v3+s6+$0x0] =	vst.idx.msk $0xffff, v2;
	v3 =	vsel vm1, v1, v0;
	vm1 =	vcmask $0x3734  }
0xa4: {  	[tilespmem:v4+s6+$0x0] =	vst.idx.msk $0xffff, v2;
	vm1 =	vmand vm0, vm1  }
0xa5: {  	[tilespmem:v5+s6+$0x0] =	vst.idx.msk $0xffff, v2;
	v4 =	vsel vm1, v1, v0;
	vm1 =	vmand vm0, vm15  }
0xa6: {  	[tilespmem:v6+s6+$0x0] =	vst.idx.msk $0xffff, v2;
	vm0 =	vmand vm0, vm3;
	v5 =	vsel vm1, v1, v0  }
0xa7: {  	v1 =	vsel vm0, v1, v0;
	[tilespmem:v7+s6+$0x0] =	vst.idx.msk $0xffff, v2  }
0xa8: {  	[tilespmem:v8+s6+$0x0] =	vst.idx.msk $0xffff, v2  }
0xa9: {  	[tilespmem:v3+s6+$0x0] =	vst.idx.msk $0xffff, v2  }
0xaa: {  	[tilespmem:v4+s6+$0x0] =	vst.idx.msk $0xffff, v2  }
0xab: {  	[tilespmem:v5+s6+$0x0] =	vst.idx.msk $0xffff, v2  }
0xac: {  	[tilespmem:v1+s6+$0x0] =	vst.idx.msk $0xffff, v2  }
0xad: {  	v1 =	vld [tilespmem:$0x4340]  }
0xae: {  	v2 =	vld [tilespmem:$0x43C0];
	_ =	sdelay $0x3  }
0xaf: {  	v1 =	vmul.u32 $0x64, v1  }
0xb0: {  	v2 =	vadd.s32 s30, v2  }
0xb1: {  	v1 =	vadd.s32 v1, v2  }
0xb2: {  	vm0 =	vlt.u32 v1, $0x190  }
0xb3: {  	v2 =	vld [tilespmem:$0x4440];
	vm1 =	vmand vm0, vm2  }
0xb4: {  	v3 =	vsel vm1, v1, v0;
	vm1 =	vcmask $0x704  }
0xb5: {  	vm1 =	vmand vm0, vm1  }
0xb6: {  	vm4 =	vmand vm0, vm4;
	v4 =	vsel vm1, v1, v0  }
0xb7: {  	v5 =	vsel vm4, v1, v0;
	vm4 =	vmand vm0, vm5  }
0xb8: {  	vm5 =	vmand vm0, vm6;
	v6 =	vsel vm4, v1, v0;
	v2 =	vcvt.s32.f32 v2  }
0xb9: {  	vm6 =	vmand vm0, vm7;
	v7 =	vsel vm5, v1, v0  }
0xba: {  	vm7 =	vmand vm0, vm8;
	v8 =	vsel vm6, v1, v0;
	[tilespmem:v3+s6+$0x0] =	vst.idx.msk $0xffff, v2  }
0xbb: {  	vm8 =	vmand vm0, vm9;
	v3 =	vsel vm7, v1, v0;
	[tilespmem:v4+s6+$0x0] =	vst.idx.msk $0xffff, v2  }
0xbc: {  	vm9 =	vmand vm0, vm10;
	v4 =	vsel vm8, v1, v0;
	[tilespmem:v5+s6+$0x0] =	vst.idx.msk $0xffff, v2  }
0xbd: {  	vm10 =	vmand vm0, vm11;
	v5 =	vsel vm9, v1, v0;
	[tilespmem:v6+s6+$0x0] =	vst.idx.msk $0xffff, v2  }
0xbe: {  	vm11 =	vmand vm0, vm12;
	v6 =	vsel vm10, v1, v0;
	[tilespmem:v7+s6+$0x0] =	vst.idx.msk $0xffff, v2  }
0xbf: {  	vm12 =	vmand vm0, vm13;
	v7 =	vsel vm11, v1, v0;
	[tilespmem:v8+s6+$0x0] =	vst.idx.msk $0xffff, v2  }
0xc0: {  	vm13 =	vmand vm0, vm14;
	vm14 =	vcmask $0x3734;
	v8 =	vsel vm12, v1, v0;
	[tilespmem:v3+s6+$0x0] =	vst.idx.msk $0xffff, v2  }
0xc1: {  	vm1 =	vmand vm0, vm14;
	v3 =	vsel vm13, v1, v0;
	[tilespmem:v4+s6+$0x0] =	vst.idx.msk $0xffff, v2  }
0xc2: {  	vm15 =	vmand vm0, vm15;
	v4 =	vsel vm1, v1, v0;
	[tilespmem:v5+s6+$0x0] =	vst.idx.msk $0xffff, v2  }
0xc3: {  	vm0 =	vmand vm0, vm3;
	v5 =	vsel vm15, v1, v0;
	[tilespmem:v6+s6+$0x0] =	vst.idx.msk $0xffff, v2  }
0xc4: {  	v9 =	vlaneseq.u32;
	v1 =	vsel vm0, v1, v0;
	[tilespmem:v7+s6+$0x0] =	vst.idx.msk $0xffff, v2  }
0xc5: {  	v25 =	vmul.u32 $0x29, v9;
	v0 =	vmov s4;
	[tilespmem:v8+s6+$0x0] =	vst.idx.msk $0xffff, v2  }
0xc6: {  	v0 =	vmul.u32 $0x29, v0;
	[tilespmem:v3+s6+$0x0] =	vst.idx.msk $0xffff, v2  }
0xc7: {  	v33 =	vadd.s32 $0x20, v25;
	[tilespmem:v4+s6+$0x0] =	vst.idx.msk $0xffff, v2  }
0xc8: {  	v36 =	vadd.s32 $0x23, v25;
	v3 =	vadd.s32 v33, v0;
	[tilespmem:v5+s6+$0x0] =	vst.idx.msk $0xffff, v2  }
0xc9: {  	s31 =	simm.s32 $0x1;
	v35 =	vadd.s32 $0x21, v25;
	v4 =	vadd.s32 v36, v0;
	[tilespmem:v1+s6+$0x0] =	vst.idx.msk $0xffff, v2  }
0xca: {  	v34 =	vadd.s32 $0x22, v25;
	v1 =	vadd.s32 v35, v0;
	_ =	swait.ge [sflag:s31], $0x4010  }
0xcb: {  	v37 =	vadd.s32 $0x24, v25;
	v2 =	vadd.s32 v34, v0;
	[sflag:s31] =	ssyncset.done $0x0  }
0xcc: {  	v38 =	vadd.s32 $0x25, v25;
	v5 =	vadd.s32 v37, v0;
	[sflag:s31] =	ssyncadd.s32 $0xFFFFBFF0  }
0xcd: {  	v39 =	vadd.s32 $0x26, v25;
	v6 =	vadd.s32 v38, v0;
	v46 =	vld.idx.msk [tilespmem:v3+s4+$0x0], $0xffff  }
0xce: {  	v40 =	vadd.s32 $0x27, v25;
	v3 =	vadd.s32 v39, v0;
	v58 =	vld.idx.msk [tilespmem:v4+s4+$0x0], $0xffff  }
0xcf: {  	v41 =	vadd.s32 $0x1, v25;
	v53 =	vld.idx.msk [tilespmem:v1+s4+$0x0], $0xffff;
	v1 =	vadd.s32 v40, v0  }
0xd0: {  	v8 =	vadd.s32 $0x2, v25;
	v54 =	vld.idx.msk [tilespmem:v2+s4+$0x0], $0xffff;
	v2 =	vadd.s32 v41, v0  }
0xd1: {  	v7 =	vadd.s32 $0x3, v25;
	v59 =	vld.idx.msk [tilespmem:v5+s4+$0x0], $0xffff;
	v4 =	vadd.s32 v8, v0  }
0xd2: {  	[tilespmem:$0x1FDE0] =	vst v8;
	v8 =	vadd.s32 $0x4, v25;
	v55 =	vld.idx.msk [tilespmem:v6+s4+$0x0], $0xffff;
	v5 =	vadd.s32 v7, v0  }
0xd3: {  	[tilespmem:$0x1FDF0] =	vst v7;
	v7 =	vadd.s32 $0x5, v25;
	v56 =	vld.idx.msk [tilespmem:v3+s4+$0x0], $0xffff;
	v3 =	vadd.s32 v8, v0  }
0xd4: {  	v6 =	vadd.s32 $0x6, v25;
	v57 =	vld.idx.msk [tilespmem:v1+s4+$0x0], $0xffff;
	v1 =	vadd.s32 v7, v0  }
0xd5: {  	[tilespmem:$0x1FE10] =	vst v7;
	v7 =	vadd.s32 $0x7, v25;
	v52 =	vld.idx.msk [tilespmem:v2+s4+$0x0], $0xffff;
	v2 =	vadd.s32 v6, v0  }
0xd6: {  	[tilespmem:$0x1FE20] =	vst v6;
	v47 =	vld.idx.msk [tilespmem:v4+s4+$0x0], $0xffff;
	v6 =	vadd.s32 $0x8, v25;
	v4 =	vadd.s32 v7, v0  }
0xd7: {  	v48 =	vld.idx.msk [tilespmem:v5+s4+$0x0], $0xffff;
	[tilespmem:$0x1FE30] =	vst v7;
	v7 =	vadd.s32 $0x9, v25;
	v5 =	vadd.s32 v6, v0  }
0xd8: {  	[tilespmem:$0x1FE40] =	vst v6;
	v6 =	vadd.s32 $0xA, v25;
	v49 =	vld.idx.msk [tilespmem:v3+s4+$0x0], $0xffff;
	v3 =	vadd.s32 v7, v0  }
0xd9: {  	[tilespmem:$0x1FE50] =	vst v7;
	v7 =	vadd.s32 $0xB, v25;
	v50 =	vld.idx.msk [tilespmem:v1+s4+$0x0], $0xffff;
	v1 =	vadd.s32 v6, v0  }
0xda: {  	[tilespmem:$0x1FE60] =	vst v6;
	v6 =	vadd.s32 $0xC, v25;
	v51 =	vld.idx.msk [tilespmem:v2+s4+$0x0], $0xffff;
	v2 =	vadd.s32 v7, v0  }
0xdb: {  	[tilespmem:$0x1FE70] =	vst v7;
	v7 =	vadd.s32 $0xD, v25;
	v43 =	vld.idx.msk [tilespmem:v4+s4+$0x0], $0xffff;
	v4 =	vadd.s32 v6, v0  }
0xdc: {  	[tilespmem:$0x1FE80] =	vst v6;
	v6 =	vadd.s32 $0xE, v25;
	v42 =	vld.idx.msk [tilespmem:v5+s4+$0x0], $0xffff;
	v5 =	vadd.s32 v7, v0  }
0xdd: {  	[tilespmem:$0x1FE90] =	vst v7;
	v7 =	vadd.s32 $0xF, v25;
	v23 =	vld.idx.msk [tilespmem:v3+s4+$0x0], $0xffff;
	v3 =	vadd.s32 v6, v0  }
0xde: {  	[tilespmem:$0x1FEA0] =	vst v6;
	v6 =	vadd.s32 $0x10, v25;
	v22 =	vld.idx.msk [tilespmem:v1+s4+$0x0], $0xffff;
	v1 =	vadd.s32 v7, v0  }
0xdf: {  	[tilespmem:$0x1FEB0] =	vst v7;
	v7 =	vadd.s32 $0x11, v25;
	v21 =	vld.idx.msk [tilespmem:v2+s4+$0x0], $0xffff;
	v2 =	vadd.s32 v6, v0  }
0xe0: {  	[tilespmem:$0x1FEC0] =	vst v6;
	v20 =	vld.idx.msk [tilespmem:v4+s4+$0x0], $0xffff;
	v4 =	vadd.s32 v7, v0  }
0xe1: {  	v6 =	vadd.s32 $0x12, v25;
	[tilespmem:$0x1FED0] =	vst v7;
	v7 =	vadd.s32 $0x13, v25;
	v19 =	vld.idx.msk [tilespmem:v5+s4+$0x0], $0xffff  }
0xe2: {  	[tilespmem:$0x1FEE0] =	vst v6;
	v5 =	vadd.s32 v6, v0;
	v6 =	vadd.s32 $0x14, v25;
	v18 =	vld.idx.msk [tilespmem:v3+s4+$0x0], $0xffff;
	v3 =	vadd.s32 v7, v0  }
0xe3: {  	[tilespmem:$0x1FEF0] =	vst v7;
	v7 =	vadd.s32 $0x15, v25;
	v17 =	vld.idx.msk [tilespmem:v1+s4+$0x0], $0xffff;
	v1 =	vadd.s32 v6, v0  }
0xe4: {  	[tilespmem:$0x1FE00] =	vst v8;
	v8 =	vadd.s32 $0x16, v25;
	v16 =	vld.idx.msk [tilespmem:v2+s4+$0x0], $0xffff;
	v2 =	vadd.s32 v7, v0  }
0xe5: {  	[tilespmem:$0x1FF20] =	vst v8;
	v15 =	vld.idx.msk [tilespmem:v4+s4+$0x0], $0xffff;
	v4 =	vadd.s32 v8, v0  }
0xe6: {  	[tilespmem:$0x1FF00] =	vst v6;
	v8 =	vadd.s32 v25, v0  }
0xe7: {  	[tilespmem:$0x1FF10] =	vst v7;
	v7 =	vadd.s32 $0x18, v25;
	v13 =	vld.idx.msk [tilespmem:v3+s4+$0x0], $0xffff  }
0xe8: {  	[tilespmem:$0x1FF50] =	vst v7;
	v3 =	vadd.s32 v7, v0;
	v7 =	vadd.s32 $0x1C, v25;
	v12 =	vld.idx.msk [tilespmem:v1+s4+$0x0], $0xffff  }
0xe9: {  	v1 =	vadd.s32 $0x19, v25;
	v11 =	vld.idx.msk [tilespmem:v2+s4+$0x0], $0xffff;
	[tilespmem:$0x1FFA0] =	vst v7;
	v7 =	vadd.s32 v7, v0  }
0xea: {  	v2 =	vadd.s32 $0x1A, v25;
	[tilespmem:$0x1FF60] =	vst v1;
	v1 =	vadd.s32 v1, v0;
	v44 =	vld.idx.msk [tilespmem:v4+s4+$0x0], $0xffff  }
0xeb: {  	v6 =	vadd.s32 $0x17, v25;
	[tilespmem:$0x1FF70] =	vst v2;
	v4 =	vadd.s32 $0x1B, v25;
	v2 =	vadd.s32 v2, v0;
	v60 =	vld.idx.msk [tilespmem:v8+s4+$0x0], $0xffff  }
0xec: {  	[tilespmem:$0x1FF40] =	vst v6;
	v14 =	vld.idx.msk [tilespmem:v5+s4+$0x0], $0xffff;
	v5 =	vadd.s32 v6, v0;
	v6 =	vadd.s32 v4, v0  }
0xed: {  	[tilespmem:$0x1FF90] =	vst v4;
	v4 =	vadd.s32 $0x1D, v25;
	v9 =	vld.idx.msk [tilespmem:v3+s4+$0x0], $0xffff  }
0xee: {  	v45 =	vadd.s32 v4, v0;
	v3 =	vadd.s32 $0x1E, v25;
	v26 =	vld.idx.msk [tilespmem:v7+s4+$0x0], $0xffff  }
0xef: {  	v61 =	vadd.s32 v3, v0;
	v24 =	vld.idx.msk [tilespmem:v1+s4+$0x0], $0xffff;
	v1 =	vadd.s32 $0x1F, v25  }
0xf0: {  	v31 =	vld.idx.msk [tilespmem:v2+s4+$0x0], $0xffff;
	v2 =	vmax.f32 v54, v58;
	v7 =	vmax.f32 v60, v52;
	v62 =	vadd.s32 v1, v0  }
0xf1: {  	[tilespmem:$0x1FFD0] =	vst v1;
	v1 =	vmax.f32 v46, v53;
	v28 =	vld.idx.msk [tilespmem:v6+s4+$0x0], $0xffff;
	v6 =	vmax.f32 v56, v57  }
0xf2: {  	[tilespmem:$0x1FFF0] =	vst v8;
	v30 =	vld.idx.msk [tilespmem:v5+s4+$0x0], $0xffff;
	v63 =	vmax.f32 v1, v2;
	v1 =	vadd.s32 $0x28, v25;
	v2 =	vmax.f32 v59, v55  }
0xf3: {  	v32 =	vld.idx.msk [tilespmem:v45+s4+$0x0], $0xffff;
	v45 =	vmax.f32 v47, v48;
	[tilespmem:$0x1FFE0] =	vst v1;
	v10 =	vmax.f32 v2, v6  }
0xf4: {  	v8 =	vadd.s32 v1, v0;
	v0 =	vmax.f32 v51, v43;
	v45 =	vmax.f32 v7, v45;
	v27 =	vld.idx.msk [tilespmem:v61+s4+$0x0], $0xffff  }
0xf5: {  	v2 =	vmax.f32 v42, v23;
	v1 =	vmax.f32 v20, v19;
	v61 =	vmax.f32 v49, v50;
	v29 =	vld.idx.msk [tilespmem:v62+s4+$0x0], $0xffff  }
0xf6: {  	v7 =	vmax.f32 v61, v0;
	v0 =	vmax.f32 v18, v17;
	v62 =	vmax.f32 v22, v21  }
0xf7: {  	[tilespmem:$0x1FFB0] =	vst v4;
	v4 =	vmax.f32 v1, v0;
	v1 =	vmax.f32 v12, v11;
	v0 =	vmax.f32 v44, v30  }
0xf8: {  	[tilespmem:$0x1FFC0] =	vst v3;
	v6 =	vmax.f32 v2, v62;
	v2 =	vmax.f32 v16, v15;
	v62 =	vmax.f32 v14, v13  }
0xf9: {  	v5 =	vmax.f32 v9, v24;
	v3 =	vmax.f32 v2, v62;
	v2 =	vmax.f32 v1, v0;
	v61 =	vld.idx.msk [tilespmem:v8+s4+$0x0], $0xffff  }
0xfa: {  	v62 =	vmax.f32 v31, v28;
	v1 =	vmax.f32 v26, v32;
	v0 =	vmax.f32 v27, v29  }
0xfb: {  	v4 =	vmax.f32 v6, v4;
	v5 =	vmax.f32 v5, v62;
	v0 =	vmax.f32 v1, v0  }
0xfc: {  	v2 =	vmax.f32 v3, v2;
	v1 =	vmax.f32 v45, v7;
	v0 =	vmax.f32 v5, v0  }
0xfd: {  	v3 =	vmax.f32 v63, v10;
	v1 =	vmax.f32 v1, v4;
	v0 =	vmax.f32 v2, v0  }
0xfe: {  	v0 =	vmax.f32 v1, v0;
	v1 =	vmax.f32 v3, v61  }
0xff: {  	v45 =	vmax.f32 v0, v1  }
0x100: {  	v0 =	vsub.f32 v46, v45  }
0x101: {  	v1 =	vsub.f32 v53, v45  }
0x102: {  	v2 =	vsub.f32 v54, v45;
	v0 =	vmul.f32 $1.442695020e+00, v0  }
0x103: {  	v3 =	vsub.f32 v58, v45;
	v1 =	vmul.f32 $1.442695020e+00, v1  }
0x104: {  	v2 =	vmul.f32 $1.442695020e+00, v2;
	(erf) = vpow2.f32 v0;
	v0 =	vsub.f32 v59, v45  }
0x105: {  	(erf) = vpow2.f32 v1;
	v1 =	vmul.f32 $1.442695020e+00, v3;
	v3 =	vsub.f32 v55, v45  }
0x106: {  	(erf) = vpow2.f32 v2;
	v0 =	vmul.f32 $1.442695020e+00, v0;
	v2 =	vsub.f32 v56, v45  }
0x107: {  	(erf) = vpow2.f32 v1;
	v1 =	vmul.f32 $1.442695020e+00, v3;
	v3 =	vsub.f32 v57, v45  }
0x108: {  	(erf) = vpow2.f32 v0;
	v0 =	vsub.f32 v60, v45;
	v2 =	vmul.f32 $1.442695020e+00, v2  }
0x109: {  	(erf) = vpow2.f32 v1;
	v1 =	vsub.f32 v52, v45;
	v3 =	vmul.f32 $1.442695020e+00, v3  }
0x10a: {  	(erf) = vpow2.f32 v2;
	v0 =	vmul.f32 $1.442695020e+00, v0;
	v2 =	vsub.f32 v47, v45  }
0x10b: {  	(erf) = vpow2.f32 v3;
	v1 =	vmul.f32 $1.442695020e+00, v1;
	v3 =	vsub.f32 v48, v45  }
0x10c: {  	(erf) = vpow2.f32 v0;
	v0 =	vmul.f32 $1.442695020e+00, v2;
	v2 =	vsub.f32 v49, v45  }
0x10d: {  	(erf) = vpow2.f32 v1;
	v1 =	vmul.f32 $1.442695020e+00, v3;
	v3 =	vsub.f32 v50, v45  }
0x10e: {  	(erf) = vpow2.f32 v0;
	v0 =	vmul.f32 $1.442695020e+00, v2;
	v2 =	vsub.f32 v51, v45  }
0x10f: {  	v4 =	vpop (erf);
	(erf) = vpow2.f32 v1;
	v1 =	vmul.f32 $1.442695020e+00, v3;
	v3 =	vsub.f32 v43, v45  }
0x110: {  	v5 =	vpop (erf);
	(erf) = vpow2.f32 v0;
	v0 =	vmul.f32 $1.442695020e+00, v2;
	v2 =	vsub.f32 v42, v45  }
0x111: {  	v6 =	vpop (erf);
	(erf) = vpow2.f32 v1;
	v1 =	vmul.f32 $1.442695020e+00, v3;
	v3 =	vsub.f32 v23, v45  }
0x112: {  	v8 =	vpop (erf);
	(erf) = vpow2.f32 v0;
	v0 =	vmul.f32 $1.442695020e+00, v2;
	v2 =	vsub.f32 v22, v45  }
0x113: {  	v22 =	vpop (erf);
	(erf) = vpow2.f32 v1;
	v1 =	vmul.f32 $1.442695020e+00, v3;
	v3 =	vsub.f32 v21, v45  }
0x114: {  	v21 =	vpop (erf);
	(erf) = vpow2.f32 v0;
	v0 =	vmul.f32 $1.442695020e+00, v2;
	v2 =	vsub.f32 v20, v45  }
0x115: {  	v20 =	vpop (erf);
	(erf) = vpow2.f32 v1;
	v1 =	vmul.f32 $1.442695020e+00, v3;
	v3 =	vsub.f32 v19, v45  }
0x116: {  	v62 =	vpop (erf);
	(erf) = vpow2.f32 v0;
	v0 =	vmul.f32 $1.442695020e+00, v2;
	v2 =	vsub.f32 v18, v45  }
0x117: {  	v63 =	vpop (erf);
	(erf) = vpow2.f32 v1;
	v1 =	vmul.f32 $1.442695020e+00, v3;
	v3 =	vsub.f32 v17, v45  }
0x118: {  	v52 =	vpop (erf);
	(erf) = vpow2.f32 v0;
	v0 =	vmul.f32 $1.442695020e+00, v2;
	v2 =	vsub.f32 v16, v45  }
0x119: {  	v53 =	vpop (erf);
	(erf) = vpow2.f32 v1;
	v1 =	vmul.f32 $1.442695020e+00, v3;
	v3 =	vsub.f32 v15, v45  }
0x11a: {  	v15 =	vpop (erf);
	(erf) = vpow2.f32 v0;
	v0 =	vmul.f32 $1.442695020e+00, v2;
	v2 =	vsub.f32 v14, v45  }
0x11b: {  	v14 =	vpop (erf);
	(erf) = vpow2.f32 v1;
	v1 =	vmul.f32 $1.442695020e+00, v3;
	v3 =	vsub.f32 v13, v45  }
0x11c: {  	v13 =	vpop (erf);
	(erf) = vpow2.f32 v0;
	v0 =	vmul.f32 $1.442695020e+00, v2;
	v2 =	vsub.f32 v12, v45  }
0x11d: {  	v12 =	vpop (erf);
	(erf) = vpow2.f32 v1;
	v1 =	vmul.f32 $1.442695020e+00, v3;
	v3 =	vsub.f32 v11, v45  }
0x11e: {  	v11 =	vpop (erf);
	(erf) = vpow2.f32 v0;
	v0 =	vmul.f32 $1.442695020e+00, v2;
	v2 =	vsub.f32 v44, v45  }
0x11f: {  	v54 =	vpop (erf);
	(erf) = vpow2.f32 v1;
	v1 =	vmul.f32 $1.442695020e+00, v3;
	v3 =	vsub.f32 v30, v45  }
0x120: {  	v55 =	vpop (erf);
	(erf) = vpow2.f32 v0;
	v0 =	vmul.f32 $1.442695020e+00, v2;
	v2 =	vsub.f32 v9, v45  }
0x121: {  	v56 =	vpop (erf);
	(erf) = vpow2.f32 v1;
	v1 =	vmul.f32 $1.442695020e+00, v3;
	v3 =	vsub.f32 v24, v45  }
0x122: {  	v9 =	vpop (erf);
	(erf) = vpow2.f32 v0;
	v0 =	vmul.f32 $1.442695020e+00, v2;
	v2 =	vsub.f32 v31, v45  }
0x123: {  	v57 =	vpop (erf);
	(erf) = vpow2.f32 v1;
	v1 =	vmul.f32 $1.442695020e+00, v3;
	v3 =	vsub.f32 v28, v45  }
0x124: {  	v10 =	vpop (erf);
	(erf) = vpow2.f32 v0;
	v0 =	vmul.f32 $1.442695020e+00, v2;
	v2 =	vsub.f32 v26, v45  }
0x125: {  	v58 =	vpop (erf);
	(erf) = vpow2.f32 v1;
	v1 =	vmul.f32 $1.442695020e+00, v3;
	v3 =	vsub.f32 v32, v45  }
0x126: {  	v59 =	vpop (erf);
	(erf) = vpow2.f32 v0;
	v0 =	vmul.f32 $1.442695020e+00, v2;
	v2 =	vsub.f32 v27, v45  }
0x127: {  	v60 =	vpop (erf);
	(erf) = vpow2.f32 v1;
	v1 =	vmul.f32 $1.442695020e+00, v3;
	v3 =	vsub.f32 v29, v45  }
0x128: {  	v7 =	vpop (erf);
	(erf) = vpow2.f32 v0;
	v0 =	vmul.f32 $1.442695020e+00, v2;
	_ =	sdelay $0x1  }
0x129: {  	v2 =	vpop (erf);
	(erf) = vpow2.f32 v1;
	v1 =	vmul.f32 $1.442695020e+00, v3  }
0x12a: {  	s7 =	simm.s32 $0x10;
	v3 =	vpop (erf);
	(erf) = vpow2.f32 v0  }
0x12b: {  	v0 =	vpop (erf);
	(erf) = vpow2.f32 v1;
	v1 =	vadd.f32 v5, v4;
	v4 =	vmov s7  }
0x12c: {  	v23 =	vmul.u32 $0x29, v4;
	_ =	sdelay $0x1  }
0x12d: {  	v13 =	vadd.f32 v13, v14;
	v5 =	vpop (erf);
	v14 =	vadd.s32 v33, v23  }
0x12e: {  	v10 =	vadd.f32 v10, v57;
	v0 =	vadd.f32 v5, v0;
	v5 =	vadd.s32 v37, v23  }
0x12f: {  	v57 =	vsub.f32 v61, v45;
	v3 =	vadd.f32 v3, v2;
	v2 =	vld [tilespmem:$0x1FDE0];
	v4 =	vpop (erf)  }
0x130: {  	[tilespmem:$0x1FD50] =	vst v33;
	v19 =	vadd.f32 v62, v20;
	v62 =	vpop (erf)  }
0x131: {  	[tilespmem:$0x1FD80] =	vst v36;
	v18 =	vadd.f32 v52, v63;
	v17 =	vmul.f32 $1.442695020e+00, v57;
	v63 =	vpop (erf)  }
0x132: {  	v11 =	vadd.f32 v11, v12;
	v12 =	vadd.f32 v55, v54;
	v54 =	vadd.s32 v36, v23;
	v33 =	vpop (erf);
	v36 =	vld.idx.msk [tilespmem:v14+s4+$0x0], $0xffff  }
0x133: {  	v52 =	vpop (erf);
	(erf) = vpow2.f32 v17;
	v14 =	vadd.s32 v38, v23;
	v17 =	vld.idx.msk [tilespmem:v5+s4+$0x0], $0xffff  }
0x134: {  	v15 =	vadd.f32 v15, v53;
	v5 =	vadd.s32 v2, v23;
	v2 =	vld [tilespmem:$0x1FDF0]  }
0x135: {  	v6 =	vadd.f32 v8, v6;
	v32 =	vadd.s32 v35, v23  }
0x136: {  	v15 =	vadd.f32 v15, v18;
	v11 =	vadd.f32 v11, v13  }
0x137: {  	[tilespmem:$0x1FD60] =	vst v35;
	v8 =	vadd.f32 v21, v22;
	v9 =	vadd.f32 v9, v56;
	v55 =	vpop (erf)  }
0x138: {  	v11 =	vadd.f32 v11, v15;
	v53 =	vadd.f32 v59, v58;
	v35 =	vadd.s32 v34, v23;
	v56 =	vpop (erf);
	v18 =	vld.idx.msk [tilespmem:v14+s4+$0x0], $0xffff  }
0x139: {  	v9 =	vadd.f32 v9, v12;
	v7 =	vadd.f32 v7, v60;
	v58 =	vpop (erf);
	v14 =	vadd.s32 v2, v23;
	v2 =	vld [tilespmem:$0x1FE00]  }
0x13a: {  	v10 =	vadd.f32 v53, v10;
	v4 =	vadd.f32 v62, v4;
	v21 =	vld.idx.msk [tilespmem:v32+s4+$0x0], $0xffff;
	v32 =	vpop (erf)  }
0x13b: {  	[tilespmem:$0x1FD70] =	vst v34;
	v59 =	vadd.f32 v33, v63;
	v42 =	vadd.f32 v55, v52;
	v34 =	vpop (erf)  }
0x13c: {  	v47 =	vadd.f32 v58, v56;
	v46 =	vadd.f32 v34, v32  }
0x13d: {  	v3 =	vadd.f32 v3, v7;
	v0 =	vadd.f32 v4, v0;
	v16 =	vld.idx.msk [tilespmem:v35+s4+$0x0], $0xffff  }
0x13e: {  	v42 =	vadd.f32 v42, v59;
	v49 =	vadd.f32 v46, v47;
	v35 =	vadd.s32 v2, v23;
	v2 =	vld [tilespmem:$0x1FE10]  }
0x13f: {  	v9 =	vadd.f32 v10, v9;
	v1 =	vadd.f32 v6, v1  }
0x140: {  	v6 =	vadd.s32 v41, v23;
	v0 =	vadd.f32 v0, v3;
	v3 =	vadd.f32 v49, v42  }
0x141: {  	v8 =	vadd.f32 v19, v8;
	v63 =	vadd.s32 v39, v23  }
0x142: {  	v9 =	vadd.f32 v9, v11  }
0x143: {  	v1 =	vadd.f32 v8, v1;
	v0 =	vadd.f32 v3, v0;
	v48 =	vadd.s32 v2, v23;
	v2 =	vld [tilespmem:$0x1FE20]  }
0x144: {  	v3 =	vpop (erf)  }
0x145: {  	[tilespmem:$0x1FDB0] =	vst v39;
	v39 =	vld.idx.msk [tilespmem:v6+s4+$0x0], $0xffff;
	v0 =	vadd.f32 v0, v9;
	v1 =	vadd.f32 v1, v3  }
0x146: {  	v61 =	vld.idx.msk [tilespmem:v63+s4+$0x0], $0xffff  }
0x147: {  	v63 =	vadd.f32 v0, v1;
	v0 =	vld [tilespmem:$0x1FEA0]  }
0x148: {  	v6 =	vadd.s32 v2, v23;
	v2 =	vld [tilespmem:$0x1FE30];
	_ =	sdelay $0x3  }
0x149: {  	[tilespmem:$0x1FDC0] =	vst v40;
	v33 =	vadd.s32 v40, v23;
	v40 =	vld.idx.msk [tilespmem:v5+s4+$0x0], $0xffff;
	v0 =	vadd.s32 v0, v23  }
0x14a: {  	v5 =	vadd.s32 v2, v23;
	v2 =	vld [tilespmem:$0x1FE40];
	_ =	sdelay $0x3  }
0x14b: {  	v56 =	vld.idx.msk [tilespmem:v0+s4+$0x0], $0xffff  }
0x14c: {  	v10 =	vadd.s32 v2, v23;
	v2 =	vld [tilespmem:$0x1FE50]  }
0x14d: {  	v0 =	vld [tilespmem:$0x1FEF0];
	_ =	sdelay $0x3  }
0x14e: {  	v8 =	vadd.s32 v2, v23;
	v2 =	vld [tilespmem:$0x1FE60]  }
0x14f: {  	[tilespmem:$0x1FDA0] =	vst v38;
	v38 =	vadd.s32 v0, v23;
	v0 =	vld [tilespmem:$0x1FF00];
	_ =	sdelay $0x3  }
0x150: {  	v50 =	vadd.s32 v2, v23;
	v2 =	vld [tilespmem:$0x1FE70]  }
0x151: {  	v44 =	vadd.s32 v0, v23;
	v0 =	vld [tilespmem:$0x1FF10]  }
0x152: {  	v1 =	vld [tilespmem:$0x1FEB0];
	_ =	sdelay $0x2  }
0x153: {  	v51 =	vadd.s32 v2, v23;
	v2 =	vld [tilespmem:$0x1FE80]  }
0x154: {  	v59 =	vadd.s32 v0, v23;
	v0 =	vld [tilespmem:$0x1FF20]  }
0x155: {  	v53 =	vadd.s32 v1, v23;
	v1 =	vand.u32 $0x7FFFFF, v63  }
0x156: {  	v46 =	vor.u32 $0x3F800000, v1  }
0x157: {  	v32 =	vadd.f32 $1.000000000e+00, v46  }
0x158: {  	v9 =	vadd.s32 v2, v23;
	v2 =	vld [tilespmem:$0x1FE90]  }
0x159: {  	(erf) = vrcp.f32 v32;
	v32 =	vadd.s32 v0, v23;
	v0 =	vld [tilespmem:$0x1FF40];
	_ =	sdelay $0x1  }
0x15a: {  	v57 =	vld.idx.msk [tilespmem:v51+s4+$0x0], $0xffff  }
0x15b: {  	v51 =	vld.idx.msk [tilespmem:v38+s4+$0x0], $0xffff  }
0x15c: {  	v52 =	vadd.s32 v2, v23;
	v2 =	vld [tilespmem:$0x1FEC0]  }
0x15d: {  	v38 =	vadd.s32 v0, v23;
	v0 =	vld [tilespmem:$0x1FF50];
	_ =	sdelay $0x2  }
0x15e: {  	v1 =	vld [tilespmem:$0x1FED0]  }
0x15f: {  	v42 =	vld.idx.msk [tilespmem:v44+s4+$0x0], $0xffff;
	v43 =	vadd.s32 v2, v23  }
0x160: {  	v44 =	vadd.s32 v0, v23;
	v0 =	vld [tilespmem:$0x1FF60];
	_ =	sdelay $0x2  }
0x161: {  	v22 =	vld.idx.msk [tilespmem:v54+s4+$0x0], $0xffff  }
0x162: {  	v47 =	vadd.s32 v1, v23;
	v54 =	vld.idx.msk [tilespmem:v43+s4+$0x0], $0xffff  }
0x163: {  	v43 =	vadd.s32 v0, v23;
	v0 =	vld [tilespmem:$0x1FF70];
	_ =	sdelay $0x1  }
0x164: {  	v55 =	vld.idx.msk [tilespmem:v53+s4+$0x0], $0xffff  }
0x165: {  	v1 =	vld [tilespmem:$0x1FEE0]  }
0x166: {  	v53 =	vld.idx.msk [tilespmem:v47+s4+$0x0], $0xffff  }
0x167: {  	v47 =	vadd.s32 v0, v23;
	v0 =	vld [tilespmem:$0x1FF90];
	_ =	sdelay $0x2  }
0x168: {  	v62 =	vld.idx.msk [tilespmem:v33+s4+$0x0], $0xffff  }
0x169: {  	v19 =	vld.idx.msk [tilespmem:v48+s4+$0x0], $0xffff;
	v48 =	vadd.s32 v1, v23  }
0x16a: {  	v49 =	vadd.s32 v0, v23;
	v0 =	vld [tilespmem:$0x1FFA0]  }
0x16b: {  	v14 =	vld.idx.msk [tilespmem:v14+s4+$0x0], $0xffff  }
0x16c: {  	v15 =	vld.idx.msk [tilespmem:v35+s4+$0x0], $0xffff  }
0x16d: {  	v33 =	vld.idx.msk [tilespmem:v52+s4+$0x0], $0xffff  }
0x16e: {  	v52 =	vld.idx.msk [tilespmem:v48+s4+$0x0], $0xffff  }
0x16f: {  	v48 =	vadd.s32 v0, v23;
	v0 =	vld [tilespmem:$0x1FFB0]  }
0x170: {  	v60 =	vld.idx.msk [tilespmem:v6+s4+$0x0], $0xffff;
	v1 =	vadd.s32 v25, v23  }
0x171: {  	v20 =	vld.idx.msk [tilespmem:v5+s4+$0x0], $0xffff  }
0x172: {  	[tilespmem:$0x1FD90] =	vst v37;
	v37 =	vld.idx.msk [tilespmem:v10+s4+$0x0], $0xffff  }
0x173: {  	v24 =	vld.idx.msk [tilespmem:v44+s4+$0x0], $0xffff  }
0x174: {  	v44 =	vadd.s32 v0, v23;
	v0 =	vld [tilespmem:$0x1FFC0]  }
0x175: {  	v13 =	vld.idx.msk [tilespmem:v1+s4+$0x0], $0xffff  }
0x176: {  	v35 =	vld.idx.msk [tilespmem:v8+s4+$0x0], $0xffff  }
0x177: {  	v34 =	vld.idx.msk [tilespmem:v50+s4+$0x0], $0xffff  }
0x178: {  	[tilespmem:$0x1FF30] =	vst v25;
	v25 =	vld.idx.msk [tilespmem:v43+s4+$0x0], $0xffff  }
0x179: {  	v43 =	vadd.s32 v0, v23;
	v0 =	vld [tilespmem:$0x1FFD0]  }
0x17a: {  	[tilespmem:$0x1FDD0] =	vst v41;
	v41 =	vld.idx.msk [tilespmem:v59+s4+$0x0], $0xffff  }
0x17b: {  	v46 =	vadd.f32 $-1.000000000e+00, v46;
	v32 =	vld.idx.msk [tilespmem:v32+s4+$0x0], $0xffff  }
0x17c: {  	v59 =	vpop (erf);
	v58 =	vld.idx.msk [tilespmem:v9+s4+$0x0], $0xffff  }
0x17d: {  	v11 =	vmul.f32 v59, v46;
	v46 =	vmax.f32 v36, v21;
	v59 =	vmax.f32 v16, v22;
	v38 =	vld.idx.msk [tilespmem:v38+s4+$0x0], $0xffff  }
0x17e: {  	v12 =	vmax.f32 v46, v59;
	v59 =	vadd.s32 v0, v23;
	v0 =	vld [tilespmem:$0x1FFE0]  }
0x17f: {  	[tilespmem:$0x1FF80] =	vst v1;
	v1 =	vmax.f32 v60, v20;
	v26 =	vld.idx.msk [tilespmem:v47+s4+$0x0], $0xffff  }
0x180: {  	v3 =	vmax.f32 v13, v39;
	v50 =	vmax.f32 v61, v62;
	v46 =	vmax.f32 v40, v14;
	v27 =	vld.idx.msk [tilespmem:v49+s4+$0x0], $0xffff  }
0x181: {  	v5 =	vmul.f32 v11, v11;
	v4 =	vmax.f32 v42, v41;
	v2 =	vmax.f32 v15, v19;
	v28 =	vld.idx.msk [tilespmem:v48+s4+$0x0], $0xffff  }
0x182: {  	v9 =	vmax.f32 v3, v46;
	v8 =	vmax.f32 v2, v1;
	v1 =	vmax.f32 v56, v55;
	v29 =	vld.idx.msk [tilespmem:v44+s4+$0x0], $0xffff  }
0x183: {  	v3 =	vmax.f32 v32, v38;
	v47 =	vmax.f32 v17, v18;
	v30 =	vld.idx.msk [tilespmem:v43+s4+$0x0], $0xffff;
	v7 =	vadd.s32 v0, v23  }
0x184: {  	v3 =	vmax.f32 v4, v3;
	v2 =	vmax.f32 v24, v25;
	v10 =	vmax.f32 v47, v50;
	v31 =	vld.idx.msk [tilespmem:v59+s4+$0x0], $0xffff  }
0x185: {  	v50 =	vmax.f32 v34, v57;
	v48 =	vmax.f32 v58, v33;
	v23 =	vmul.f32 $2.222222240e-01, v5  }
0x186: {  	v49 =	vmax.f32 v37, v35;
	v6 =	vmax.f32 v48, v1;
	v1 =	vmax.f32 v26, v27  }
0x187: {  	v1 =	vmax.f32 v2, v1;
	v43 =	vmax.f32 v49, v50;
	v23 =	vadd.f32 $2.857142980e-01, v23  }
0x188: {  	v49 =	vmax.f32 v54, v53;
	v50 =	vmax.f32 v52, v51;
	v4 =	vmax.f32 v28, v29;
	v59 =	vld.idx.msk [tilespmem:v7+s4+$0x0], $0xffff  }
0x189: {  	v44 =	vmax.f32 v49, v50;
	v2 =	vmul.f32 v23, v5;
	v7 =	vmax.f32 v30, v31  }
0x18a: {  	v6 =	vmax.f32 v43, v6;
	v3 =	vmax.f32 v44, v3;
	v4 =	vmax.f32 v4, v7  }
0x18b: {  	v7 =	vmax.f32 v9, v8;
	v2 =	vadd.f32 $4.000000060e-01, v2;
	v1 =	vmax.f32 v1, v4  }
0x18c: {  	v4 =	vmax.f32 v12, v10;
	v6 =	vmax.f32 v7, v6;
	v1 =	vmax.f32 v3, v1  }
0x18d: {  	v2 =	vmul.f32 v2, v5;
	v1 =	vmax.f32 v6, v1;
	v3 =	vmax.f32 v4, v59  }
0x18e: {  	v43 =	vmax.f32 v1, v3;
	v1 =	vlaneseq.u32  }
0x18f: {  	v2 =	vadd.f32 $6.666666860e-01, v2;
	v1 =	vor.u32 s4, v1;
	v3 =	vsub.f32 v36, v43  }
0x190: {  	v4 =	vsub.f32 v21, v43  }
0x191: {  	v2 =	vmul.f32 v2, v5;
	v5 =	vshra.s32 v63, $0x17;
	v3 =	vmul.f32 $1.442695020e+00, v3  }
0x192: {  	v5 =	vadd.s32 $0xFFFFFF81, v5;
	v4 =	vmul.f32 $1.442695020e+00, v4  }
0x193: {  	v6 =	vsub.f32 v16, v43;
	(erf) = vpow2.f32 v3;
	v3 =	vcvt.s32.f32 v5  }
0x194: {  	v2 =	vadd.f32 $2.000000000e+00, v2;
	v5 =	vsub.f32 v22, v43;
	v1 =	vld.idx.msk [tilespmem:v1+s6+$0x0], $0xffff;
	(erf) = vpow2.f32 v4  }
0x195: {  	v4 =	vmul.f32 $1.442695020e+00, v6;
	v3 =	vmul.f32 $6.931471820e-01, v3  }
0x196: {  	v7 =	vmul.f32 v2, v11;
	v6 =	vsub.f32 v17, v43;
	v5 =	vmul.f32 $1.442695020e+00, v5  }
0x197: {  	v2 =	vsub.f32 v18, v43;
	(erf) = vpow2.f32 v4;
	v4 =	vadd.f32 v3, v45  }
0x198: {  	v0 =	vld [tilespmem:$0x1FFF0];
	(erf) = vpow2.f32 v5;
	v3 =	vmul.f32 $1.442695020e+00, v6;
	v5 =	vsub.f32 v61, v43  }
0x199: {  	v2 =	vmul.f32 $1.442695020e+00, v2;
	v1 =	vtrunc.f32 v1  }
0x19a: {  	(erf) = vpow2.f32 v3;
	v3 =	vsub.f32 v62, v43;
	v5 =	vmul.f32 $1.442695020e+00, v5  }
0x19b: {  	v1 =	vcvt.f32.s32 v1;
	(erf) = vpow2.f32 v2;
	v2 =	vsub.f32 v13, v43  }
0x19c: {  	v8 =	vsub.f32 v39, v43;
	v3 =	vmul.f32 $1.442695020e+00, v3;
	(erf) = vpow2.f32 v5  }
0x19d: {  	v5 =	vsub.f32 v40, v43;
	v6 =	vadd.s32 v1, v0;
	v2 =	vmul.f32 $1.442695020e+00, v2  }
0x19e: {  	(erf) = vpow2.f32 v3;
	v3 =	vmul.f32 $1.442695020e+00, v8;
	v8 =	vsub.f32 v14, v43  }
0x19f: {  	(erf) = vpow2.f32 v2;
	v2 =	vmul.f32 $1.442695020e+00, v5;
	v5 =	vsub.f32 v15, v43  }
0x1a0: {  	(erf) = vpow2.f32 v3;
	v3 =	vmul.f32 $1.442695020e+00, v8  }
0x1a1: {  	v8 =	vsub.f32 v19, v43;
	(erf) = vpow2.f32 v2;
	v5 =	vmul.f32 $1.442695020e+00, v5  }
0x1a2: {  	v9 =	vsub.f32 v60, v43;
	v10 =	vsub.f32 v20, v43;
	v6 =	vld.idx.msk [tilespmem:v6+s4+$0x0], $0xffff;
	(erf) = vpow2.f32 v3  }
0x1a3: {  	v8 =	vmul.f32 $1.442695020e+00, v8;
	v2 =	vpop (erf);
	(erf) = vpow2.f32 v5;
	v5 =	vsub.f32 v37, v43  }
0x1a4: {  	v63 =	vld.idx.msk [tilespmem:v1+s5+$0x0], $0xffff;
	v1 =	vmul.f32 $1.442695020e+00, v9  }
0x1a5: {  	v7 =	vadd.f32 v7, v4;
	v3 =	vpop (erf);
	(erf) = vpow2.f32 v8;
	v8 =	vmul.f32 $1.442695020e+00, v10  }
0x1a6: {  	v4 =	vpop (erf);
	(erf) = vpow2.f32 v1;
	v1 =	vsub.f32 v35, v43;
	v9 =	vmul.f32 $1.442695020e+00, v5  }
0x1a7: {  	v5 =	vpop (erf);
	v10 =	vsub.f32 v7, v6;
	(erf) = vpow2.f32 v8;
	v8 =	vsub.f32 v34, v43  }
0x1a8: {  	v1 =	vmul.f32 $1.442695020e+00, v1  }
0x1a9: {  	v6 =	vpop (erf);
	(erf) = vpow2.f32 v9;
	v9 =	vmul.f32 v10, v63;
	v10 =	vsub.f32 v57, v43  }
0x1aa: {  	v7 =	vpop (erf);
	(erf) = vpow2.f32 v1;
	v1 =	vsub.f32 v58, v43  }
0x1ab: {  	v12 =	vmul.f32 $1.442695020e+00, v8;
	v8 =	vpop (erf)  }
0x1ac: {  	v14 =	vsub.f32 v33, v43;
	v11 =	vpop (erf)  }
0x1ad: {  	v34 =	vimm.f32 $0.0e+00;
	(erf) = vpow2.f32 v12;
	v13 =	vmul.f32 $1.442695020e+00, v10;
	v10 =	vpop (erf)  }
0x1ae: {  	s8 =	simm.s32 $0x20;
	v35 =	vadd.f32 v9, v34;
	v12 =	vmul.f32 $1.442695020e+00, v1;
	v9 =	vsub.f32 v56, v43;
	v1 =	vpop (erf)  }
.LBB2_1:
0x1af: {  	v0 =	vsub.f32 v55, v43;
	v56 =	vsub.f32 v59, v43  }
0x1b0: {  	v58 =	vadd.f32 v3, v2;
	v6 =	vadd.f32 v7, v6  }
0x1b1: {  	v14 =	vmul.f32 $1.442695020e+00, v14;
	v7 =	vadd.f32 v11, v8;
	v1 =	vadd.f32 v1, v10  }
0x1b2: {  	v15 =	vpop (erf);
	(erf) = vpow2.f32 v13;
	v9 =	vmul.f32 $1.442695020e+00, v9;
	v13 =	vsub.f32 v54, v43  }
0x1b3: {  	v16 =	vpop (erf);
	(erf) = vpow2.f32 v12;
	v0 =	vmul.f32 $1.442695020e+00, v0;
	v12 =	vsub.f32 v53, v43  }
0x1b4: {  	v17 =	vpop (erf);
	v10 =	vadd.f32 v16, v15;
	v7 =	vadd.f32 v7, v6;
	(erf) = vpow2.f32 v14  }
0x1b5: {  	v13 =	vmul.f32 $1.442695020e+00, v13;
	v14 =	vsub.f32 v52, v43;
	v18 =	vpop (erf);
	(erf) = vpow2.f32 v9  }
0x1b6: {  	v9 =	vmul.f32 $1.442695020e+00, v12;
	v12 =	vsub.f32 v51, v43;
	v19 =	vpop (erf);
	(erf) = vpow2.f32 v0  }
0x1b7: {  	v0 =	vmul.f32 $1.442695020e+00, v14;
	v14 =	vsub.f32 v42, v43;
	v20 =	vpop (erf);
	(erf) = vpow2.f32 v13  }
0x1b8: {  	v12 =	vmul.f32 $1.442695020e+00, v12;
	v13 =	vsub.f32 v41, v43;
	v21 =	vpop (erf);
	(erf) = vpow2.f32 v9  }
0x1b9: {  	v9 =	vmul.f32 $1.442695020e+00, v14;
	v14 =	vsub.f32 v32, v43;
	v22 =	vpop (erf);
	(erf) = vpow2.f32 v0  }
0x1ba: {  	v0 =	vmul.f32 $1.442695020e+00, v13;
	v13 =	vsub.f32 v38, v43;
	v23 =	vpop (erf);
	(erf) = vpow2.f32 v12  }
0x1bb: {  	v12 =	vmul.f32 $1.442695020e+00, v14;
	v14 =	vsub.f32 v24, v43;
	v38 =	vpop (erf);
	(erf) = vpow2.f32 v9  }
0x1bc: {  	v2 =	vld [tilespmem:$0x1FD70];
	v9 =	vmul.f32 $1.442695020e+00, v13;
	v13 =	vsub.f32 v25, v43;
	v39 =	vpop (erf);
	(erf) = vpow2.f32 v0  }
0x1bd: {  	v3 =	vld [tilespmem:$0x1FDC0];
	v0 =	vmul.f32 $1.442695020e+00, v14;
	v14 =	vsub.f32 v26, v43;
	v60 =	vpop (erf);
	(erf) = vpow2.f32 v12  }
0x1be: {  	v55 =	vld [tilespmem:$0x1FE30];
	v12 =	vmul.f32 $1.442695020e+00, v13;
	v13 =	vsub.f32 v27, v43;
	v49 =	vpop (erf);
	(erf) = vpow2.f32 v9  }
0x1bf: {  	v6 =	vld [tilespmem:$0x1FDE0];
	v9 =	vmul.f32 $1.442695020e+00, v14;
	v14 =	vsub.f32 v28, v43;
	v46 =	vpop (erf);
	(erf) = vpow2.f32 v0  }
0x1c0: {  	v52 =	vld [tilespmem:$0x1FE10];
	v10 =	vadd.f32 v10, v1;
	v0 =	vmul.f32 $1.442695020e+00, v13;
	v50 =	vpop (erf);
	(erf) = vpow2.f32 v12  }
0x1c1: {  	v1 =	vld [tilespmem:$0x1FDF0];
	v13 =	vsub.f32 v29, v43;
	v24 =	vmul.f32 $1.442695020e+00, v14;
	v61 =	vpop (erf);
	(erf) = vpow2.f32 v9  }
0x1c2: {  	v26 =	vld [tilespmem:$0x1FFB0];
	v14 =	vsub.f32 v30, v43;
	v48 =	vpop (erf);
	(erf) = vpow2.f32 v0;
	v0 =	vmov s8  }
0x1c3: {  	v59 =	vadd.f32 v5, v4;
	v27 =	vld [tilespmem:$0x1FFC0];
	v9 =	vmul.f32 $1.442695020e+00, v13;
	v47 =	vmul.u32 $0x29, v0  }
0x1c4: {  	v25 =	vsub.f32 v31, v43;
	v28 =	vld [tilespmem:$0x1FFD0];
	v14 =	vmul.f32 $1.442695020e+00, v14;
	v62 =	vpop (erf);
	(erf) = vpow2.f32 v24  }
0x1c5: {  	v12 =	vpop (erf);
	(erf) = vpow2.f32 v9;
	v9 =	vlaneseq.u32;
	v5 =	vadd.s32 v2, v47;
	v2 =	vld [tilespmem:$0x1FD80]  }
0x1c6: {  	v24 =	vld [tilespmem:$0x1FF00];
	v9 =	vor.u32 s7, v9  }
0x1c7: {  	v0 =	vmul.f32 $1.442695020e+00, v25;
	v13 =	vpop (erf);
	(erf) = vpow2.f32 v14;
	v14 =	vld [tilespmem:$0x1FD50]  }
0x1c8: {  	v25 =	vld [tilespmem:$0x1FFA0]  }
0x1c9: {  	v51 =	vadd.f32 v60, v39;
	v39 =	vadd.s32 v6, v47;
	v57 =	vpop (erf);
	(erf) = vpow2.f32 v0;
	v0 =	vld [tilespmem:$0x1FD60]  }
0x1ca: {  	v27 =	vadd.s32 v27, v47;
	v11 =	vadd.s32 v2, v47;
	v2 =	vld [tilespmem:$0x1FD90]  }
0x1cb: {  	v49 =	vadd.f32 v46, v49;
	v46 =	vld.idx.msk [tilespmem:v9+s6+$0x0], $0xffff  }
0x1cc: {  	v14 =	vadd.s32 v14, v47;
	v36 =	vld.idx.msk [tilespmem:v5+s4+$0x0], $0xffff  }
0x1cd: {  	v5 =	vld [tilespmem:$0x1FDD0]  }
0x1ce: {  	v21 =	vadd.f32 v22, v21;
	v22 =	vadd.f32 v38, v23;
	v23 =	vld.idx.msk [tilespmem:v39+s4+$0x0], $0xffff  }
0x1cf: {  	v53 =	vadd.s32 v52, v47;
	v4 =	vpop (erf);
	v54 =	vld.idx.msk [tilespmem:v27+s4+$0x0], $0xffff  }
0x1d0: {  	v8 =	vpop (erf);
	v25 =	vadd.s32 v25, v47;
	v16 =	vadd.s32 v2, v47;
	v2 =	vld [tilespmem:$0x1FDA0]  }
0x1d1: {  	v17 =	vadd.f32 v18, v17;
	v18 =	vadd.f32 v20, v19;
	v15 =	vpop (erf);
	v31 =	vld.idx.msk [tilespmem:v14+s4+$0x0], $0xffff  }
0x1d2: {  	v34 =	vadd.f32 v63, v34;
	v63 =	vpop (erf);
	v0 =	vadd.s32 v0, v47;
	v14 =	vadd.s32 v3, v47;
	v3 =	vld [tilespmem:$0x1FF30]  }
0x1d3: {  	v18 =	vadd.f32 v18, v17;
	v21 =	vadd.f32 v22, v21;
	v41 =	vpop (erf);
	v37 =	vld.idx.msk [tilespmem:v11+s4+$0x0], $0xffff  }
0x1d4: {  	v19 =	vadd.f32 v41, v63;
	v41 =	vadd.f32 v49, v51;
	v63 =	vadd.s32 v5, v47;
	v5 =	vld.idx.msk [tilespmem:v53+s4+$0x0], $0xffff  }
0x1d5: {  	v53 =	vld.idx.msk [tilespmem:v25+s4+$0x0], $0xffff  }
0x1d6: {  	v10 =	vadd.f32 v18, v10;
	v9 =	vpop (erf);
	v21 =	vadd.f32 v41, v21;
	v25 =	vld [tilespmem:$0x1FFE0]  }
0x1d7: {  	v50 =	vadd.f32 v61, v50;
	v61 =	vpop (erf);
	v32 =	vld.idx.msk [tilespmem:v0+s4+$0x0], $0xffff;
	v0 =	vadd.f32 v13, v12;
	v13 =	vmul.f32 $1.442695020e+00, v56  }
0x1d8: {  	v12 =	vpop (erf);
	v56 =	vadd.s32 v55, v47;
	v10 =	vadd.f32 v21, v10;
	v21 =	vadd.s32 v24, v47;
	v24 =	vld [tilespmem:$0x1FF10]  }
0x1d9: {  	v8 =	vadd.f32 v15, v8;
	v15 =	vpop (erf);
	v40 =	vadd.s32 v2, v47;
	v2 =	vld [tilespmem:$0x1FDB0]  }
0x1da: {  	v9 =	vadd.f32 v61, v9;
	v11 =	vadd.f32 v15, v12;
	v15 =	vld.idx.msk [tilespmem:v16+s4+$0x0], $0xffff  }
0x1db: {  	v60 =	vadd.f32 v62, v48;
	v62 =	vadd.f32 v4, v57;
	v45 =	vld.idx.msk [tilespmem:v14+s4+$0x0], $0xffff  }
0x1dc: {  	v8 =	vadd.f32 v19, v8;
	v9 =	vadd.f32 v11, v9;
	v11 =	vld [tilespmem:$0x1FE20]  }
0x1dd: {  	v0 =	vadd.f32 v62, v0;
	v48 =	vadd.s32 v3, v47;
	v3 =	vld.idx.msk [tilespmem:v56+s4+$0x0], $0xffff  }
0x1de: {  	v14 =	vadd.f32 v60, v50;
	v8 =	vadd.f32 v9, v8;
	v9 =	vld [tilespmem:$0x1FE40]  }
0x1df: {  	v22 =	vadd.s32 v24, v47;
	v24 =	vld [tilespmem:$0x1FF20]  }
0x1e0: {  	(erf) = vpow2.f32 v13;
	v0 =	vadd.f32 v0, v14;
	v14 =	vld [tilespmem:$0x1FE50]  }
0x1e1: {  	v42 =	vadd.s32 v2, v47;
	v33 =	vld.idx.msk [tilespmem:v40+s4+$0x0], $0xffff  }
0x1e2: {  	v0 =	vadd.f32 v8, v0;
	v40 =	vadd.s32 v1, v47;
	v1 =	vld [tilespmem:$0x1FE00]  }
0x1e3: {  	v8 =	vld [tilespmem:$0x1FE60];
	v9 =	vadd.s32 v9, v47  }
0x1e4: {  	v0 =	vadd.f32 v0, v10;
	v10 =	vld [tilespmem:$0x1FE80]  }
0x1e5: {  	v11 =	vadd.s32 v11, v47;
	v56 =	vadd.s32 v24, v47;
	v24 =	vld [tilespmem:$0x1FF40]  }
0x1e6: {  	v38 =	vadd.f32 v59, v58;
	v44 =	vld.idx.msk [tilespmem:v42+s4+$0x0], $0xffff  }
0x1e7: {  	v42 =	vadd.s32 v1, v47;
	v1 =	vld.idx.msk [tilespmem:v48+s4+$0x0], $0xffff  }
0x1e8: {  	v7 =	vadd.f32 v7, v38;
	v38 =	vld.idx.msk [tilespmem:v9+s4+$0x0], $0xffff  }
0x1e9: {  	v57 =	vpop (erf);
	v8 =	vadd.s32 v8, v47;
	v9 =	vld [tilespmem:$0x1FE90]  }
0x1ea: {  	v7 =	vadd.f32 v7, v57;
	v4 =	vld.idx.msk [tilespmem:v11+s4+$0x0], $0xffff  }
0x1eb: {  	v11 =	vld [tilespmem:$0x1FE70]  }
0x1ec: {  	v59 =	vadd.f32 v0, v7;
	v0 =	vld [tilespmem:$0x1FEA0]  }
0x1ed: {  	[tilespmem:$0x1FC80] =	vst v1;
	v1 =	vld.idx.msk [tilespmem:v63+s4+$0x0], $0xffff  }
0x1ee: {  	v16 =	vld.idx.msk [tilespmem:v8+s4+$0x0], $0xffff;
	v9 =	vadd.s32 v9, v47  }
0x1ef: {  	v8 =	vld [tilespmem:$0x1FEB0]  }
0x1f0: {  	v20 =	vld.idx.msk [tilespmem:v40+s4+$0x0], $0xffff;
	v11 =	vadd.s32 v11, v47  }
0x1f1: {  	v57 =	vadd.s32 v24, v47;
	v24 =	vld [tilespmem:$0x1FF50];
	v60 =	vand.u32 $0x7FFFFF, v59  }
0x1f2: {  	v50 =	vor.u32 $0x3F800000, v60;
	v0 =	vadd.s32 v0, v47;
	[tilespmem:$0x1FC90] =	vst v1;
	v1 =	vld.idx.msk [tilespmem:v42+s4+$0x0], $0xffff  }
0x1f3: {  	v63 =	vadd.f32 $1.000000000e+00, v50;
	v40 =	vld.idx.msk [tilespmem:v9+s4+$0x0], $0xffff  }
0x1f4: {  	v58 =	vadd.s32 v8, v47;
	v9 =	vld [tilespmem:$0x1FEE0]  }
0x1f5: {  	(erf) = vrcp.f32 v63;
	v39 =	vld.idx.msk [tilespmem:v11+s4+$0x0], $0xffff  }
0x1f6: {  	v10 =	vadd.s32 v10, v47;
	v11 =	vld [tilespmem:$0x1FEC0]  }
0x1f7: {  	v41 =	vld.idx.msk [tilespmem:v0+s4+$0x0], $0xffff  }
0x1f8: {  	v0 =	vld [tilespmem:$0x1FEF0]  }
0x1f9: {  	v13 =	vld.idx.msk [tilespmem:v58+s4+$0x0], $0xffff;
	v18 =	vadd.s32 v9, v47  }
0x1fa: {  	v58 =	vadd.s32 v24, v47;
	v24 =	vld [tilespmem:$0x1FF60]  }
0x1fb: {  	v42 =	vld.idx.msk [tilespmem:v10+s4+$0x0], $0xffff  }
0x1fc: {  	[tilespmem:$0x1FCA0] =	vst v1;
	v1 =	vld.idx.msk [tilespmem:v21+s4+$0x0], $0xffff  }
0x1fd: {  	v14 =	vadd.s32 v14, v47;
	v50 =	vadd.f32 $-1.000000000e+00, v50;
	v19 =	vadd.s32 v0, v47;
	v0 =	vld.idx.msk [tilespmem:v22+s4+$0x0], $0xffff  }
0x1fe: {  	v21 =	vpop (erf);
	v6 =	vld.idx.msk [tilespmem:v18+s4+$0x0], $0xffff  }
0x1ff: {  	v22 =	vadd.s32 v26, v47;
	v26 =	vmul.f32 v21, v50;
	v18 =	vadd.s32 v24, v47;
	v24 =	vld [tilespmem:$0x1FF70]  }
0x200: {  	v28 =	vadd.s32 v28, v47;
	v10 =	vld [tilespmem:$0x1FED0]  }
0x201: {  	v7 =	vld [tilespmem:$0x1FF80];
	v29 =	vmul.f32 v26, v26  }
0x202: {  	v17 =	vld.idx.msk [tilespmem:v14+s4+$0x0], $0xffff  }
0x203: {  	v9 =	vld.idx.msk [tilespmem:v19+s4+$0x0], $0xffff;
	v30 =	vmul.f32 $2.222222240e-01, v29  }
0x204: {  	v61 =	vadd.s32 v11, v47;
	v19 =	vadd.s32 v24, v47;
	v24 =	vld [tilespmem:$0x1FF90]  }
0x205: {  	v14 =	vmovc v31;
	v63 =	vmax.f32 v31, v32;
	v31 =	vld.idx.msk [tilespmem:v28+s4+$0x0], $0xffff;
	v62 =	vadd.s32 v10, v47;
	v30 =	vadd.f32 $2.857142980e-01, v30  }
0x206: {  	v2 =	vld.idx.msk [tilespmem:v57+s4+$0x0], $0xffff  }
0x207: {  	v51 =	vmov v34;
	v46 =	vtrunc.f32 v46;
	[tilespmem:$0x1FCB0] =	vst v45;
	v8 =	vld [tilespmem:$0x1FC90];
	v30 =	vmul.f32 v30, v29  }
0x208: {  	v25 =	vadd.s32 v25, v47;
	v55 =	vmax.f32 v36, v37;
	v27 =	vmax.f32 v15, v33;
	[tilespmem:$0x1FCF0] =	vst v38;
	v10 =	vld [tilespmem:$0x1FCA0]  }
0x209: {  	v34 =	vmax.f32 v23, v20;
	[tilespmem:$0x1FD00] =	vst v39;
	v11 =	vld.idx.msk [tilespmem:v61+s4+$0x0], $0xffff;
	v30 =	vadd.f32 $4.000000060e-01, v30;
	v24 =	vadd.s32 v24, v47  }
0x20a: {  	v59 =	vshra.s32 v59, $0x17;
	v55 =	vmax.f32 v63, v55;
	v49 =	vmax.f32 v54, v31;
	[tilespmem:$0x1FD10] =	vst v42;
	v12 =	vld.idx.msk [tilespmem:v62+s4+$0x0], $0xffff  }
0x20b: {  	v21 =	vmovc v37;
	v50 =	vmov v33;
	v33 =	vmax.f32 v44, v45;
	v62 =	vld.idx.msk [tilespmem:v56+s4+$0x0], $0xffff;
	v30 =	vmul.f32 v30, v29  }
0x20c: {  	v37 =	vmax.f32 v38, v17;
	v38 =	vmax.f32 v16, v39;
	v39 =	vmax.f32 v42, v40;
	v61 =	vld.idx.msk [tilespmem:v58+s4+$0x0], $0xffff  }
0x20d: {  	[tilespmem:$0x1FD30] =	vst v41;
	v27 =	vmax.f32 v27, v33;
	v33 =	vadd.s32 $0xFFFFFF81, v59;
	v57 =	vld.idx.msk [tilespmem:v22+s4+$0x0], $0xffff;
	v30 =	vadd.f32 $6.666666860e-01, v30  }
0x20e: {  	[tilespmem:$0x1FD20] =	vst v40;
	v40 =	vmax.f32 v41, v13;
	v42 =	vmax.f32 v6, v9;
	v56 =	vld.idx.msk [tilespmem:v24+s4+$0x0], $0xffff;
	v24 =	vcvt.f32.s32 v46  }
0x20f: {  	v22 =	vmovc v44;
	v44 =	vmax.f32 v1, v0;
	v60 =	vld.idx.msk [tilespmem:v18+s4+$0x0], $0xffff;
	v29 =	vmul.f32 v30, v29;
	v30 =	vcvt.s32.f32 v33  }
0x210: {  	v41 =	vmax.f32 v11, v12;
	v18 =	vmovc v32;
	v58 =	vld.idx.msk [tilespmem:v19+s4+$0x0], $0xffff;
	v32 =	vadd.s32 v24, v7;
	v7 =	vmov v48  }
0x211: {  	v52 =	vmovc v35;
	v63 =	vmax.f32 v41, v42;
	v42 =	vmovc v1;
	v29 =	vadd.f32 $2.000000000e+00, v29;
	v1 =	vmul.f32 $6.931471820e-01, v30;
	[tilespmem:$0x1FF80] =	vst v7;
	v7 =	vld [tilespmem:$0x1FC80]  }
0x212: {  	v59 =	vld.idx.msk [tilespmem:v25+s4+$0x0], $0xffff;
	v25 =	vmax.f32 v39, v40;
	v35 =	vmax.f32 v10, v5;
	v45 =	vmax.f32 v62, v2  }
0x213: {  	v45 =	vmax.f32 v44, v45;
	v26 =	vmul.f32 v29, v26;
	v1 =	vadd.f32 v1, v43  }
0x214: {  	v19 =	vmovc v36;
	v36 =	vmax.f32 v4, v3;
	v33 =	vmax.f32 v63, v45;
	v46 =	vmax.f32 v61, v60  }
0x215: {  	v41 =	vmovc v0;
	v48 =	vmax.f32 v53, v57;
	v1 =	vadd.f32 v26, v1;
	v47 =	vmax.f32 v58, v56  }
0x216: {  	v0 =	vmax.f32 v48, v49;
	v46 =	vmax.f32 v46, v47;
	v32 =	vld.idx.msk [tilespmem:v32+s4+$0x0], $0xffff;
	v28 =	vmax.f32 v7, v8  }
0x217: {  	[tilespmem:$0x1FCE0] =	vst v3;
	v28 =	vmax.f32 v28, v34;
	v34 =	vmax.f32 v35, v36;
	v35 =	vmax.f32 v37, v38  }
0x218: {  	v63 =	vld.idx.msk [tilespmem:v24+s5+$0x0], $0xffff;
	v0 =	vmax.f32 v46, v0;
	v3 =	vmax.f32 v28, v34;
	v25 =	vmax.f32 v35, v25  }
0x219: {  	v24 =	vmax.f32 v55, v27;
	v0 =	vmax.f32 v33, v0;
	v38 =	vmovc v2;
	v2 =	vmax.f32 v3, v25  }
0x21a: {  	v24 =	vmax.f32 v24, v59;
	v0 =	vmax.f32 v2, v0  }
0x21b: {  	v43 =	vmax.f32 v0, v24;
	v24 =	vsub.f32 v1, v32;
	_ =	sdelay $0x1  }
0x21c: {  	v0 =	vmul.f32 v24, v63  }
0x21d: {  	v47 =	vmov v52  }
0x21e: {  	v35 =	vadd.f32 v0, v47;
	v0 =	vld [tilespmem:$0x1FCB0];
	_ =	sdelay $0x2  }
0x21f: {  	v2 =	vsub.f32 v14, v43  }
0x220: {  	[tilespmem:$0x1FCC0] =	vst v5;
	v3 =	vsub.f32 v18, v43  }
0x221: {  	[tilespmem:$0x1FCD0] =	vst v4;
	v4 =	vsub.f32 v19, v43;
	v2 =	vmul.f32 $1.442695020e+00, v2;
	v1 =	vsub.f32 v0, v43;
	v0 =	vld [tilespmem:$0x1FCC0]  }
0x222: {  	v5 =	vsub.f32 v21, v43;
	v3 =	vmul.f32 $1.442695020e+00, v3  }
0x223: {  	v52 =	vmovc v6;
	v6 =	vsub.f32 v22, v43;
	v4 =	vmul.f32 $1.442695020e+00, v4;
	(erf) = vpow2.f32 v2  }
0x224: {  	v2 =	vmul.f32 $1.442695020e+00, v5;
	v5 =	vsub.f32 v50, v43;
	(erf) = vpow2.f32 v3  }
0x225: {  	(erf) = vpow2.f32 v4  }
0x226: {  	v4 =	vmul.f32 $1.442695020e+00, v5;
	v5 =	vmul.f32 $1.442695020e+00, v6;
	v6 =	vsub.f32 v0, v43;
	v0 =	vld [tilespmem:$0x1FCD0]  }
0x227: {  	v28 =	vmov v53;
	v53 =	vmov v12;
	v12 =	vsub.f32 v15, v43;
	_ =	sdelay $0x1  }
0x228: {  	v3 =	vmul.f32 $1.442695020e+00, v12  }
0x229: {  	(erf) = vpow2.f32 v2  }
0x22a: {  	v55 =	vmovc v13;
	v2 =	vsub.f32 v7, v43;
	(erf) = vpow2.f32 v3;
	v13 =	vsub.f32 v0, v43;
	v0 =	vld [tilespmem:$0x1FCE0]  }
0x22b: {  	v3 =	vsub.f32 v8, v43;
	(erf) = vpow2.f32 v4;
	v1 =	vmul.f32 $1.442695020e+00, v1  }
0x22c: {  	v7 =	vmul.f32 $1.442695020e+00, v2;
	(erf) = vpow2.f32 v5  }
0x22d: {  	v8 =	vmul.f32 $1.442695020e+00, v3;
	(erf) = vpow2.f32 v1  }
0x22e: {  	(erf) = vpow2.f32 v7  }
0x22f: {  	(erf) = vpow2.f32 v8;
	v8 =	vsub.f32 v0, v43;
	v0 =	vld [tilespmem:$0x1FCF0];
	_ =	sdelay $0x1  }
0x230: {  	v4 =	vsub.f32 v23, v43  }
0x231: {  	v5 =	vsub.f32 v20, v43  }
0x232: {  	v34 =	vmovc v51;
	v51 =	vmov v9;
	v9 =	vsub.f32 v10, v43;
	v1 =	vmul.f32 $1.442695020e+00, v4  }
0x233: {  	v7 =	vmul.f32 $1.442695020e+00, v5;
	v15 =	vsub.f32 v0, v43;
	v0 =	vld [tilespmem:$0x1FD00]  }
0x234: {  	v12 =	vmul.f32 $1.442695020e+00, v9;
	v2 =	vpop (erf);
	(erf) = vpow2.f32 v1  }
0x235: {  	v3 =	vpop (erf);
	v1 =	vmul.f32 $1.442695020e+00, v6;
	(erf) = vpow2.f32 v7  }
0x236: {  	v4 =	vpop (erf);
	(erf) = vpow2.f32 v12;
	v13 =	vmul.f32 $1.442695020e+00, v13  }
0x237: {  	v5 =	vpop (erf);
	(erf) = vpow2.f32 v1  }
0x238: {  	v6 =	vpop (erf);
	(erf) = vpow2.f32 v13;
	v13 =	vsub.f32 v0, v43;
	v0 =	vld [tilespmem:$0x1FD10];
	_ =	sdelay $0x2  }
0x239: {  	v12 =	vmul.f32 $1.442695020e+00, v8;
	_ =	sdelay $0x1  }
0x23a: {  	v7 =	vpop (erf);
	(erf) = vpow2.f32 v12;
	v12 =	vsub.f32 v0, v43;
	v0 =	vld [tilespmem:$0x1FD20];
	_ =	sdelay $0x1  }
0x23b: {  	v14 =	vsub.f32 v17, v43;
	_ =	sdelay $0x1  }
0x23c: {  	v32 =	vmov v62;
	v62 =	vmul.f32 $1.442695020e+00, v14  }
0x23d: {  	p0 =	sne.s32 s8, $0x180;
	v1 =	vmul.f32 $1.442695020e+00, v15;
	v15 =	vsub.f32 v16, v43;
	v14 =	vsub.f32 v0, v43;
	v0 =	vld [tilespmem:$0x1FD30]  }
.Ltmp0:
0x23e: {  	v30 =	vmov v54;
	v8 =	vpop (erf);
	(pc) =	sbr.rel @p0 .LBB2_1-.Ltmp0, $4  }
0x23f: {  	v54 =	vmov v11;
	v11 =	vpop (erf);
	v15 =	vmul.f32 $1.442695020e+00, v15;
	(erf) = vpow2.f32 v1  }
0x240: {  	v29 =	vmov v57;
	v10 =	vpop (erf);
	(erf) = vpow2.f32 v62  }
0x241: {  	v26 =	vmov v58;
	v27 =	vmov v56;
	v1 =	vpop (erf);
	(erf) = vpow2.f32 v15  }
0x242: {  	s7 =	smov.u32 s8;
	s8 =	sadd.s32 $0x10, s8;
	v25 =	vmovc v60;
	v24 =	vmovc v61;
	v13 =	vmul.f32 $1.442695020e+00, v13;
	v12 =	vmul.f32 $1.442695020e+00, v12;
	v9 =	vsub.f32 v0, v43  }
0x243: {  	v14 =	vmul.f32 $1.442695020e+00, v14  }
0x244: {  	v0 =	vsub.f32 v55, v43;
	v15 =	vpop (erf);
	v37 =	vsub.f32 v54, v43;
	(erf) = vpow2.f32 v13  }
0x245: {  	v39 =	vsub.f32 v53, v43;
	v9 =	vmul.f32 $1.442695020e+00, v9;
	v16 =	vpop (erf);
	(erf) = vpow2.f32 v12  }
0x246: {  	v40 =	vsub.f32 v52, v43;
	v0 =	vmul.f32 $1.442695020e+00, v0;
	v17 =	vpop (erf);
	(erf) = vpow2.f32 v14  }
0x247: {  	v45 =	vsub.f32 v51, v43;
	v13 =	vmul.f32 $1.442695020e+00, v37;
	v18 =	vpop (erf);
	(erf) = vpow2.f32 v9  }
0x248: {  	v47 =	vsub.f32 v42, v43;
	v44 =	vmul.f32 $1.442695020e+00, v39;
	v19 =	vpop (erf);
	(erf) = vpow2.f32 v0  }
0x249: {  	v48 =	vsub.f32 v41, v43;
	v46 =	vmul.f32 $1.442695020e+00, v40;
	v20 =	vpop (erf);
	(erf) = vpow2.f32 v13  }
0x24a: {  	v50 =	vsub.f32 v32, v43;
	v12 =	vmul.f32 $1.442695020e+00, v45;
	v21 =	vpop (erf);
	(erf) = vpow2.f32 v44  }
0x24b: {  	v52 =	vsub.f32 v38, v43;
	v49 =	vmul.f32 $1.442695020e+00, v47;
	v22 =	vpop (erf);
	(erf) = vpow2.f32 v46  }
0x24c: {  	v54 =	vsub.f32 v24, v43;
	v51 =	vmul.f32 $1.442695020e+00, v48;
	v23 =	vpop (erf);
	(erf) = vpow2.f32 v12  }
0x24d: {  	v56 =	vsub.f32 v25, v43;
	v53 =	vmul.f32 $1.442695020e+00, v50;
	v24 =	vpop (erf);
	(erf) = vpow2.f32 v49  }
0x24e: {  	v58 =	vsub.f32 v26, v43;
	v55 =	vmul.f32 $1.442695020e+00, v52;
	v25 =	vpop (erf);
	(erf) = vpow2.f32 v51  }
0x24f: {  	v61 =	vsub.f32 v27, v43;
	v57 =	vmul.f32 $1.442695020e+00, v54;
	v26 =	vpop (erf);
	(erf) = vpow2.f32 v53  }
0x250: {  	v32 =	vsub.f32 v28, v43;
	v60 =	vmul.f32 $1.442695020e+00, v56;
	v27 =	vpop (erf);
	(erf) = vpow2.f32 v55  }
0x251: {  	v36 =	vsub.f32 v29, v43;
	v62 =	vmul.f32 $1.442695020e+00, v58;
	v28 =	vpop (erf);
	(erf) = vpow2.f32 v57  }
0x252: {  	v38 =	vsub.f32 v30, v43;
	v33 =	vmul.f32 $1.442695020e+00, v61;
	v29 =	vpop (erf);
	(erf) = vpow2.f32 v60  }
0x253: {  	v41 =	vsub.f32 v31, v43;
	v37 =	vmul.f32 $1.442695020e+00, v32;
	v39 =	vpop (erf);
	(erf) = vpow2.f32 v62  }
0x254: {  	v2 =	vadd.f32 v3, v2;
	v40 =	vmul.f32 $1.442695020e+00, v36;
	v42 =	vpop (erf);
	(erf) = vpow2.f32 v33  }
0x255: {  	v1 =	vadd.f32 v1, v10;
	v44 =	vmul.f32 $1.442695020e+00, v38;
	v45 =	vpop (erf);
	(erf) = vpow2.f32 v37  }
0x256: {  	v54 =	vadd.f32 v11, v8;
	v46 =	vmul.f32 $1.442695020e+00, v41;
	v47 =	vpop (erf);
	(erf) = vpow2.f32 v40  }
0x257: {  	v56 =	vadd.f32 v16, v15;
	v58 =	vadd.f32 v18, v17;
	v48 =	vpop (erf);
	(erf) = vpow2.f32 v44  }
0x258: {  	v61 =	vadd.f32 v22, v21;
	v51 =	vadd.f32 v5, v4;
	v50 =	vpop (erf);
	(erf) = vpow2.f32 v46  }
0x259: {  	v49 =	vsub.f32 v59, v43;
	v59 =	vadd.f32 v20, v19;
	v52 =	vpop (erf)  }
0x25a: {  	v53 =	vadd.f32 v7, v6;
	v2 =	vadd.f32 v51, v2;
	v55 =	vpop (erf)  }
0x25b: {  	v36 =	vadd.f32 v28, v27;
	v62 =	vadd.f32 v24, v23;
	v57 =	vpop (erf)  }
0x25c: {  	v33 =	vadd.f32 v26, v25;
	v38 =	vadd.f32 v39, v29;
	v60 =	vpop (erf)  }
0x25d: {  	v14 =	vadd.f32 v45, v42;
	v45 =	vadd.f32 v54, v53;
	v24 =	vpop (erf)  }
0x25e: {  	v0 =	vmul.f32 $1.442695020e+00, v49;
	v49 =	vadd.f32 v36, v33;
	v9 =	vadd.f32 v48, v47;
	v37 =	vpop (erf)  }
0x25f: {  	v46 =	vadd.f32 v56, v1;
	v47 =	vadd.f32 v59, v58;
	v39 =	vpop (erf)  }
0x260: {  	v48 =	vadd.f32 v62, v61;
	v4 =	vadd.f32 v52, v50;
	(erf) = vpow2.f32 v0;
	v40 =	vpop (erf)  }
0x261: {  	v7 =	vadd.f32 v57, v55;
	v41 =	vadd.f32 v24, v60;
	v42 =	vpop (erf)  }
0x262: {  	v44 =	vadd.f32 v39, v37;
	v13 =	vadd.f32 v42, v40  }
0x263: {  	v50 =	vadd.f32 v14, v38;
	v4 =	vadd.f32 v4, v9  }
0x264: {  	v7 =	vadd.f32 v41, v7;
	v51 =	vadd.f32 v13, v44  }
0x265: {  	v52 =	vadd.f32 v49, v48;
	v4 =	vadd.f32 v4, v50  }
0x266: {  	v0 =	vadd.f32 v47, v46;
	v53 =	vadd.f32 v51, v7  }
0x267: {  	v2 =	vadd.f32 v45, v2  }
0x268: {  	v0 =	vadd.f32 v52, v0;
	v54 =	vadd.f32 v53, v4  }
0x269: {  	v55 =	vpop (erf)  }
0x26a: {  	v2 =	vadd.f32 v2, v55;
	v0 =	vadd.f32 v54, v0;
	_ =	sdelay $0x1  }
0x26b: {  	v0 =	vadd.f32 v0, v2;
	_ =	sdelay $0x1  }
0x26c: {  	v56 =	vand.u32 $0x7FFFFF, v0  }
0x26d: {  	v1 =	vor.u32 $0x3F800000, v56  }
0x26e: {  	v57 =	vadd.f32 $1.000000000e+00, v1;
	_ =	sdelay $0x1  }
0x26f: {  	(erf) = vrcp.f32 v57;
	_ =	sdelay $0x7  }
0x270: {  	v1 =	vadd.f32 $-1.000000000e+00, v1  }
0x271: {  	v2 =	vpop (erf)  }
0x272: {  	v58 =	vlaneseq.u32;
	v1 =	vmul.f32 v2, v1  }
0x273: {  	v2 =	vor.u32 s7, v58  }
0x274: {  	v59 =	vmul.f32 v1, v1;
	_ =	sdelay $0x1  }
0x275: {  	v60 =	vmul.f32 $2.222222240e-01, v59;
	_ =	sdelay $0x1  }
0x276: {  	v2 =	vld.idx.msk [tilespmem:v2+s6+$0x0], $0xffff;
	v4 =	vadd.f32 $2.857142980e-01, v60;
	_ =	sdelay $0x1  }
0x277: {  	v4 =	vmul.f32 v4, v59  }
0x278: {  	v61 =	vld [tilespmem:$0x1FF80]  }
0x279: {  	v4 =	vadd.f32 $4.000000060e-01, v4  }
0x27a: {  	v2 =	vtrunc.f32 v2  }
0x27b: {  	v2 =	vcvt.f32.s32 v2;
	v4 =	vmul.f32 v4, v59;
	_ =	sdelay $0x1  }
0x27c: {  	v0 =	vshra.s32 v0, $0x17;
	v5 =	vadd.s32 v2, v61;
	v4 =	vadd.f32 $6.666666860e-01, v4  }
0x27d: {  	v0 =	vadd.s32 $0xFFFFFF81, v0  }
0x27e: {  	v0 =	vcvt.s32.f32 v0;
	v3 =	vmul.f32 v4, v59;
	_ =	sdelay $0x1  }
0x27f: {  	v0 =	vmul.f32 $6.931471820e-01, v0;
	v3 =	vadd.f32 $2.000000000e+00, v3  }
0x280: {  	v62 =	vld.idx.msk [tilespmem:v5+s4+$0x0], $0xffff  }
0x281: {  	v0 =	vadd.f32 v0, v43;
	v1 =	vmul.f32 v3, v1  }
0x282: {  	v2 =	vld.idx.msk [tilespmem:v2+s5+$0x0], $0xffff  }
0x283: {  	v0 =	vadd.f32 v1, v0;
	_ =	sdelay $0x1  }
0x284: {  	v0 =	vsub.f32 v0, v62  }
0x285: {  	v63 =	vadd.f32 v63, v34  }
0x286: {  	v0 =	vmul.f32 v0, v2  }
0x287: {  	v1 =	vadd.f32 v2, v63  }
0x288: {  	v0 =	vadd.f32 v0, v35  }
0x289: {  	s31 =	sshll.u32 s3, $0x5;
	[tilespmem:$0x4490] =	vst v1  }
0x28a: {  	s5 =	simm.s32 $0x4480;
	s4 =	sadd.s32 s31, s2;
	[tilespmem:$0x4480] =	vst v0  }
0x28b: {  	[spmem:s4] =	stream.linear.scatter [tilespmem:s5], [sflag:$0x3], $0x20, $0x38;
	[tilespmem:$0x4720] =	vst v63  }
0x28c: {  	s4 =	simm.s32 $0x3  }
0x28d: {  	_ =	swait.ge [sflag:s4], $0x20  }
0x28e: {  	[sflag:s4] =	ssyncset.done $0x0  }
0x28f: {  	[sflag:s4] =	ssyncadd.s32 $0xFFFFFFE0  }
0x290: {  	p0 =	sne.s32 s3, $0x0;
	[bflag:$0x0] =	sbarrier.arrive $0xFFFF  }
0x291: {  	_ =	sfence.sel @p0 $0x180000  }
0x292: {  	[bflag:$0x0] =	sbarrier.arrive @p0 $0xFFFF  }
0x293: {  	_ =	strace @p0 $0x90000047  }
0x294: {  	[bflag:$0x2] =	sbarrier.arrive @p0 $0xFFFF  }
0x295: {  	_ =	shalt @p0  }
.LBB2_3:
0x296: {  	s3 =	simm.s32 $0x4500  }
0x297: {  	[tilespmem:s3], [sflag:$0x3] =	stream.linear.gather [spmem:s2], $0x200, $0x38;
	[tilespmem:$0x4720] =	vst v63  }
0x298: {  	_ =	swait.ge [sflag:s4], $0x200  }
0x299: {  	[sflag:s4] =	ssyncset.done $0x0  }
0x29a: {  	[sflag:s4] =	ssyncadd.s32 $0xFFFFFE00  }
0x29b: {  	v0 =	vld [tilespmem:$0x4500]  }
0x29c: {  	v1 =	vld [tilespmem:$0x4510]  }
0x29d: {  	v2 =	vld [tilespmem:$0x4520]  }
0x29e: {  	v3 =	vld [tilespmem:$0x4530]  }
0x29f: {  	v4 =	vld [tilespmem:$0x4540]  }
0x2a0: {  	v5 =	vld [tilespmem:$0x4550];
	v0 =	vadd.f32 $0.0e+00, v0  }
0x2a1: {  	v6 =	vld [tilespmem:$0x4560];
	v1 =	vadd.f32 $0.0e+00, v1  }
0x2a2: {  	v13 =	vld [tilespmem:$0x4570];
	v0 =	vadd.f32 v2, v0  }
0x2a3: {  	v14 =	vld [tilespmem:$0x4580];
	v1 =	vadd.f32 v3, v1  }
0x2a4: {  	v15 =	vld [tilespmem:$0x4590];
	v0 =	vadd.f32 v4, v0  }
0x2a5: {  	v16 =	vld [tilespmem:$0x45A0];
	v1 =	vadd.f32 v5, v1  }
0x2a6: {  	v17 =	vld [tilespmem:$0x45B0];
	v0 =	vadd.f32 v6, v0  }
0x2a7: {  	v18 =	vld [tilespmem:$0x45C0];
	v1 =	vadd.f32 v13, v1  }
0x2a8: {  	v19 =	vld [tilespmem:$0x45D0];
	v0 =	vadd.f32 v14, v0  }
0x2a9: {  	v20 =	vld [tilespmem:$0x45E0];
	v1 =	vadd.f32 v15, v1  }
0x2aa: {  	v21 =	vld [tilespmem:$0x45F0];
	v0 =	vadd.f32 v16, v0  }
0x2ab: {  	v22 =	vld [tilespmem:$0x4600];
	v1 =	vadd.f32 v17, v1  }
0x2ac: {  	v23 =	vld [tilespmem:$0x4610];
	v0 =	vadd.f32 v18, v0  }
0x2ad: {  	v24 =	vld [tilespmem:$0x4620];
	v1 =	vadd.f32 v19, v1  }
0x2ae: {  	v25 =	vld [tilespmem:$0x4630];
	v0 =	vadd.f32 v20, v0  }
0x2af: {  	v26 =	vld [tilespmem:$0x4640];
	v1 =	vadd.f32 v21, v1  }
0x2b0: {  	v27 =	vld [tilespmem:$0x4650];
	v0 =	vadd.f32 v22, v0  }
0x2b1: {  	v28 =	vld [tilespmem:$0x4660];
	v1 =	vadd.f32 v23, v1  }
0x2b2: {  	v29 =	vld [tilespmem:$0x4670];
	v0 =	vadd.f32 v24, v0  }
0x2b3: {  	v30 =	vld [tilespmem:$0x4680];
	v1 =	vadd.f32 v25, v1  }
0x2b4: {  	v34 =	vimm.s32 $0xEFCDAB89;
	v35 =	vimm.s32 $0x67452301;
	v31 =	vld [tilespmem:$0x4690];
	v0 =	vadd.f32 v26, v0  }
0x2b5: {  	v37 =	vimm.s32 $0x1A1B1819;
	v9 =	vimm.s32 $0x1E1F1C1D;
	v32 =	vld [tilespmem:$0x46A0];
	v1 =	vadd.f32 v27, v1  }
0x2b6: {  	v10 =	vimm.s32 $0x12131011;
	v11 =	vimm.s32 $0x16171415;
	v33 =	vld [tilespmem:$0x46B0];
	v0 =	vadd.f32 v28, v0  }
0x2b7: {  	v7 =	vld [tilespmem:$0x46C0];
	v3 =	vunpack.c.l.s4.s8 v34;
	v4 =	vunpack.c.l.s4.s8 v35;
	v1 =	vadd.f32 v29, v1  }
0x2b8: {  	v9 =	vunpack.c.0.s8.s32 v9;
	v10 =	vunpack.c.0.s8.s32 v10;
	v36 =	vld [tilespmem:$0x46D0];
	v0 =	vadd.f32 v30, v0  }
0x2b9: {  	v8 =	vld [tilespmem:$0x46E0];
	v3 =	vunpack.c.0.s8.s32 v3;
	v4 =	vunpack.c.0.s8.s32 v4;
	v1 =	vadd.f32 v31, v1  }
0x2ba: {  	v11 =	vunpack.c.0.s8.s32 v11;
	v12 =	vld [tilespmem:$0x46F0];
	v6 =	vunpack.c.0.s8.s32 v37;
	v0 =	vadd.f32 v32, v0  }
0x2bb: {  	vm0 =	vcmask $0x1F10;
	v38 =	vcombine.low v4, v3;
	v1 =	vadd.f32 v33, v1  }
0x2bc: {  	v40 =	vsel vm0, v11, v10;
	v39 =	vsel vm0, v9, v6;
	v0 =	vadd.f32 v7, v0  }
0x2bd: {  	v3 =	vcombine.low v40, v39;
	v2 =	vand.u32 $0xF, v38;
	v1 =	vadd.f32 v36, v1  }
0x2be: {  	v41 =	vimm.s32 $0xDCFE98BA;
	v0 =	vadd.f32 v8, v0  }
0x2bf: {  	v42 =	vimm.s32 $0x54761032;
	v43 =	vimm.s32 $0x19181B1A;
	v1 =	vadd.f32 v12, v1  }
0x2c0: {  	v44 =	vimm.s32 $0x1D1C1F1E;
	v5 =	vunpack.c.l.s4.s8 v42;
	v4 =	vunpack.c.l.s4.s8 v41;
	[tilespmem:$0x4480] =	vst v0  }
0x2c1: {  	v45 =	vimm.s32 $0x11101312;
	v46 =	vimm.s32 $0x15141716;
	[tilespmem:$0x4490] =	vst v1  }
0x2c2: {  	v5 =	vunpack.c.0.s8.s32 v5;
	v6 =	vunpack.c.0.s8.s32 v43;
	v4 =	vunpack.c.0.s8.s32 v4;
	v2 =	vld.idx.msk [tilespmem:v2+s5+$0x0], $0xffff  }
0x2c3: {  	v9 =	vunpack.c.0.s8.s32 v46;
	v7 =	vunpack.c.0.s8.s32 v44;
	v8 =	vunpack.c.0.s8.s32 v45;
	v3 =	vld.idx.msk [tilespmem:v3+s5+$0x0], $0xffff  }
0x2c4: {  	v4 =	vcombine.low v5, v4  }
0x2c5: {  	v47 =	vsel vm0, v7, v6;
	v48 =	vsel vm0, v9, v8  }
0x2c6: {  	v4 =	vand.u32 $0xF, v4;
	v5 =	vcombine.low v48, v47  }
0x2c7: {  	v49 =	vimm.s32 $0xBA98FEDC;
	v0 =	vadd.f32 v2, v0  }
0x2c8: {  	v50 =	vimm.s32 $0x32107654;
	v52 =	vimm.s32 $0x1F1E1D1C;
	v1 =	vadd.f32 v3, v1  }
0x2c9: {  	v53 =	vimm.s32 $0x1B1A1918;
	v51 =	vunpack.c.l.s4.s8 v50;
	v2 =	vunpack.c.l.s4.s8 v49;
	[tilespmem:$0x4480] =	vst v0  }
0x2ca: {  	v54 =	vimm.s32 $0x17161514;
	v55 =	vimm.s32 $0x13121110;
	[tilespmem:$0x4490] =	vst v1  }
0x2cb: {  	v6 =	vunpack.c.0.s8.s32 v52;
	v3 =	vunpack.c.0.s8.s32 v51;
	v2 =	vunpack.c.0.s8.s32 v2;
	v4 =	vld.idx.msk [tilespmem:v4+s5+$0x0], $0xffff  }
0x2cc: {  	v7 =	vunpack.c.0.s8.s32 v53;
	v8 =	vunpack.c.0.s8.s32 v54;
	v9 =	vunpack.c.0.s8.s32 v55;
	v5 =	vld.idx.msk [tilespmem:v5+s5+$0x0], $0xffff  }
0x2cd: {  	v2 =	vcombine.low v3, v2  }
0x2ce: {  	v56 =	vsel vm0, v7, v6;
	v57 =	vsel vm0, v9, v8  }
0x2cf: {  	v3 =	vcombine.low v57, v56;
	v2 =	vand.u32 $0xF, v2  }
0x2d0: {  	v0 =	vadd.f32 v4, v0  }
0x2d1: {  	v1 =	vadd.f32 v5, v1  }
0x2d2: {  	[tilespmem:$0x4480] =	vst v0  }
0x2d3: {  	[tilespmem:$0x4490] =	vst v1  }
0x2d4: {  	v2 =	vld.idx.msk [tilespmem:v2+s5+$0x0], $0xffff  }
0x2d5: {  	v3 =	vld.idx.msk [tilespmem:v3+s5+$0x0], $0xffff  }
0x2d6: {  	v59 =	vsel vm0, v6, v7;
	v58 =	vsel vm0, v8, v9  }
0x2d7: {  	v4 =	vcombine.low v59, v58;
	_ =	sdelay $0x1  }
0x2d8: {  	v0 =	vadd.f32 v2, v0  }
0x2d9: {  	v1 =	vadd.f32 v3, v1  }
0x2da: {  	v60 =	vimm.s32 $0xFEDCBA98;
	[tilespmem:$0x4480] =	vst v0  }
0x2db: {  	v61 =	vimm.s32 $0x76543210;
	v2 =	vunpack.c.l.s4.s8 v60;
	[tilespmem:$0x4490] =	vst v1  }
0x2dc: {  	v3 =	vunpack.c.l.s4.s8 v61;
	v4 =	vld.idx.msk [tilespmem:v4+s5+$0x0], $0xffff  }
0x2dd: {  	v2 =	vunpack.c.0.s8.s32 v2  }
0x2de: {  	v3 =	vunpack.c.0.s8.s32 v3  }
0x2df: {  	v2 =	vand.u32 $0xF, v2  }
0x2e0: {  	v2 =	vcombine.low v2, v3  }
0x2e1: {  	v1 =	vadd.f32 v4, v1;
	_ =	sdelay $0x1  }
0x2e2: {  	(erf) = vrcp.f32 v1;
	_ =	sdelay $0x2  }
0x2e3: {  	v62 =	vld.idx.msk [tilespmem:v2+s5+$0x0], $0xffff;
	_ =	sdelay $0x4  }
0x2e4: {  	v0 =	vadd.f32 v62, v0  }
0x2e5: {  	v63 =	vpop (erf)  }
0x2e6: {  	v0 =	vmul.f32 v63, v0;
	_ =	sdelay $0x1  }
0x2e7: {  	s31 =	simm.s32 $0x0;
	[tilespmem:$0x4480] =	vst v0  }
0x2e8: {  	[hbm4b:s1+s31] =	stream.linear.scatter [tilespmem:s5], [sflag:$0x3], $0x10, $0x38;
	[tilespmem:$0x4720] =	vst v63  }
0x2e9: {  	_ =	swait.ge [sflag:s4], $0x10  }
0x2ea: {  	[sflag:s4] =	ssyncset.done $0x0  }
0x2eb: {  	[sflag:s4] =	ssyncadd.s32 $0xFFFFFFF0  }
0x2ec: {  	_ =	sfence.sel $0x180000  }
0x2ed: {  	[bflag:$0x0] =	sbarrier.arrive $0xFFFF  }
0x2ee: {  	_ =	strace $0x90000047  }
0x2ef: {  	s0 =	sadd.s32 $0x100000, s0;
	[bflag:$0x2] =	sbarrier.arrive $0xFFFF  }
0x2f0: {  	[sflag:s0] =	ssyncadd.tile.s32 $0x1;
	_ =	shalt  }
.Lfunc_end2:
_tile_overlayer_lowered:
.L_overlay_start_2:
0x2f1: {  	(tag) =	ssettag $0x2  }
0x2f2: {  	s0 =	rddreg [dreg:$0x0];
	s2 =	stileid.u32  }
0x2f3: {  	s1 =	rddreg [dreg:$0x1];
	p0 =	sne.s32 s2, $0x0  }
0x2f4: {  	s3 =	rddreg [dreg:$0x2];
	[bflag:$0x3] =	sbarrier.arrive $0xFFFF;
	s2 =	simm.s32 @!p0 $0x1C03  }
0x2f5: {  	[timem:s3], [sflag:s2] =	dma.local @!p0 [hbm:s0], s1  }
0x2f6: {  	s0 =	simm.s32 @!p0 $0x3  }
0x2f7: {  	_ =	swait.ge @!p0 [sflag:s0], s1  }
0x2f8: {  	s1 =	ssub.s32 @!p0 $0x0, s1;
	[sflag:s0] =	ssyncset.done @!p0 $0x0  }
0x2f9: {  	[sflag:s0] =	ssyncadd.s32 @!p0 s1  }
0x2fa: {  	[bflag:$0x3] =	sbarrier.arrive $0xFFFF  }
0x2fb: {  	_ =	shalt  }

</sc_bundles>
